<compile_context>
chip_gen: v7x
topology: tpu7x:2x2x1
jax: 0.10.2.dev20260603
libtpu: 0.0.44.dev20260713+nightly
codegen_flags: <defaults>
</compile_context>

<pallas_src>
import jax
import jax.numpy as jnp
from jax import lax
from jax.experimental import pallas as pl
from jax.experimental.pallas import tpu as pltpu
from jax.experimental.pallas import tpu_sc as plsc

N = 10000
E = 320000
D = 128

NPAD = 10240
NROWS = NPAD // 128
NC = 2
NS = 16
NW = NC * NS
EROWS = E // 128
RPT = EROWS // NW
REM = EROWS - NW * RPT
RMAX = RPT + 1
GRP = 6
SLICE = NPAD // NS


def _rowsum_body(x_ref, o_ref):
    o_ref[...] = jnp.sum(x_ref[...], axis=1).reshape(16, 128)


_rowsum = pl.pallas_call(
    _rowsum_body,
    grid=(NPAD // 2048,),
    in_specs=[pl.BlockSpec((2048, D), lambda i: (i, 0))],
    out_specs=pl.BlockSpec((16, 128), lambda i: (i, 0)),
    out_shape=jax.ShapeDtypeStruct((NROWS, 128), jnp.float32),
)


def _edge_body(s_hbm, sd_hbm, w_hbm, t0_out, t1_out, c0_out, c1_out,
               s_v, sd_v, w_v, msg_v, ones_v, zb_v,
               t_sh, c_sh, sem, scat_sem):
    cid = lax.axis_index("c")
    sid = lax.axis_index("s")
    wid = sid * NC + cid

    r_lo = RPT * wid + jnp.minimum(wid, REM)
    start = jnp.minimum(r_lo, EROWS - RMAX)
    roff = r_lo - start

    cps = [
        pltpu.async_copy(s_hbm, s_v, sem),
        pltpu.async_copy(sd_hbm.at[pl.ds(start, RMAX)], sd_v, sem),
        pltpu.async_copy(w_hbm.at[pl.ds(start * 128, RMAX * 128)], w_v, sem),
    ]

    for i in range(128 // 16):
        ones_v[pl.ds(i * 16, 16)] = jnp.ones((16,), jnp.float32)

    def zbody(i, c):
        zb_v[pl.ds(i * 16, 16)] = jnp.zeros((16,), jnp.float32)
        return c
    lax.fori_loop(0, SLICE // 16, zbody, 0)
    pltpu.sync_copy(zb_v, t_sh.at[pl.ds(sid * SLICE, SLICE)])
    pltpu.sync_copy(zb_v, c_sh.at[pl.ds(sid * SLICE, SLICE)])
    for cp in cps:
        cp.wait()
    plsc.subcore_barrier()

    def scat_pair(r):
        c1 = pltpu.make_async_copy(msg_v.at[pl.ds(r * 128, 128)],
                                   t_sh.at[sd_v.at[r, 1]], scat_sem)
        c2 = pltpu.make_async_copy(ones_v, c_sh.at[sd_v.at[r, 1]], scat_sem)
        return c1, c2

    def do_row(r):
        srcs = [sd_v[r, 0, pl.ds(k * 16, 16)] for k in range(8)]
        vals = [plsc.load_gather(s_v, [lax.shift_right_logical(s16, 7),
                                       lax.bitwise_and(s16, 127)])
                for s16 in srcs]
        ws = [w_v[pl.ds(r * 128 + k * 16, 16)] for k in range(8)]
        for k in range(8):
            msg_v[pl.ds(r * 128 + k * 16, 16)] = vals[k] * ws[k]
        c1, c2 = scat_pair(r)
        c1.start(add=True)
        c2.start(add=True)

    def gbody(g, c):
        for i in range(GRP):
            do_row(roff + g * GRP + i)

        @pl.when(g > 0)
        def _():
            for i in range(GRP):
                p1, p2 = scat_pair(roff + (g - 1) * GRP + i)
                p1.wait()
                p2.wait()
        return c
    lax.fori_loop(0, RPT // GRP, gbody, 0)
    for i in range(GRP):
        f1, f2 = scat_pair(roff + RPT - GRP + i)
        f1.wait()
        f2.wait()

    @pl.when(wid < REM)
    def _():
        do_row(roff + RPT)
        e1, e2 = scat_pair(roff + RPT)
        e1.wait()
        e2.wait()
    plsc.subcore_barrier()

    off = sid * SLICE

    @pl.when(cid == 0)
    def _():
        cpo1 = pltpu.async_copy(t_sh.at[pl.ds(off, SLICE)],
                                t0_out.at[pl.ds(off, SLICE)], sem)
        cpo2 = pltpu.async_copy(c_sh.at[pl.ds(off, SLICE)],
                                c0_out.at[pl.ds(off, SLICE)], sem)
        cpo1.wait()
        cpo2.wait()

    @pl.when(cid == 1)
    def _():
        cpo1 = pltpu.async_copy(t_sh.at[pl.ds(off, SLICE)],
                                t1_out.at[pl.ds(off, SLICE)], sem)
        cpo2 = pltpu.async_copy(c_sh.at[pl.ds(off, SLICE)],
                                c1_out.at[pl.ds(off, SLICE)], sem)
        cpo1.wait()
        cpo2.wait()


_edge_call = pl.kernel(
    _edge_body,
    out_type=[jax.ShapeDtypeStruct((NPAD,), jnp.float32)] * 4,
    mesh=plsc.VectorSubcoreMesh(core_axis_name="c", subcore_axis_name="s",
                                num_cores=NC, num_subcores=NS),
    scratch_types=[
        pltpu.VMEM((NROWS, 128), jnp.float32),
        pltpu.VMEM((RMAX, 2, 128), jnp.int32),
        pltpu.VMEM((RMAX * 128,), jnp.float32),
        pltpu.VMEM((RMAX * 128,), jnp.float32),
        pltpu.VMEM((128,), jnp.float32),
        pltpu.VMEM((SLICE,), jnp.float32),
        pltpu.VMEM_SHARED((NPAD,), jnp.float32),
        pltpu.VMEM_SHARED((NPAD,), jnp.float32),
        pltpu.SemaphoreType.DMA,
        pltpu.SemaphoreType.DMA,
    ],
    compiler_params=pltpu.CompilerParams(needs_layout_passes=False),
)


def _final_body(s_ref, t0_ref, t1_ref, c0_ref, c1_ref, o_ref):
    t = t0_ref[...] + t1_ref[...]
    c = jnp.maximum(c0_ref[...] + c1_ref[...], 1.0)
    o_ref[...] = jnp.abs(s_ref[...] - t / c)


_final = pl.pallas_call(
    _final_body,
    out_shape=jax.ShapeDtypeStruct((NROWS, 128), jnp.float32),
)


def kernel(x, edge_index, edge_weights):
    s2d = _rowsum(x)
    sd = edge_index.reshape(2, EROWS, 128).transpose(1, 0, 2)

    t0, t1, c0, c1 = _edge_call(s2d, sd, edge_weights)

    info2d = _final(s2d, t0.reshape(NROWS, 128), t1.reshape(NROWS, 128),
                    c0.reshape(NROWS, 128), c1.reshape(NROWS, 128))
    return info2d.reshape(NPAD)[:N]

# --- scband reference (transcript-rebuilt; emitter-appended) ---
"""Pipeline reference for scband-node-information-score-52312701665803 (READ-ONLY COPY).

The authoritative reference and input builder live on the scoring server;
editing this copy changes nothing except your own understanding.
"""

import jax, jax.numpy as jnp
import numpy as np

N = 10000
E = 320000
D = 128

def setup_inputs(seed: int = 0) -> dict:
    key = jax.random.key(seed)
    k1, k2, k3 = jax.random.split(key, 3)
    x = jax.random.normal(k1, (N, D), dtype=jnp.float32)
    edge_index = jax.random.randint(k2, (2, E), 0, N, dtype=jnp.int32)
    edge_weights = jax.random.uniform(k3, (E,), dtype=jnp.float32)
    return {"x": x, "edge_index": edge_index, "edge_weights": edge_weights}

def reference(x, edge_index, edge_weights):
    # DGL semantics: msg = x[src] * w_e ; h1 = mean of incoming msgs per dst node
    # (nodes with zero in-degree get h1 = 0, matching dgl.function.mean)
    src = edge_index[0]
    dst = edge_index[1]
    msg = jnp.take(x, src, axis=0) * edge_weights[:, None]
    msg_sum = jax.ops.segment_sum(msg, dst, num_segments=N)
    deg = jax.ops.segment_sum(jnp.ones((E,), dtype=x.dtype), dst, num_segments=N)
    h1 = msg_sum / jnp.maximum(deg, 1.0)[:, None]
    # apply_nodes: info = h - h1 ; then info = abs(sum(info, -1))
    info = jnp.abs(jnp.sum(x - h1, axis=-1))
    return info

if __name__ == "__main__":
    import jax
    _d = setup_inputs()
    print(jax.jit(kernel)(*tuple(_d.values())))

</pallas_src>

<mosaic_0001>
#map = affine_map<(d0, d1) -> (0, 0)>
#map1 = affine_map<(d0, d1) -> (0, 0, 0)>
#map2 = affine_map<(d0, d1) -> (0)>
module attributes {stable_mosaic.version = 14 : i64} {
  func.func @_edge_body(%arg0: i32, %arg1: i32, %arg2: memref<80x128xf32, #tpu.memory_space<hbm>>, %arg3: memref<2500x2x128xi32, #tpu.memory_space<hbm>>, %arg4: memref<320000xf32, #tpu.memory_space<hbm>>, %arg5: memref<10240xf32, #tpu.memory_space<hbm>>, %arg6: memref<10240xf32, #tpu.memory_space<hbm>>, %arg7: memref<10240xf32, #tpu.memory_space<hbm>>, %arg8: memref<10240xf32, #tpu.memory_space<hbm>>, %arg9: memref<80x128xf32, #tpu.memory_space<vmem>>, %arg10: memref<79x2x128xi32, #tpu.memory_space<vmem>>, %arg11: memref<10112xf32, #tpu.memory_space<vmem>>, %arg12: memref<10112xf32, #tpu.memory_space<vmem>>, %arg13: memref<128xf32, #tpu.memory_space<vmem>>, %arg14: memref<640xf32, #tpu.memory_space<vmem>>, %arg15: memref<10240xf32, #tpu.memory_space<vmem_shared>>, %arg16: memref<10240xf32, #tpu.memory_space<vmem_shared>>, %arg17: memref<!tpu.dma_semaphore, #tpu.memory_space<semaphore_mem>>, %arg18: memref<!tpu.dma_semaphore, #tpu.memory_space<semaphore_mem>>) attributes {dimension_semantics = [#tpu.dimension_semantics<core_parallel>, #tpu.dimension_semantics<subcore_parallel>], iteration_bounds = array<i64: 2, 16>, scalar_prefetch = 0 : i64, scratch_operands = 10 : i64, tpu.core_type = #tpu.core_type<sc_vector_subcore>, window_params = [{transform_indices = #map}, {transform_indices = #map1}, {transform_indices = #map2}, {transform_indices = #map2}, {transform_indices = #map2}, {transform_indices = #map2}, {transform_indices = #map2}]} {
    %mul3A = arith.constant 2 : i32
    %mul3A_0 = arith.muli %arg1, %mul3A : i32
    %add3A = arith.addi %mul3A_0, %arg0 : i32
    %mul3A_1 = arith.constant 78 : i32
    %mul3A_2 = arith.muli %mul3A_1, %add3A : i32
    %min3A = arith.constant 4 : i32
    %min3A_3 = arith.minsi %add3A, %min3A : i32
    %add3A_4 = arith.addi %mul3A_2, %min3A_3 : i32
    %min3A_5 = arith.constant 2421 : i32
    %min3A_6 = arith.minsi %add3A_4, %min3A_5 : i32
    %sub3A = arith.subi %add3A_4, %min3A_6 : i32
    tpu.enqueue_dma source(%arg2 : memref<80x128xf32, #tpu.memory_space<hbm>>) target(%arg9 : memref<80x128xf32, #tpu.memory_space<vmem>>) target_semaphore(%arg17 : memref<!tpu.dma_semaphore, #tpu.memory_space<semaphore_mem>>)
    %dma_start3A = arith.constant 0 : i32
    %dma_start3A_7 = arith.constant 0 : i32
    %dma_start3A_8 = tpu.memref_slice %arg3[%min3A_6, %dma_start3A, %dma_start3A_7] : memref<2500x2x128xi32, #tpu.memory_space<hbm>> -> memref<79x2x128xi32, #tpu.memory_space<hbm>>
    %dma_start3A_9 = arith.constant 0 : i32
    %dma_start3A_10 = arith.constant 0 : i32
    %dma_start3A_11 = tpu.memref_slice %arg3[%min3A_6, %dma_start3A_9, %dma_start3A_10] : memref<2500x2x128xi32, #tpu.memory_space<hbm>> -> memref<79x2x128xi32, #tpu.memory_space<hbm>>
    tpu.enqueue_dma source(%dma_start3A_11 : memref<79x2x128xi32, #tpu.memory_space<hbm>>) target(%arg10 : memref<79x2x128xi32, #tpu.memory_space<vmem>>) target_semaphore(%arg17 : memref<!tpu.dma_semaphore, #tpu.memory_space<semaphore_mem>>)
    %mul3A_12 = arith.constant 128 : i32
    %mul3A_13 = arith.muli %min3A_6, %mul3A_12 : i32
    %dma_start3A_14 = tpu.memref_slice %arg4[%mul3A_13] : memref<320000xf32, #tpu.memory_space<hbm>> -> memref<10112xf32, #tpu.memory_space<hbm>>
    %dma_start3A_15 = tpu.memref_slice %arg4[%mul3A_13] : memref<320000xf32, #tpu.memory_space<hbm>> -> memref<10112xf32, #tpu.memory_space<hbm>>
    tpu.enqueue_dma source(%dma_start3A_15 : memref<10112xf32, #tpu.memory_space<hbm>>) target(%arg11 : memref<10112xf32, #tpu.memory_space<vmem>>) target_semaphore(%arg17 : memref<!tpu.dma_semaphore, #tpu.memory_space<semaphore_mem>>)
    %broadcast_in_dim3A = arith.constant 1.000000e+00 : f32
    %broadcast_in_dim3A_16 = vector.broadcast %broadcast_in_dim3A : f32 to vector<16xf32>
    %swap3A = arith.constant 0 : index
    %swap3A_17 = tpu.vector_load %arg13[%swap3A] {strides = array<i32>} : memref<128xf32, #tpu.memory_space<vmem>>, vector<16xf32>,
    tpu.vector_store %arg13[%swap3A], %broadcast_in_dim3A_16 {strides = array<i32>} : memref<128xf32, #tpu.memory_space<vmem>>, vector<16xf32>,
    %broadcast_in_dim3A_18 = arith.constant 1.000000e+00 : f32
    %broadcast_in_dim3A_19 = vector.broadcast %broadcast_in_dim3A_18 : f32 to vector<16xf32>
    %swap3A_20 = arith.constant 16 : index
    %swap3A_21 = tpu.vector_load %arg13[%swap3A_20] {strides = array<i32>} : memref<128xf32, #tpu.memory_space<vmem>>, vector<16xf32>,
    tpu.vector_store %arg13[%swap3A_20], %broadcast_in_dim3A_19 {strides = array<i32>} : memref<128xf32, #tpu.memory_space<vmem>>, vector<16xf32>,
    %broadcast_in_dim3A_22 = arith.constant 1.000000e+00 : f32
    %broadcast_in_dim3A_23 = vector.broadcast %broadcast_in_dim3A_22 : f32 to vector<16xf32>
    %swap3A_24 = arith.constant 32 : index
    %swap3A_25 = tpu.vector_load %arg13[%swap3A_24] {strides = array<i32>} : memref<128xf32, #tpu.memory_space<vmem>>, vector<16xf32>,
    tpu.vector_store %arg13[%swap3A_24], %broadcast_in_dim3A_23 {strides = array<i32>} : memref<128xf32, #tpu.memory_space<vmem>>, vector<16xf32>,
    %broadcast_in_dim3A_26 = arith.constant 1.000000e+00 : f32
    %broadcast_in_dim3A_27 = vector.broadcast %broadcast_in_dim3A_26 : f32 to vector<16xf32>
    %swap3A_28 = arith.constant 48 : index
    %swap3A_29 = tpu.vector_load %arg13[%swap3A_28] {strides = array<i32>} : memref<128xf32, #tpu.memory_space<vmem>>, vector<16xf32>,
    tpu.vector_store %arg13[%swap3A_28], %broadcast_in_dim3A_27 {strides = array<i32>} : memref<128xf32, #tpu.memory_space<vmem>>, vector<16xf32>,
    %broadcast_in_dim3A_30 = arith.constant 1.000000e+00 : f32
    %broadcast_in_dim3A_31 = vector.broadcast %broadcast_in_dim3A_30 : f32 to vector<16xf32>
    %swap3A_32 = arith.constant 64 : index
    %swap3A_33 = tpu.vector_load %arg13[%swap3A_32] {strides = array<i32>} : memref<128xf32, #tpu.memory_space<vmem>>, vector<16xf32>,
    tpu.vector_store %arg13[%swap3A_32], %broadcast_in_dim3A_31 {strides = array<i32>} : memref<128xf32, #tpu.memory_space<vmem>>, vector<16xf32>,
    %broadcast_in_dim3A_34 = arith.constant 1.000000e+00 : f32
    %broadcast_in_dim3A_35 = vector.broadcast %broadcast_in_dim3A_34 : f32 to vector<16xf32>
    %swap3A_36 = arith.constant 80 : index
    %swap3A_37 = tpu.vector_load %arg13[%swap3A_36] {strides = array<i32>} : memref<128xf32, #tpu.memory_space<vmem>>, vector<16xf32>,
    tpu.vector_store %arg13[%swap3A_36], %broadcast_in_dim3A_35 {strides = array<i32>} : memref<128xf32, #tpu.memory_space<vmem>>, vector<16xf32>,
    %broadcast_in_dim3A_38 = arith.constant 1.000000e+00 : f32
    %broadcast_in_dim3A_39 = vector.broadcast %broadcast_in_dim3A_38 : f32 to vector<16xf32>
    %swap3A_40 = arith.constant 96 : index
    %swap3A_41 = tpu.vector_load %arg13[%swap3A_40] {strides = array<i32>} : memref<128xf32, #tpu.memory_space<vmem>>, vector<16xf32>,
    tpu.vector_store %arg13[%swap3A_40], %broadcast_in_dim3A_39 {strides = array<i32>} : memref<128xf32, #tpu.memory_space<vmem>>, vector<16xf32>,
    %broadcast_in_dim3A_42 = arith.constant 1.000000e+00 : f32
    %broadcast_in_dim3A_43 = vector.broadcast %broadcast_in_dim3A_42 : f32 to vector<16xf32>
    %swap3A_44 = arith.constant 112 : index
    %swap3A_45 = tpu.vector_load %arg13[%swap3A_44] {strides = array<i32>} : memref<128xf32, #tpu.memory_space<vmem>>, vector<16xf32>,
    tpu.vector_store %arg13[%swap3A_44], %broadcast_in_dim3A_43 {strides = array<i32>} : memref<128xf32, #tpu.memory_space<vmem>>, vector<16xf32>,
    %scan3A = arith.constant 0 : i32
    %scan3A_46 = arith.constant 0 : i32
    %scan3A_47 = arith.constant 40 : i32
    %scan3A_48 = arith.addi %scan3A_46, %scan3A_47 : i32
    %scan3A_49 = arith.constant 1 : i32
    scf.for %scan3A_208 = %scan3A_46 to %scan3A_48 step %scan3A_49  : i32 {
      %broadcast_in_dim3A_209 = arith.constant 0.000000e+00 : f32
      %broadcast_in_dim3A_210 = vector.broadcast %broadcast_in_dim3A_209 : f32 to vector<16xf32>
      %mul3A_211 = arith.constant 16 : i32
      %mul3A_212 = arith.muli %scan3A_208, %mul3A_211 : i32
      %swap3A_213 = arith.index_cast %mul3A_212 : i32 to index
      %swap3A_214 = tpu.vector_load %arg14[%swap3A_213] {strides = array<i32>} : memref<640xf32, #tpu.memory_space<vmem>>, vector<16xf32>,
      tpu.vector_store %arg14[%swap3A_213], %broadcast_in_dim3A_210 {strides = array<i32>} : memref<640xf32, #tpu.memory_space<vmem>>, vector<16xf32>,
    }
    %scan3A_50 = arith.constant 40 : i32
    %mul3A_51 = arith.constant 640 : i32
    %mul3A_52 = arith.muli %arg1, %mul3A_51 : i32
    "tpu.region"() ({
      %run_scoped3A = tpu.sem_alloc : memref<!tpu.dma_semaphore, #tpu.memory_space<semaphore_mem>>
      %dma_start3A_208 = tpu.memref_slice %arg15[%mul3A_52] : memref<10240xf32, #tpu.memory_space<vmem_shared>> -> memref<640xf32, #tpu.memory_space<vmem_shared>>
      %dma_start3A_209 = tpu.memref_slice %arg15[%mul3A_52] : memref<10240xf32, #tpu.memory_space<vmem_shared>> -> memref<640xf32, #tpu.memory_space<vmem_shared>>
      tpu.enqueue_dma source(%arg14 : memref<640xf32, #tpu.memory_space<vmem>>) target(%dma_start3A_209 : memref<640xf32, #tpu.memory_space<vmem_shared>>) target_semaphore(%run_scoped3A : memref<!tpu.dma_semaphore, #tpu.memory_space<semaphore_mem>>)
      %dma_wait3A_210 = tpu.memref_slice %arg15[%mul3A_52] : memref<10240xf32, #tpu.memory_space<vmem_shared>> -> memref<640xf32, #tpu.memory_space<vmem_shared>>
      %dma_wait3A_211 = tpu.memref_slice %arg15[%mul3A_52] : memref<10240xf32, #tpu.memory_space<vmem_shared>> -> memref<640xf32, #tpu.memory_space<vmem_shared>>
      tpu.wait_dma2 semaphore(%run_scoped3A : memref<!tpu.dma_semaphore, #tpu.memory_space<semaphore_mem>>) src(%arg14 : memref<640xf32, #tpu.memory_space<vmem>>) dst(%dma_wait3A_211 : memref<640xf32, #tpu.memory_space<vmem_shared>>)
      tpu.yield
    }) : () -> ()
    %mul3A_53 = arith.constant 640 : i32
    %mul3A_54 = arith.muli %arg1, %mul3A_53 : i32
    "tpu.region"() ({
      %run_scoped3A = tpu.sem_alloc : memref<!tpu.dma_semaphore, #tpu.memory_space<semaphore_mem>>
      %dma_start3A_208 = tpu.memref_slice %arg16[%mul3A_54] : memref<10240xf32, #tpu.memory_space<vmem_shared>> -> memref<640xf32, #tpu.memory_space<vmem_shared>>
      %dma_start3A_209 = tpu.memref_slice %arg16[%mul3A_54] : memref<10240xf32, #tpu.memory_space<vmem_shared>> -> memref<640xf32, #tpu.memory_space<vmem_shared>>
      tpu.enqueue_dma source(%arg14 : memref<640xf32, #tpu.memory_space<vmem>>) target(%dma_start3A_209 : memref<640xf32, #tpu.memory_space<vmem_shared>>) target_semaphore(%run_scoped3A : memref<!tpu.dma_semaphore, #tpu.memory_space<semaphore_mem>>)
      %dma_wait3A_210 = tpu.memref_slice %arg16[%mul3A_54] : memref<10240xf32, #tpu.memory_space<vmem_shared>> -> memref<640xf32, #tpu.memory_space<vmem_shared>>
      %dma_wait3A_211 = tpu.memref_slice %arg16[%mul3A_54] : memref<10240xf32, #tpu.memory_space<vmem_shared>> -> memref<640xf32, #tpu.memory_space<vmem_shared>>
      tpu.wait_dma2 semaphore(%run_scoped3A : memref<!tpu.dma_semaphore, #tpu.memory_space<semaphore_mem>>) src(%arg14 : memref<640xf32, #tpu.memory_space<vmem>>) dst(%dma_wait3A_211 : memref<640xf32, #tpu.memory_space<vmem_shared>>)
      tpu.yield
    }) : () -> ()
    tpu.wait_dma2 semaphore(%arg17 : memref<!tpu.dma_semaphore, #tpu.memory_space<semaphore_mem>>) src(%arg2 : memref<80x128xf32, #tpu.memory_space<hbm>>) dst(%arg9 : memref<80x128xf32, #tpu.memory_space<vmem>>)
    %dma_wait3A = arith.constant 0 : i32
    %dma_wait3A_55 = arith.constant 0 : i32
    %dma_wait3A_56 = tpu.memref_slice %arg3[%min3A_6, %dma_wait3A, %dma_wait3A_55] : memref<2500x2x128xi32, #tpu.memory_space<hbm>> -> memref<79x2x128xi32, #tpu.memory_space<hbm>>
    %dma_wait3A_57 = arith.constant 0 : i32
    %dma_wait3A_58 = arith.constant 0 : i32
    %dma_wait3A_59 = tpu.memref_slice %arg3[%min3A_6, %dma_wait3A_57, %dma_wait3A_58] : memref<2500x2x128xi32, #tpu.memory_space<hbm>> -> memref<79x2x128xi32, #tpu.memory_space<hbm>>
    tpu.wait_dma2 semaphore(%arg17 : memref<!tpu.dma_semaphore, #tpu.memory_space<semaphore_mem>>) src(%dma_wait3A_59 : memref<79x2x128xi32, #tpu.memory_space<hbm>>) dst(%arg10 : memref<79x2x128xi32, #tpu.memory_space<vmem>>)
    %dma_wait3A_60 = tpu.memref_slice %arg4[%mul3A_13] : memref<320000xf32, #tpu.memory_space<hbm>> -> memref<10112xf32, #tpu.memory_space<hbm>>
    %dma_wait3A_61 = tpu.memref_slice %arg4[%mul3A_13] : memref<320000xf32, #tpu.memory_space<hbm>> -> memref<10112xf32, #tpu.memory_space<hbm>>
    tpu.wait_dma2 semaphore(%arg17 : memref<!tpu.dma_semaphore, #tpu.memory_space<semaphore_mem>>) src(%dma_wait3A_61 : memref<10112xf32, #tpu.memory_space<hbm>>) dst(%arg11 : memref<10112xf32, #tpu.memory_space<vmem>>)
    %barrier3A = arith.constant 0 : index
    tpu.barrier barrier_id(%barrier3A)
    %scan3A_62 = arith.constant 0 : i32
    %scan3A_63 = arith.constant 0 : i32
    %scan3A_64 = arith.constant 13 : i32
    %scan3A_65 = arith.addi %scan3A_63, %scan3A_64 : i32
    %scan3A_66 = arith.constant 1 : i32
    scf.for %scan3A_208 = %scan3A_63 to %scan3A_65 step %scan3A_66  : i32 {
      %mul3A_209 = arith.constant 6 : i32
      %mul3A_210 = arith.muli %scan3A_208, %mul3A_209 : i32
      %add3A_211 = arith.addi %sub3A, %mul3A_210 : i32
      %add3A_212 = arith.constant 0 : i32
      %add3A_213 = arith.addi %add3A_211, %add3A_212 : i32
      %get3A = arith.constant 0 : i32
      %get3A_214 = arith.index_cast %add3A_213 : i32 to index
      %get3A_215 = arith.index_cast %get3A : i32 to index
      %get3A_216 = arith.constant 0 : index
      %get3A_217 = tpu.vector_load %arg10[%get3A_214, %get3A_215, %get3A_216] {strides = array<i32>} : memref<79x2x128xi32, #tpu.memory_space<vmem>>, vector<16xi32>,
      %get3A_218 = arith.constant 0 : i32
      %get3A_219 = arith.index_cast %add3A_213 : i32 to index
      %get3A_220 = arith.index_cast %get3A_218 : i32 to index
      %get3A_221 = arith.constant 16 : index
      %get3A_222 = tpu.vector_load %arg10[%get3A_219, %get3A_220, %get3A_221] {strides = array<i32>} : memref<79x2x128xi32, #tpu.memory_space<vmem>>, vector<16xi32>,
      %get3A_223 = arith.constant 0 : i32
      %get3A_224 = arith.index_cast %add3A_213 : i32 to index
      %get3A_225 = arith.index_cast %get3A_223 : i32 to index
      %get3A_226 = arith.constant 32 : index
      %get3A_227 = tpu.vector_load %arg10[%get3A_224, %get3A_225, %get3A_226] {strides = array<i32>} : memref<79x2x128xi32, #tpu.memory_space<vmem>>, vector<16xi32>,
      %get3A_228 = arith.constant 0 : i32
      %get3A_229 = arith.index_cast %add3A_213 : i32 to index
      %get3A_230 = arith.index_cast %get3A_228 : i32 to index
      %get3A_231 = arith.constant 48 : index
      %get3A_232 = tpu.vector_load %arg10[%get3A_229, %get3A_230, %get3A_231] {strides = array<i32>} : memref<79x2x128xi32, #tpu.memory_space<vmem>>, vector<16xi32>,
      %get3A_233 = arith.constant 0 : i32
      %get3A_234 = arith.index_cast %add3A_213 : i32 to index
      %get3A_235 = arith.index_cast %get3A_233 : i32 to index
      %get3A_236 = arith.constant 64 : index
      %get3A_237 = tpu.vector_load %arg10[%get3A_234, %get3A_235, %get3A_236] {strides = array<i32>} : memref<79x2x128xi32, #tpu.memory_space<vmem>>, vector<16xi32>,
      %get3A_238 = arith.constant 0 : i32
      %get3A_239 = arith.index_cast %add3A_213 : i32 to index
      %get3A_240 = arith.index_cast %get3A_238 : i32 to index
      %get3A_241 = arith.constant 80 : index
      %get3A_242 = tpu.vector_load %arg10[%get3A_239, %get3A_240, %get3A_241] {strides = array<i32>} : memref<79x2x128xi32, #tpu.memory_space<vmem>>, vector<16xi32>,
      %get3A_243 = arith.constant 0 : i32
      %get3A_244 = arith.index_cast %add3A_213 : i32 to index
      %get3A_245 = arith.index_cast %get3A_243 : i32 to index
      %get3A_246 = arith.constant 96 : index
      %get3A_247 = tpu.vector_load %arg10[%get3A_244, %get3A_245, %get3A_246] {strides = array<i32>} : memref<79x2x128xi32, #tpu.memory_space<vmem>>, vector<16xi32>,
      %get3A_248 = arith.constant 0 : i32
      %get3A_249 = arith.index_cast %add3A_213 : i32 to index
      %get3A_250 = arith.index_cast %get3A_248 : i32 to index
      %get3A_251 = arith.constant 112 : index
      %get3A_252 = tpu.vector_load %arg10[%get3A_249, %get3A_250, %get3A_251] {strides = array<i32>} : memref<79x2x128xi32, #tpu.memory_space<vmem>>, vector<16xi32>,
      %shift_right_logical3A = arith.constant 7 : i32
      %shift_right_logical3A_253 = vector.broadcast %shift_right_logical3A : i32 to vector<16xi32>
      %shift_right_logical3A_254 = arith.shrui %get3A_217, %shift_right_logical3A_253 : vector<16xi32>
      %and3A = arith.constant 127 : i32
      %and3A_255 = vector.broadcast %and3A : i32 to vector<16xi32>
      %and3A_256 = arith.andi %get3A_217, %and3A_255 : vector<16xi32>
      %gather3A = tpu.vector_load_idx %arg9[%shift_right_logical3A_254, %and3A_256] : memref<80x128xf32, #tpu.memory_space<vmem>>[vector<16xi32>, vector<16xi32>], vector<16xf32>,
      %shift_right_logical3A_257 = arith.constant 7 : i32
      %shift_right_logical3A_258 = vector.broadcast %shift_right_logical3A_257 : i32 to vector<16xi32>
      %shift_right_logical3A_259 = arith.shrui %get3A_222, %shift_right_logical3A_258 : vector<16xi32>
      %and3A_260 = arith.constant 127 : i32
      %and3A_261 = vector.broadcast %and3A_260 : i32 to vector<16xi32>
      %and3A_262 = arith.andi %get3A_222, %and3A_261 : vector<16xi32>
      %gather3A_263 = tpu.vector_load_idx %arg9[%shift_right_logical3A_259, %and3A_262] : memref<80x128xf32, #tpu.memory_space<vmem>>[vector<16xi32>, vector<16xi32>], vector<16xf32>,
      %shift_right_logical3A_264 = arith.constant 7 : i32
      %shift_right_logical3A_265 = vector.broadcast %shift_right_logical3A_264 : i32 to vector<16xi32>
      %shift_right_logical3A_266 = arith.shrui %get3A_227, %shift_right_logical3A_265 : vector<16xi32>
      %and3A_267 = arith.constant 127 : i32
      %and3A_268 = vector.broadcast %and3A_267 : i32 to vector<16xi32>
      %and3A_269 = arith.andi %get3A_227, %and3A_268 : vector<16xi32>
      %gather3A_270 = tpu.vector_load_idx %arg9[%shift_right_logical3A_266, %and3A_269] : memref<80x128xf32, #tpu.memory_space<vmem>>[vector<16xi32>, vector<16xi32>], vector<16xf32>,
      %shift_right_logical3A_271 = arith.constant 7 : i32
      %shift_right_logical3A_272 = vector.broadcast %shift_right_logical3A_271 : i32 to vector<16xi32>
      %shift_right_logical3A_273 = arith.shrui %get3A_232, %shift_right_logical3A_272 : vector<16xi32>
      %and3A_274 = arith.constant 127 : i32
      %and3A_275 = vector.broadcast %and3A_274 : i32 to vector<16xi32>
      %and3A_276 = arith.andi %get3A_232, %and3A_275 : vector<16xi32>
      %gather3A_277 = tpu.vector_load_idx %arg9[%shift_right_logical3A_273, %and3A_276] : memref<80x128xf32, #tpu.memory_space<vmem>>[vector<16xi32>, vector<16xi32>], vector<16xf32>,
      %shift_right_logical3A_278 = arith.constant 7 : i32
      %shift_right_logical3A_279 = vector.broadcast %shift_right_logical3A_278 : i32 to vector<16xi32>
      %shift_right_logical3A_280 = arith.shrui %get3A_237, %shift_right_logical3A_279 : vector<16xi32>
      %and3A_281 = arith.constant 127 : i32
      %and3A_282 = vector.broadcast %and3A_281 : i32 to vector<16xi32>
      %and3A_283 = arith.andi %get3A_237, %and3A_282 : vector<16xi32>
      %gather3A_284 = tpu.vector_load_idx %arg9[%shift_right_logical3A_280, %and3A_283] : memref<80x128xf32, #tpu.memory_space<vmem>>[vector<16xi32>, vector<16xi32>], vector<16xf32>,
      %shift_right_logical3A_285 = arith.constant 7 : i32
      %shift_right_logical3A_286 = vector.broadcast %shift_right_logical3A_285 : i32 to vector<16xi32>
      %shift_right_logical3A_287 = arith.shrui %get3A_242, %shift_right_logical3A_286 : vector<16xi32>
      %and3A_288 = arith.constant 127 : i32
      %and3A_289 = vector.broadcast %and3A_288 : i32 to vector<16xi32>
      %and3A_290 = arith.andi %get3A_242, %and3A_289 : vector<16xi32>
      %gather3A_291 = tpu.vector_load_idx %arg9[%shift_right_logical3A_287, %and3A_290] : memref<80x128xf32, #tpu.memory_space<vmem>>[vector<16xi32>, vector<16xi32>], vector<16xf32>,
      %shift_right_logical3A_292 = arith.constant 7 : i32
      %shift_right_logical3A_293 = vector.broadcast %shift_right_logical3A_292 : i32 to vector<16xi32>
      %shift_right_logical3A_294 = arith.shrui %get3A_247, %shift_right_logical3A_293 : vector<16xi32>
      %and3A_295 = arith.constant 127 : i32
      %and3A_296 = vector.broadcast %and3A_295 : i32 to vector<16xi32>
      %and3A_297 = arith.andi %get3A_247, %and3A_296 : vector<16xi32>
      %gather3A_298 = tpu.vector_load_idx %arg9[%shift_right_logical3A_294, %and3A_297] : memref<80x128xf32, #tpu.memory_space<vmem>>[vector<16xi32>, vector<16xi32>], vector<16xf32>,
      %shift_right_logical3A_299 = arith.constant 7 : i32
      %shift_right_logical3A_300 = vector.broadcast %shift_right_logical3A_299 : i32 to vector<16xi32>
      %shift_right_logical3A_301 = arith.shrui %get3A_252, %shift_right_logical3A_300 : vector<16xi32>
      %and3A_302 = arith.constant 127 : i32
      %and3A_303 = vector.broadcast %and3A_302 : i32 to vector<16xi32>
      %and3A_304 = arith.andi %get3A_252, %and3A_303 : vector<16xi32>
      %gather3A_305 = tpu.vector_load_idx %arg9[%shift_right_logical3A_301, %and3A_304] : memref<80x128xf32, #tpu.memory_space<vmem>>[vector<16xi32>, vector<16xi32>], vector<16xf32>,
      %mul3A_306 = arith.constant 128 : i32
      %mul3A_307 = arith.muli %add3A_213, %mul3A_306 : i32
      %add3A_308 = arith.constant 0 : i32
      %add3A_309 = arith.addi %mul3A_307, %add3A_308 : i32
      %get3A_310 = arith.index_cast %add3A_309 : i32 to index
      %get3A_311 = tpu.vector_load %arg11[%get3A_310] {strides = array<i32>} : memref<10112xf32, #tpu.memory_space<vmem>>, vector<16xf32>,
      %mul3A_312 = arith.constant 128 : i32
      %mul3A_313 = arith.muli %add3A_213, %mul3A_312 : i32
      %add3A_314 = arith.constant 16 : i32
      %add3A_315 = arith.addi %mul3A_313, %add3A_314 : i32
      %get3A_316 = arith.index_cast %add3A_315 : i32 to index
      %get3A_317 = tpu.vector_load %arg11[%get3A_316] {strides = array<i32>} : memref<10112xf32, #tpu.memory_space<vmem>>, vector<16xf32>,
      %mul3A_318 = arith.constant 128 : i32
      %mul3A_319 = arith.muli %add3A_213, %mul3A_318 : i32
      %add3A_320 = arith.constant 32 : i32
      %add3A_321 = arith.addi %mul3A_319, %add3A_320 : i32
      %get3A_322 = arith.index_cast %add3A_321 : i32 to index
      %get3A_323 = tpu.vector_load %arg11[%get3A_322] {strides = array<i32>} : memref<10112xf32, #tpu.memory_space<vmem>>, vector<16xf32>,
      %mul3A_324 = arith.constant 128 : i32
      %mul3A_325 = arith.muli %add3A_213, %mul3A_324 : i32
      %add3A_326 = arith.constant 48 : i32
      %add3A_327 = arith.addi %mul3A_325, %add3A_326 : i32
      %get3A_328 = arith.index_cast %add3A_327 : i32 to index
      %get3A_329 = tpu.vector_load %arg11[%get3A_328] {strides = array<i32>} : memref<10112xf32, #tpu.memory_space<vmem>>, vector<16xf32>,
      %mul3A_330 = arith.constant 128 : i32
      %mul3A_331 = arith.muli %add3A_213, %mul3A_330 : i32
      %add3A_332 = arith.constant 64 : i32
      %add3A_333 = arith.addi %mul3A_331, %add3A_332 : i32
      %get3A_334 = arith.index_cast %add3A_333 : i32 to index
      %get3A_335 = tpu.vector_load %arg11[%get3A_334] {strides = array<i32>} : memref<10112xf32, #tpu.memory_space<vmem>>, vector<16xf32>,
      %mul3A_336 = arith.constant 128 : i32
      %mul3A_337 = arith.muli %add3A_213, %mul3A_336 : i32
      %add3A_338 = arith.constant 80 : i32
      %add3A_339 = arith.addi %mul3A_337, %add3A_338 : i32
      %get3A_340 = arith.index_cast %add3A_339 : i32 to index
      %get3A_341 = tpu.vector_load %arg11[%get3A_340] {strides = array<i32>} : memref<10112xf32, #tpu.memory_space<vmem>>, vector<16xf32>,
      %mul3A_342 = arith.constant 128 : i32
      %mul3A_343 = arith.muli %add3A_213, %mul3A_342 : i32
      %add3A_344 = arith.constant 96 : i32
      %add3A_345 = arith.addi %mul3A_343, %add3A_344 : i32
      %get3A_346 = arith.index_cast %add3A_345 : i32 to index
      %get3A_347 = tpu.vector_load %arg11[%get3A_346] {strides = array<i32>} : memref<10112xf32, #tpu.memory_space<vmem>>, vector<16xf32>,
      %mul3A_348 = arith.constant 128 : i32
      %mul3A_349 = arith.muli %add3A_213, %mul3A_348 : i32
      %add3A_350 = arith.constant 112 : i32
      %add3A_351 = arith.addi %mul3A_349, %add3A_350 : i32
      %get3A_352 = arith.index_cast %add3A_351 : i32 to index
      %get3A_353 = tpu.vector_load %arg11[%get3A_352] {strides = array<i32>} : memref<10112xf32, #tpu.memory_space<vmem>>, vector<16xf32>,
      %mul3A_354 = arith.mulf %gather3A, %get3A_311 : vector<16xf32>
      %mul3A_355 = arith.constant 128 : i32
      %mul3A_356 = arith.muli %add3A_213, %mul3A_355 : i32
      %add3A_357 = arith.constant 0 : i32
      %add3A_358 = arith.addi %mul3A_356, %add3A_357 : i32
      %swap3A_359 = arith.index_cast %add3A_358 : i32 to index
      %swap3A_360 = tpu.vector_load %arg12[%swap3A_359] {strides = array<i32>} : memref<10112xf32, #tpu.memory_space<vmem>>, vector<16xf32>,
      tpu.vector_store %arg12[%swap3A_359], %mul3A_354 {strides = array<i32>} : memref<10112xf32, #tpu.memory_space<vmem>>, vector<16xf32>,
      %mul3A_361 = arith.mulf %gather3A_263, %get3A_317 : vector<16xf32>
      %mul3A_362 = arith.constant 128 : i32
      %mul3A_363 = arith.muli %add3A_213, %mul3A_362 : i32
      %add3A_364 = arith.constant 16 : i32
      %add3A_365 = arith.addi %mul3A_363, %add3A_364 : i32
      %swap3A_366 = arith.index_cast %add3A_365 : i32 to index
      %swap3A_367 = tpu.vector_load %arg12[%swap3A_366] {strides = array<i32>} : memref<10112xf32, #tpu.memory_space<vmem>>, vector<16xf32>,
      tpu.vector_store %arg12[%swap3A_366], %mul3A_361 {strides = array<i32>} : memref<10112xf32, #tpu.memory_space<vmem>>, vector<16xf32>,
      %mul3A_368 = arith.mulf %gather3A_270, %get3A_323 : vector<16xf32>
      %mul3A_369 = arith.constant 128 : i32
      %mul3A_370 = arith.muli %add3A_213, %mul3A_369 : i32
      %add3A_371 = arith.constant 32 : i32
      %add3A_372 = arith.addi %mul3A_370, %add3A_371 : i32
      %swap3A_373 = arith.index_cast %add3A_372 : i32 to index
      %swap3A_374 = tpu.vector_load %arg12[%swap3A_373] {strides = array<i32>} : memref<10112xf32, #tpu.memory_space<vmem>>, vector<16xf32>,
      tpu.vector_store %arg12[%swap3A_373], %mul3A_368 {strides = array<i32>} : memref<10112xf32, #tpu.memory_space<vmem>>, vector<16xf32>,
      %mul3A_375 = arith.mulf %gather3A_277, %get3A_329 : vector<16xf32>
      %mul3A_376 = arith.constant 128 : i32
      %mul3A_377 = arith.muli %add3A_213, %mul3A_376 : i32
      %add3A_378 = arith.constant 48 : i32
      %add3A_379 = arith.addi %mul3A_377, %add3A_378 : i32
      %swap3A_380 = arith.index_cast %add3A_379 : i32 to index
      %swap3A_381 = tpu.vector_load %arg12[%swap3A_380] {strides = array<i32>} : memref<10112xf32, #tpu.memory_space<vmem>>, vector<16xf32>,
      tpu.vector_store %arg12[%swap3A_380], %mul3A_375 {strides = array<i32>} : memref<10112xf32, #tpu.memory_space<vmem>>, vector<16xf32>,
      %mul3A_382 = arith.mulf %gather3A_284, %get3A_335 : vector<16xf32>
      %mul3A_383 = arith.constant 128 : i32
      %mul3A_384 = arith.muli %add3A_213, %mul3A_383 : i32
      %add3A_385 = arith.constant 64 : i32
      %add3A_386 = arith.addi %mul3A_384, %add3A_385 : i32
      %swap3A_387 = arith.index_cast %add3A_386 : i32 to index
      %swap3A_388 = tpu.vector_load %arg12[%swap3A_387] {strides = array<i32>} : memref<10112xf32, #tpu.memory_space<vmem>>, vector<16xf32>,
      tpu.vector_store %arg12[%swap3A_387], %mul3A_382 {strides = array<i32>} : memref<10112xf32, #tpu.memory_space<vmem>>, vector<16xf32>,
      %mul3A_389 = arith.mulf %gather3A_291, %get3A_341 : vector<16xf32>
      %mul3A_390 = arith.constant 128 : i32
      %mul3A_391 = arith.muli %add3A_213, %mul3A_390 : i32
      %add3A_392 = arith.constant 80 : i32
      %add3A_393 = arith.addi %mul3A_391, %add3A_392 : i32
      %swap3A_394 = arith.index_cast %add3A_393 : i32 to index
      %swap3A_395 = tpu.vector_load %arg12[%swap3A_394] {strides = array<i32>} : memref<10112xf32, #tpu.memory_space<vmem>>, vector<16xf32>,
      tpu.vector_store %arg12[%swap3A_394], %mul3A_389 {strides = array<i32>} : memref<10112xf32, #tpu.memory_space<vmem>>, vector<16xf32>,
      %mul3A_396 = arith.mulf %gather3A_298, %get3A_347 : vector<16xf32>
      %mul3A_397 = arith.constant 128 : i32
      %mul3A_398 = arith.muli %add3A_213, %mul3A_397 : i32
      %add3A_399 = arith.constant 96 : i32
      %add3A_400 = arith.addi %mul3A_398, %add3A_399 : i32
      %swap3A_401 = arith.index_cast %add3A_400 : i32 to index
      %swap3A_402 = tpu.vector_load %arg12[%swap3A_401] {strides = array<i32>} : memref<10112xf32, #tpu.memory_space<vmem>>, vector<16xf32>,
      tpu.vector_store %arg12[%swap3A_401], %mul3A_396 {strides = array<i32>} : memref<10112xf32, #tpu.memory_space<vmem>>, vector<16xf32>,
      %mul3A_403 = arith.mulf %gather3A_305, %get3A_353 : vector<16xf32>
      %mul3A_404 = arith.constant 128 : i32
      %mul3A_405 = arith.muli %add3A_213, %mul3A_404 : i32
      %add3A_406 = arith.constant 112 : i32
      %add3A_407 = arith.addi %mul3A_405, %add3A_406 : i32
      %swap3A_408 = arith.index_cast %add3A_407 : i32 to index
      %swap3A_409 = tpu.vector_load %arg12[%swap3A_408] {strides = array<i32>} : memref<10112xf32, #tpu.memory_space<vmem>>, vector<16xf32>,
      tpu.vector_store %arg12[%swap3A_408], %mul3A_403 {strides = array<i32>} : memref<10112xf32, #tpu.memory_space<vmem>>, vector<16xf32>,
      %mul3A_410 = arith.constant 128 : i32
      %mul3A_411 = arith.muli %add3A_213, %mul3A_410 : i32
      %dma_start3A_412 = arith.constant 1 : i32
      %dma_start3A_413 = tpu.memref_slice %arg12[%mul3A_411] : memref<10112xf32, #tpu.memory_space<vmem>> -> memref<128xf32, #tpu.memory_space<vmem>>
      %dma_start3A_414 = arith.constant 0 : i32
      %dma_start3A_415 = tpu.memref_slice %arg10[%add3A_213, %dma_start3A_412, %dma_start3A_414] : memref<79x2x128xi32, #tpu.memory_space<vmem>> -> memref<1x1x128xi32, #tpu.memory_space<vmem>>
      %dma_start3A_416 = tpu.memref_squeeze %dma_start3A_415 : memref<1x1x128xi32, #tpu.memory_space<vmem>> -> memref<128xi32, #tpu.memory_space<vmem>>
      %dma_start3A_417 = arith.constant 0 : i32
      %dma_start3A_418 = tpu.memref_slice %arg15[%dma_start3A_417] : memref<10240xf32, #tpu.memory_space<vmem_shared>> -> memref<10240xf32, #tpu.memory_space<vmem_shared>>
      tpu.enqueue_indirect_dma source(%dma_start3A_413 : memref<128xf32, #tpu.memory_space<vmem>>) target(%dma_start3A_418 : memref<10240xf32, #tpu.memory_space<vmem_shared>>) offsets(%dma_start3A_416 : memref<128xi32, #tpu.memory_space<vmem>>) semaphore(%arg18 : memref<!tpu.dma_semaphore, #tpu.memory_space<semaphore_mem>>) {add = true}
      %dma_start3A_419 = arith.constant 1 : i32
      %dma_start3A_420 = arith.constant 0 : i32
      %dma_start3A_421 = tpu.memref_slice %arg10[%add3A_213, %dma_start3A_419, %dma_start3A_420] : memref<79x2x128xi32, #tpu.memory_space<vmem>> -> memref<1x1x128xi32, #tpu.memory_space<vmem>>
      %dma_start3A_422 = tpu.memref_squeeze %dma_start3A_421 : memref<1x1x128xi32, #tpu.memory_space<vmem>> -> memref<128xi32, #tpu.memory_space<vmem>>
      %dma_start3A_423 = arith.constant 0 : i32
      %dma_start3A_424 = tpu.memref_slice %arg16[%dma_start3A_423] : memref<10240xf32, #tpu.memory_space<vmem_shared>> -> memref<10240xf32, #tpu.memory_space<vmem_shared>>
      tpu.enqueue_indirect_dma source(%arg13 : memref<128xf32, #tpu.memory_space<vmem>>) target(%dma_start3A_424 : memref<10240xf32, #tpu.memory_space<vmem_shared>>) offsets(%dma_start3A_422 : memref<128xi32, #tpu.memory_space<vmem>>) semaphore(%arg18 : memref<!tpu.dma_semaphore, #tpu.memory_space<semaphore_mem>>) {add = true}
      %mul3A_425 = arith.constant 6 : i32
      %mul3A_426 = arith.muli %scan3A_208, %mul3A_425 : i32
      %add3A_427 = arith.addi %sub3A, %mul3A_426 : i32
      %add3A_428 = arith.constant 1 : i32
      %add3A_429 = arith.addi %add3A_427, %add3A_428 : i32
      %get3A_430 = arith.constant 0 : i32
      %get3A_431 = arith.index_cast %add3A_429 : i32 to index
      %get3A_432 = arith.index_cast %get3A_430 : i32 to index
      %get3A_433 = arith.constant 0 : index
      %get3A_434 = tpu.vector_load %arg10[%get3A_431, %get3A_432, %get3A_433] {strides = array<i32>} : memref<79x2x128xi32, #tpu.memory_space<vmem>>, vector<16xi32>,
      %get3A_435 = arith.constant 0 : i32
      %get3A_436 = arith.index_cast %add3A_429 : i32 to index
      %get3A_437 = arith.index_cast %get3A_435 : i32 to index
      %get3A_438 = arith.constant 16 : index
      %get3A_439 = tpu.vector_load %arg10[%get3A_436, %get3A_437, %get3A_438] {strides = array<i32>} : memref<79x2x128xi32, #tpu.memory_space<vmem>>, vector<16xi32>,
      %get3A_440 = arith.constant 0 : i32
      %get3A_441 = arith.index_cast %add3A_429 : i32 to index
      %get3A_442 = arith.index_cast %get3A_440 : i32 to index
      %get3A_443 = arith.constant 32 : index
      %get3A_444 = tpu.vector_load %arg10[%get3A_441, %get3A_442, %get3A_443] {strides = array<i32>} : memref<79x2x128xi32, #tpu.memory_space<vmem>>, vector<16xi32>,
      %get3A_445 = arith.constant 0 : i32
      %get3A_446 = arith.index_cast %add3A_429 : i32 to index
      %get3A_447 = arith.index_cast %get3A_445 : i32 to index
      %get3A_448 = arith.constant 48 : index
      %get3A_449 = tpu.vector_load %arg10[%get3A_446, %get3A_447, %get3A_448] {strides = array<i32>} : memref<79x2x128xi32, #tpu.memory_space<vmem>>, vector<16xi32>,
      %get3A_450 = arith.constant 0 : i32
      %get3A_451 = arith.index_cast %add3A_429 : i32 to index
      %get3A_452 = arith.index_cast %get3A_450 : i32 to index
      %get3A_453 = arith.constant 64 : index
      %get3A_454 = tpu.vector_load %arg10[%get3A_451, %get3A_452, %get3A_453] {strides = array<i32>} : memref<79x2x128xi32, #tpu.memory_space<vmem>>, vector<16xi32>,
      %get3A_455 = arith.constant 0 : i32
      %get3A_456 = arith.index_cast %add3A_429 : i32 to index
      %get3A_457 = arith.index_cast %get3A_455 : i32 to index
      %get3A_458 = arith.constant 80 : index
      %get3A_459 = tpu.vector_load %arg10[%get3A_456, %get3A_457, %get3A_458] {strides = array<i32>} : memref<79x2x128xi32, #tpu.memory_space<vmem>>, vector<16xi32>,
      %get3A_460 = arith.constant 0 : i32
      %get3A_461 = arith.index_cast %add3A_429 : i32 to index
      %get3A_462 = arith.index_cast %get3A_460 : i32 to index
      %get3A_463 = arith.constant 96 : index
      %get3A_464 = tpu.vector_load %arg10[%get3A_461, %get3A_462, %get3A_463] {strides = array<i32>} : memref<79x2x128xi32, #tpu.memory_space<vmem>>, vector<16xi32>,
      %get3A_465 = arith.constant 0 : i32
      %get3A_466 = arith.index_cast %add3A_429 : i32 to index
      %get3A_467 = arith.index_cast %get3A_465 : i32 to index
      %get3A_468 = arith.constant 112 : index
      %get3A_469 = tpu.vector_load %arg10[%get3A_466, %get3A_467, %get3A_468] {strides = array<i32>} : memref<79x2x128xi32, #tpu.memory_space<vmem>>, vector<16xi32>,
      %shift_right_logical3A_470 = arith.constant 7 : i32
      %shift_right_logical3A_471 = vector.broadcast %shift_right_logical3A_470 : i32 to vector<16xi32>
      %shift_right_logical3A_472 = arith.shrui %get3A_434, %shift_right_logical3A_471 : vector<16xi32>
      %and3A_473 = arith.constant 127 : i32
      %and3A_474 = vector.broadcast %and3A_473 : i32 to vector<16xi32>
      %and3A_475 = arith.andi %get3A_434, %and3A_474 : vector<16xi32>
      %gather3A_476 = tpu.vector_load_idx %arg9[%shift_right_logical3A_472, %and3A_475] : memref<80x128xf32, #tpu.memory_space<vmem>>[vector<16xi32>, vector<16xi32>], vector<16xf32>,
      %shift_right_logical3A_477 = arith.constant 7 : i32
      %shift_right_logical3A_478 = vector.broadcast %shift_right_logical3A_477 : i32 to vector<16xi32>
      %shift_right_logical3A_479 = arith.shrui %get3A_439, %shift_right_logical3A_478 : vector<16xi32>
      %and3A_480 = arith.constant 127 : i32
      %and3A_481 = vector.broadcast %and3A_480 : i32 to vector<16xi32>
      %and3A_482 = arith.andi %get3A_439, %and3A_481 : vector<16xi32>
      %gather3A_483 = tpu.vector_load_idx %arg9[%shift_right_logical3A_479, %and3A_482] : memref<80x128xf32, #tpu.memory_space<vmem>>[vector<16xi32>, vector<16xi32>], vector<16xf32>,
      %shift_right_logical3A_484 = arith.constant 7 : i32
      %shift_right_logical3A_485 = vector.broadcast %shift_right_logical3A_484 : i32 to vector<16xi32>
      %shift_right_logical3A_486 = arith.shrui %get3A_444, %shift_right_logical3A_485 : vector<16xi32>
      %and3A_487 = arith.constant 127 : i32
      %and3A_488 = vector.broadcast %and3A_487 : i32 to vector<16xi32>
      %and3A_489 = arith.andi %get3A_444, %and3A_488 : vector<16xi32>
      %gather3A_490 = tpu.vector_load_idx %arg9[%shift_right_logical3A_486, %and3A_489] : memref<80x128xf32, #tpu.memory_space<vmem>>[vector<16xi32>, vector<16xi32>], vector<16xf32>,
      %shift_right_logical3A_491 = arith.constant 7 : i32
      %shift_right_logical3A_492 = vector.broadcast %shift_right_logical3A_491 : i32 to vector<16xi32>
      %shift_right_logical3A_493 = arith.shrui %get3A_449, %shift_right_logical3A_492 : vector<16xi32>
      %and3A_494 = arith.constant 127 : i32
      %and3A_495 = vector.broadcast %and3A_494 : i32 to vector<16xi32>
      %and3A_496 = arith.andi %get3A_449, %and3A_495 : vector<16xi32>
      %gather3A_497 = tpu.vector_load_idx %arg9[%shift_right_logical3A_493, %and3A_496] : memref<80x128xf32, #tpu.memory_space<vmem>>[vector<16xi32>, vector<16xi32>], vector<16xf32>,
      %shift_right_logical3A_498 = arith.constant 7 : i32
      %shift_right_logical3A_499 = vector.broadcast %shift_right_logical3A_498 : i32 to vector<16xi32>
      %shift_right_logical3A_500 = arith.shrui %get3A_454, %shift_right_logical3A_499 : vector<16xi32>
      %and3A_501 = arith.constant 127 : i32
      %and3A_502 = vector.broadcast %and3A_501 : i32 to vector<16xi32>
      %and3A_503 = arith.andi %get3A_454, %and3A_502 : vector<16xi32>
      %gather3A_504 = tpu.vector_load_idx %arg9[%shift_right_logical3A_500, %and3A_503] : memref<80x128xf32, #tpu.memory_space<vmem>>[vector<16xi32>, vector<16xi32>], vector<16xf32>,
      %shift_right_logical3A_505 = arith.constant 7 : i32
      %shift_right_logical3A_506 = vector.broadcast %shift_right_logical3A_505 : i32 to vector<16xi32>
      %shift_right_logical3A_507 = arith.shrui %get3A_459, %shift_right_logical3A_506 : vector<16xi32>
      %and3A_508 = arith.constant 127 : i32
      %and3A_509 = vector.broadcast %and3A_508 : i32 to vector<16xi32>
      %and3A_510 = arith.andi %get3A_459, %and3A_509 : vector<16xi32>
      %gather3A_511 = tpu.vector_load_idx %arg9[%shift_right_logical3A_507, %and3A_510] : memref<80x128xf32, #tpu.memory_space<vmem>>[vector<16xi32>, vector<16xi32>], vector<16xf32>,
      %shift_right_logical3A_512 = arith.constant 7 : i32
      %shift_right_logical3A_513 = vector.broadcast %shift_right_logical3A_512 : i32 to vector<16xi32>
      %shift_right_logical3A_514 = arith.shrui %get3A_464, %shift_right_logical3A_513 : vector<16xi32>
      %and3A_515 = arith.constant 127 : i32
      %and3A_516 = vector.broadcast %and3A_515 : i32 to vector<16xi32>
      %and3A_517 = arith.andi %get3A_464, %and3A_516 : vector<16xi32>
      %gather3A_518 = tpu.vector_load_idx %arg9[%shift_right_logical3A_514, %and3A_517] : memref<80x128xf32, #tpu.memory_space<vmem>>[vector<16xi32>, vector<16xi32>], vector<16xf32>,
      %shift_right_logical3A_519 = arith.constant 7 : i32
      %shift_right_logical3A_520 = vector.broadcast %shift_right_logical3A_519 : i32 to vector<16xi32>
      %shift_right_logical3A_521 = arith.shrui %get3A_469, %shift_right_logical3A_520 : vector<16xi32>
      %and3A_522 = arith.constant 127 : i32
      %and3A_523 = vector.broadcast %and3A_522 : i32 to vector<16xi32>
      %and3A_524 = arith.andi %get3A_469, %and3A_523 : vector<16xi32>
      %gather3A_525 = tpu.vector_load_idx %arg9[%shift_right_logical3A_521, %and3A_524] : memref<80x128xf32, #tpu.memory_space<vmem>>[vector<16xi32>, vector<16xi32>], vector<16xf32>,
      %mul3A_526 = arith.constant 128 : i32
      %mul3A_527 = arith.muli %add3A_429, %mul3A_526 : i32
      %add3A_528 = arith.constant 0 : i32
      %add3A_529 = arith.addi %mul3A_527, %add3A_528 : i32
      %get3A_530 = arith.index_cast %add3A_529 : i32 to index
      %get3A_531 = tpu.vector_load %arg11[%get3A_530] {strides = array<i32>} : memref<10112xf32, #tpu.memory_space<vmem>>, vector<16xf32>,
      %mul3A_532 = arith.constant 128 : i32
      %mul3A_533 = arith.muli %add3A_429, %mul3A_532 : i32
      %add3A_534 = arith.constant 16 : i32
      %add3A_535 = arith.addi %mul3A_533, %add3A_534 : i32
      %get3A_536 = arith.index_cast %add3A_535 : i32 to index
      %get3A_537 = tpu.vector_load %arg11[%get3A_536] {strides = array<i32>} : memref<10112xf32, #tpu.memory_space<vmem>>, vector<16xf32>,
      %mul3A_538 = arith.constant 128 : i32
      %mul3A_539 = arith.muli %add3A_429, %mul3A_538 : i32
      %add3A_540 = arith.constant 32 : i32
      %add3A_541 = arith.addi %mul3A_539, %add3A_540 : i32
      %get3A_542 = arith.index_cast %add3A_541 : i32 to index
      %get3A_543 = tpu.vector_load %arg11[%get3A_542] {strides = array<i32>} : memref<10112xf32, #tpu.memory_space<vmem>>, vector<16xf32>,
      %mul3A_544 = arith.constant 128 : i32
      %mul3A_545 = arith.muli %add3A_429, %mul3A_544 : i32
      %add3A_546 = arith.constant 48 : i32
      %add3A_547 = arith.addi %mul3A_545, %add3A_546 : i32
      %get3A_548 = arith.index_cast %add3A_547 : i32 to index
      %get3A_549 = tpu.vector_load %arg11[%get3A_548] {strides = array<i32>} : memref<10112xf32, #tpu.memory_space<vmem>>, vector<16xf32>,
      %mul3A_550 = arith.constant 128 : i32
      %mul3A_551 = arith.muli %add3A_429, %mul3A_550 : i32
      %add3A_552 = arith.constant 64 : i32
      %add3A_553 = arith.addi %mul3A_551, %add3A_552 : i32
      %get3A_554 = arith.index_cast %add3A_553 : i32 to index
      %get3A_555 = tpu.vector_load %arg11[%get3A_554] {strides = array<i32>} : memref<10112xf32, #tpu.memory_space<vmem>>, vector<16xf32>,
      %mul3A_556 = arith.constant 128 : i32
      %mul3A_557 = arith.muli %add3A_429, %mul3A_556 : i32
      %add3A_558 = arith.constant 80 : i32
      %add3A_559 = arith.addi %mul3A_557, %add3A_558 : i32
      %get3A_560 = arith.index_cast %add3A_559 : i32 to index
      %get3A_561 = tpu.vector_load %arg11[%get3A_560] {strides = array<i32>} : memref<10112xf32, #tpu.memory_space<vmem>>, vector<16xf32>,
      %mul3A_562 = arith.constant 128 : i32
      %mul3A_563 = arith.muli %add3A_429, %mul3A_562 : i32
      %add3A_564 = arith.constant 96 : i32
      %add3A_565 = arith.addi %mul3A_563, %add3A_564 : i32
      %get3A_566 = arith.index_cast %add3A_565 : i32 to index
      %get3A_567 = tpu.vector_load %arg11[%get3A_566] {strides = array<i32>} : memref<10112xf32, #tpu.memory_space<vmem>>, vector<16xf32>,
      %mul3A_568 = arith.constant 128 : i32
      %mul3A_569 = arith.muli %add3A_429, %mul3A_568 : i32
      %add3A_570 = arith.constant 112 : i32
      %add3A_571 = arith.addi %mul3A_569, %add3A_570 : i32
      %get3A_572 = arith.index_cast %add3A_571 : i32 to index
      %get3A_573 = tpu.vector_load %arg11[%get3A_572] {strides = array<i32>} : memref<10112xf32, #tpu.memory_space<vmem>>, vector<16xf32>,
      %mul3A_574 = arith.mulf %gather3A_476, %get3A_531 : vector<16xf32>
      %mul3A_575 = arith.constant 128 : i32
      %mul3A_576 = arith.muli %add3A_429, %mul3A_575 : i32
      %add3A_577 = arith.constant 0 : i32
      %add3A_578 = arith.addi %mul3A_576, %add3A_577 : i32
      %swap3A_579 = arith.index_cast %add3A_578 : i32 to index
      %swap3A_580 = tpu.vector_load %arg12[%swap3A_579] {strides = array<i32>} : memref<10112xf32, #tpu.memory_space<vmem>>, vector<16xf32>,
      tpu.vector_store %arg12[%swap3A_579], %mul3A_574 {strides = array<i32>} : memref<10112xf32, #tpu.memory_space<vmem>>, vector<16xf32>,
      %mul3A_581 = arith.mulf %gather3A_483, %get3A_537 : vector<16xf32>
      %mul3A_582 = arith.constant 128 : i32
      %mul3A_583 = arith.muli %add3A_429, %mul3A_582 : i32
      %add3A_584 = arith.constant 16 : i32
      %add3A_585 = arith.addi %mul3A_583, %add3A_584 : i32
      %swap3A_586 = arith.index_cast %add3A_585 : i32 to index
      %swap3A_587 = tpu.vector_load %arg12[%swap3A_586] {strides = array<i32>} : memref<10112xf32, #tpu.memory_space<vmem>>, vector<16xf32>,
      tpu.vector_store %arg12[%swap3A_586], %mul3A_581 {strides = array<i32>} : memref<10112xf32, #tpu.memory_space<vmem>>, vector<16xf32>,
      %mul3A_588 = arith.mulf %gather3A_490, %get3A_543 : vector<16xf32>
      %mul3A_589 = arith.constant 128 : i32
      %mul3A_590 = arith.muli %add3A_429, %mul3A_589 : i32
      %add3A_591 = arith.constant 32 : i32
      %add3A_592 = arith.addi %mul3A_590, %add3A_591 : i32
      %swap3A_593 = arith.index_cast %add3A_592 : i32 to index
      %swap3A_594 = tpu.vector_load %arg12[%swap3A_593] {strides = array<i32>} : memref<10112xf32, #tpu.memory_space<vmem>>, vector<16xf32>,
      tpu.vector_store %arg12[%swap3A_593], %mul3A_588 {strides = array<i32>} : memref<10112xf32, #tpu.memory_space<vmem>>, vector<16xf32>,
      %mul3A_595 = arith.mulf %gather3A_497, %get3A_549 : vector<16xf32>
      %mul3A_596 = arith.constant 128 : i32
      %mul3A_597 = arith.muli %add3A_429, %mul3A_596 : i32
      %add3A_598 = arith.constant 48 : i32
      %add3A_599 = arith.addi %mul3A_597, %add3A_598 : i32
      %swap3A_600 = arith.index_cast %add3A_599 : i32 to index
      %swap3A_601 = tpu.vector_load %arg12[%swap3A_600] {strides = array<i32>} : memref<10112xf32, #tpu.memory_space<vmem>>, vector<16xf32>,
      tpu.vector_store %arg12[%swap3A_600], %mul3A_595 {strides = array<i32>} : memref<10112xf32, #tpu.memory_space<vmem>>, vector<16xf32>,
      %mul3A_602 = arith.mulf %gather3A_504, %get3A_555 : vector<16xf32>
      %mul3A_603 = arith.constant 128 : i32
      %mul3A_604 = arith.muli %add3A_429, %mul3A_603 : i32
      %add3A_605 = arith.constant 64 : i32
      %add3A_606 = arith.addi %mul3A_604, %add3A_605 : i32
      %swap3A_607 = arith.index_cast %add3A_606 : i32 to index
      %swap3A_608 = tpu.vector_load %arg12[%swap3A_607] {strides = array<i32>} : memref<10112xf32, #tpu.memory_space<vmem>>, vector<16xf32>,
      tpu.vector_store %arg12[%swap3A_607], %mul3A_602 {strides = array<i32>} : memref<10112xf32, #tpu.memory_space<vmem>>, vector<16xf32>,
      %mul3A_609 = arith.mulf %gather3A_511, %get3A_561 : vector<16xf32>
      %mul3A_610 = arith.constant 128 : i32
      %mul3A_611 = arith.muli %add3A_429, %mul3A_610 : i32
      %add3A_612 = arith.constant 80 : i32
      %add3A_613 = arith.addi %mul3A_611, %add3A_612 : i32
      %swap3A_614 = arith.index_cast %add3A_613 : i32 to index
      %swap3A_615 = tpu.vector_load %arg12[%swap3A_614] {strides = array<i32>} : memref<10112xf32, #tpu.memory_space<vmem>>, vector<16xf32>,
      tpu.vector_store %arg12[%swap3A_614], %mul3A_609 {strides = array<i32>} : memref<10112xf32, #tpu.memory_space<vmem>>, vector<16xf32>,
      %mul3A_616 = arith.mulf %gather3A_518, %get3A_567 : vector<16xf32>
      %mul3A_617 = arith.constant 128 : i32
      %mul3A_618 = arith.muli %add3A_429, %mul3A_617 : i32
      %add3A_619 = arith.constant 96 : i32
      %add3A_620 = arith.addi %mul3A_618, %add3A_619 : i32
      %swap3A_621 = arith.index_cast %add3A_620 : i32 to index
      %swap3A_622 = tpu.vector_load %arg12[%swap3A_621] {strides = array<i32>} : memref<10112xf32, #tpu.memory_space<vmem>>, vector<16xf32>,
      tpu.vector_store %arg12[%swap3A_621], %mul3A_616 {strides = array<i32>} : memref<10112xf32, #tpu.memory_space<vmem>>, vector<16xf32>,
      %mul3A_623 = arith.mulf %gather3A_525, %get3A_573 : vector<16xf32>
      %mul3A_624 = arith.constant 128 : i32
      %mul3A_625 = arith.muli %add3A_429, %mul3A_624 : i32
      %add3A_626 = arith.constant 112 : i32
      %add3A_627 = arith.addi %mul3A_625, %add3A_626 : i32
      %swap3A_628 = arith.index_cast %add3A_627 : i32 to index
      %swap3A_629 = tpu.vector_load %arg12[%swap3A_628] {strides = array<i32>} : memref<10112xf32, #tpu.memory_space<vmem>>, vector<16xf32>,
      tpu.vector_store %arg12[%swap3A_628], %mul3A_623 {strides = array<i32>} : memref<10112xf32, #tpu.memory_space<vmem>>, vector<16xf32>,
      %mul3A_630 = arith.constant 128 : i32
      %mul3A_631 = arith.muli %add3A_429, %mul3A_630 : i32
      %dma_start3A_632 = arith.constant 1 : i32
      %dma_start3A_633 = tpu.memref_slice %arg12[%mul3A_631] : memref<10112xf32, #tpu.memory_space<vmem>> -> memref<128xf32, #tpu.memory_space<vmem>>
      %dma_start3A_634 = arith.constant 0 : i32
      %dma_start3A_635 = tpu.memref_slice %arg10[%add3A_429, %dma_start3A_632, %dma_start3A_634] : memref<79x2x128xi32, #tpu.memory_space<vmem>> -> memref<1x1x128xi32, #tpu.memory_space<vmem>>
      %dma_start3A_636 = tpu.memref_squeeze %dma_start3A_635 : memref<1x1x128xi32, #tpu.memory_space<vmem>> -> memref<128xi32, #tpu.memory_space<vmem>>
      %dma_start3A_637 = arith.constant 0 : i32
      %dma_start3A_638 = tpu.memref_slice %arg15[%dma_start3A_637] : memref<10240xf32, #tpu.memory_space<vmem_shared>> -> memref<10240xf32, #tpu.memory_space<vmem_shared>>
      tpu.enqueue_indirect_dma source(%dma_start3A_633 : memref<128xf32, #tpu.memory_space<vmem>>) target(%dma_start3A_638 : memref<10240xf32, #tpu.memory_space<vmem_shared>>) offsets(%dma_start3A_636 : memref<128xi32, #tpu.memory_space<vmem>>) semaphore(%arg18 : memref<!tpu.dma_semaphore, #tpu.memory_space<semaphore_mem>>) {add = true}
      %dma_start3A_639 = arith.constant 1 : i32
      %dma_start3A_640 = arith.constant 0 : i32
      %dma_start3A_641 = tpu.memref_slice %arg10[%add3A_429, %dma_start3A_639, %dma_start3A_640] : memref<79x2x128xi32, #tpu.memory_space<vmem>> -> memref<1x1x128xi32, #tpu.memory_space<vmem>>
      %dma_start3A_642 = tpu.memref_squeeze %dma_start3A_641 : memref<1x1x128xi32, #tpu.memory_space<vmem>> -> memref<128xi32, #tpu.memory_space<vmem>>
      %dma_start3A_643 = arith.constant 0 : i32
      %dma_start3A_644 = tpu.memref_slice %arg16[%dma_start3A_643] : memref<10240xf32, #tpu.memory_space<vmem_shared>> -> memref<10240xf32, #tpu.memory_space<vmem_shared>>
      tpu.enqueue_indirect_dma source(%arg13 : memref<128xf32, #tpu.memory_space<vmem>>) target(%dma_start3A_644 : memref<10240xf32, #tpu.memory_space<vmem_shared>>) offsets(%dma_start3A_642 : memref<128xi32, #tpu.memory_space<vmem>>) semaphore(%arg18 : memref<!tpu.dma_semaphore, #tpu.memory_space<semaphore_mem>>) {add = true}
      %mul3A_645 = arith.constant 6 : i32
      %mul3A_646 = arith.muli %scan3A_208, %mul3A_645 : i32
      %add3A_647 = arith.addi %sub3A, %mul3A_646 : i32
      %add3A_648 = arith.constant 2 : i32
      %add3A_649 = arith.addi %add3A_647, %add3A_648 : i32
      %get3A_650 = arith.constant 0 : i32
      %get3A_651 = arith.index_cast %add3A_649 : i32 to index
      %get3A_652 = arith.index_cast %get3A_650 : i32 to index
      %get3A_653 = arith.constant 0 : index
      %get3A_654 = tpu.vector_load %arg10[%get3A_651, %get3A_652, %get3A_653] {strides = array<i32>} : memref<79x2x128xi32, #tpu.memory_space<vmem>>, vector<16xi32>,
      %get3A_655 = arith.constant 0 : i32
      %get3A_656 = arith.index_cast %add3A_649 : i32 to index
      %get3A_657 = arith.index_cast %get3A_655 : i32 to index
      %get3A_658 = arith.constant 16 : index
      %get3A_659 = tpu.vector_load %arg10[%get3A_656, %get3A_657, %get3A_658] {strides = array<i32>} : memref<79x2x128xi32, #tpu.memory_space<vmem>>, vector<16xi32>,
      %get3A_660 = arith.constant 0 : i32
      %get3A_661 = arith.index_cast %add3A_649 : i32 to index
      %get3A_662 = arith.index_cast %get3A_660 : i32 to index
      %get3A_663 = arith.constant 32 : index
      %get3A_664 = tpu.vector_load %arg10[%get3A_661, %get3A_662, %get3A_663] {strides = array<i32>} : memref<79x2x128xi32, #tpu.memory_space<vmem>>, vector<16xi32>,
      %get3A_665 = arith.constant 0 : i32
      %get3A_666 = arith.index_cast %add3A_649 : i32 to index
      %get3A_667 = arith.index_cast %get3A_665 : i32 to index
      %get3A_668 = arith.constant 48 : index
      %get3A_669 = tpu.vector_load %arg10[%get3A_666, %get3A_667, %get3A_668] {strides = array<i32>} : memref<79x2x128xi32, #tpu.memory_space<vmem>>, vector<16xi32>,
      %get3A_670 = arith.constant 0 : i32
      %get3A_671 = arith.index_cast %add3A_649 : i32 to index
      %get3A_672 = arith.index_cast %get3A_670 : i32 to index
      %get3A_673 = arith.constant 64 : index
      %get3A_674 = tpu.vector_load %arg10[%get3A_671, %get3A_672, %get3A_673] {strides = array<i32>} : memref<79x2x128xi32, #tpu.memory_space<vmem>>, vector<16xi32>,
      %get3A_675 = arith.constant 0 : i32
      %get3A_676 = arith.index_cast %add3A_649 : i32 to index
      %get3A_677 = arith.index_cast %get3A_675 : i32 to index
      %get3A_678 = arith.constant 80 : index
      %get3A_679 = tpu.vector_load %arg10[%get3A_676, %get3A_677, %get3A_678] {strides = array<i32>} : memref<79x2x128xi32, #tpu.memory_space<vmem>>, vector<16xi32>,
      %get3A_680 = arith.constant 0 : i32
      %get3A_681 = arith.index_cast %add3A_649 : i32 to index
      %get3A_682 = arith.index_cast %get3A_680 : i32 to index
      %get3A_683 = arith.constant 96 : index
      %get3A_684 = tpu.vector_load %arg10[%get3A_681, %get3A_682, %get3A_683] {strides = array<i32>} : memref<79x2x128xi32, #tpu.memory_space<vmem>>, vector<16xi32>,
      %get3A_685 = arith.constant 0 : i32
      %get3A_686 = arith.index_cast %add3A_649 : i32 to index
      %get3A_687 = arith.index_cast %get3A_685 : i32 to index
      %get3A_688 = arith.constant 112 : index
      %get3A_689 = tpu.vector_load %arg10[%get3A_686, %get3A_687, %get3A_688] {strides = array<i32>} : memref<79x2x128xi32, #tpu.memory_space<vmem>>, vector<16xi32>,
      %shift_right_logical3A_690 = arith.constant 7 : i32
      %shift_right_logical3A_691 = vector.broadcast %shift_right_logical3A_690 : i32 to vector<16xi32>
      %shift_right_logical3A_692 = arith.shrui %get3A_654, %shift_right_logical3A_691 : vector<16xi32>
      %and3A_693 = arith.constant 127 : i32
      %and3A_694 = vector.broadcast %and3A_693 : i32 to vector<16xi32>
      %and3A_695 = arith.andi %get3A_654, %and3A_694 : vector<16xi32>
      %gather3A_696 = tpu.vector_load_idx %arg9[%shift_right_logical3A_692, %and3A_695] : memref<80x128xf32, #tpu.memory_space<vmem>>[vector<16xi32>, vector<16xi32>], vector<16xf32>,
      %shift_right_logical3A_697 = arith.constant 7 : i32
      %shift_right_logical3A_698 = vector.broadcast %shift_right_logical3A_697 : i32 to vector<16xi32>
      %shift_right_logical3A_699 = arith.shrui %get3A_659, %shift_right_logical3A_698 : vector<16xi32>
      %and3A_700 = arith.constant 127 : i32
      %and3A_701 = vector.broadcast %and3A_700 : i32 to vector<16xi32>
      %and3A_702 = arith.andi %get3A_659, %and3A_701 : vector<16xi32>
      %gather3A_703 = tpu.vector_load_idx %arg9[%shift_right_logical3A_699, %and3A_702] : memref<80x128xf32, #tpu.memory_space<vmem>>[vector<16xi32>, vector<16xi32>], vector<16xf32>,
      %shift_right_logical3A_704 = arith.constant 7 : i32
      %shift_right_logical3A_705 = vector.broadcast %shift_right_logical3A_704 : i32 to vector<16xi32>
      %shift_right_logical3A_706 = arith.shrui %get3A_664, %shift_right_logical3A_705 : vector<16xi32>
      %and3A_707 = arith.constant 127 : i32
      %and3A_708 = vector.broadcast %and3A_707 : i32 to vector<16xi32>
      %and3A_709 = arith.andi %get3A_664, %and3A_708 : vector<16xi32>
      %gather3A_710 = tpu.vector_load_idx %arg9[%shift_right_logical3A_706, %and3A_709] : memref<80x128xf32, #tpu.memory_space<vmem>>[vector<16xi32>, vector<16xi32>], vector<16xf32>,
      %shift_right_logical3A_711 = arith.constant 7 : i32
      %shift_right_logical3A_712 = vector.broadcast %shift_right_logical3A_711 : i32 to vector<16xi32>
      %shift_right_logical3A_713 = arith.shrui %get3A_669, %shift_right_logical3A_712 : vector<16xi32>
      %and3A_714 = arith.constant 127 : i32
      %and3A_715 = vector.broadcast %and3A_714 : i32 to vector<16xi32>
      %and3A_716 = arith.andi %get3A_669, %and3A_715 : vector<16xi32>
      %gather3A_717 = tpu.vector_load_idx %arg9[%shift_right_logical3A_713, %and3A_716] : memref<80x128xf32, #tpu.memory_space<vmem>>[vector<16xi32>, vector<16xi32>], vector<16xf32>,
      %shift_right_logical3A_718 = arith.constant 7 : i32
      %shift_right_logical3A_719 = vector.broadcast %shift_right_logical3A_718 : i32 to vector<16xi32>
      %shift_right_logical3A_720 = arith.shrui %get3A_674, %shift_right_logical3A_719 : vector<16xi32>
      %and3A_721 = arith.constant 127 : i32
      %and3A_722 = vector.broadcast %and3A_721 : i32 to vector<16xi32>
      %and3A_723 = arith.andi %get3A_674, %and3A_722 : vector<16xi32>
      %gather3A_724 = tpu.vector_load_idx %arg9[%shift_right_logical3A_720, %and3A_723] : memref<80x128xf32, #tpu.memory_space<vmem>>[vector<16xi32>, vector<16xi32>], vector<16xf32>,
      %shift_right_logical3A_725 = arith.constant 7 : i32
      %shift_right_logical3A_726 = vector.broadcast %shift_right_logical3A_725 : i32 to vector<16xi32>
      %shift_right_logical3A_727 = arith.shrui %get3A_679, %shift_right_logical3A_726 : vector<16xi32>
      %and3A_728 = arith.constant 127 : i32
      %and3A_729 = vector.broadcast %and3A_728 : i32 to vector<16xi32>
      %and3A_730 = arith.andi %get3A_679, %and3A_729 : vector<16xi32>
      %gather3A_731 = tpu.vector_load_idx %arg9[%shift_right_logical3A_727, %and3A_730] : memref<80x128xf32, #tpu.memory_space<vmem>>[vector<16xi32>, vector<16xi32>], vector<16xf32>,
      %shift_right_logical3A_732 = arith.constant 7 : i32
      %shift_right_logical3A_733 = vector.broadcast %shift_right_logical3A_732 : i32 to vector<16xi32>
      %shift_right_logical3A_734 = arith.shrui %get3A_684, %shift_right_logical3A_733 : vector<16xi32>
      %and3A_735 = arith.constant 127 : i32
      %and3A_736 = vector.broadcast %and3A_735 : i32 to vector<16xi32>
      %and3A_737 = arith.andi %get3A_684, %and3A_736 : vector<16xi32>
      %gather3A_738 = tpu.vector_load_idx %arg9[%shift_right_logical3A_734, %and3A_737] : memref<80x128xf32, #tpu.memory_space<vmem>>[vector<16xi32>, vector<16xi32>], vector<16xf32>,
      %shift_right_logical3A_739 = arith.constant 7 : i32
      %shift_right_logical3A_740 = vector.broadcast %shift_right_logical3A_739 : i32 to vector<16xi32>
      %shift_right_logical3A_741 = arith.shrui %get3A_689, %shift_right_logical3A_740 : vector<16xi32>
      %and3A_742 = arith.constant 127 : i32
      %and3A_743 = vector.broadcast %and3A_742 : i32 to vector<16xi32>
      %and3A_744 = arith.andi %get3A_689, %and3A_743 : vector<16xi32>
      %gather3A_745 = tpu.vector_load_idx %arg9[%shift_right_logical3A_741, %and3A_744] : memref<80x128xf32, #tpu.memory_space<vmem>>[vector<16xi32>, vector<16xi32>], vector<16xf32>,
      %mul3A_746 = arith.constant 128 : i32
      %mul3A_747 = arith.muli %add3A_649, %mul3A_746 : i32
      %add3A_748 = arith.constant 0 : i32
      %add3A_749 = arith.addi %mul3A_747, %add3A_748 : i32
      %get3A_750 = arith.index_cast %add3A_749 : i32 to index
      %get3A_751 = tpu.vector_load %arg11[%get3A_750] {strides = array<i32>} : memref<10112xf32, #tpu.memory_space<vmem>>, vector<16xf32>,
      %mul3A_752 = arith.constant 128 : i32
      %mul3A_753 = arith.muli %add3A_649, %mul3A_752 : i32
      %add3A_754 = arith.constant 16 : i32
      %add3A_755 = arith.addi %mul3A_753, %add3A_754 : i32
      %get3A_756 = arith.index_cast %add3A_755 : i32 to index
      %get3A_757 = tpu.vector_load %arg11[%get3A_756] {strides = array<i32>} : memref<10112xf32, #tpu.memory_space<vmem>>, vector<16xf32>,
      %mul3A_758 = arith.constant 128 : i32
      %mul3A_759 = arith.muli %add3A_649, %mul3A_758 : i32
      %add3A_760 = arith.constant 32 : i32
      %add3A_761 = arith.addi %mul3A_759, %add3A_760 : i32
      %get3A_762 = arith.index_cast %add3A_761 : i32 to index
      %get3A_763 = tpu.vector_load %arg11[%get3A_762] {strides = array<i32>} : memref<10112xf32, #tpu.memory_space<vmem>>, vector<16xf32>,
      %mul3A_764 = arith.constant 128 : i32
      %mul3A_765 = arith.muli %add3A_649, %mul3A_764 : i32
      %add3A_766 = arith.constant 48 : i32
      %add3A_767 = arith.addi %mul3A_765, %add3A_766 : i32
      %get3A_768 = arith.index_cast %add3A_767 : i32 to index
      %get3A_769 = tpu.vector_load %arg11[%get3A_768] {strides = array<i32>} : memref<10112xf32, #tpu.memory_space<vmem>>, vector<16xf32>,
      %mul3A_770 = arith.constant 128 : i32
      %mul3A_771 = arith.muli %add3A_649, %mul3A_770 : i32
      %add3A_772 = arith.constant 64 : i32
      %add3A_773 = arith.addi %mul3A_771, %add3A_772 : i32
      %get3A_774 = arith.index_cast %add3A_773 : i32 to index
      %get3A_775 = tpu.vector_load %arg11[%get3A_774] {strides = array<i32>} : memref<10112xf32, #tpu.memory_space<vmem>>, vector<16xf32>,
      %mul3A_776 = arith.constant 128 : i32
      %mul3A_777 = arith.muli %add3A_649, %mul3A_776 : i32
      %add3A_778 = arith.constant 80 : i32
      %add3A_779 = arith.addi %mul3A_777, %add3A_778 : i32
      %get3A_780 = arith.index_cast %add3A_779 : i32 to index
      %get3A_781 = tpu.vector_load %arg11[%get3A_780] {strides = array<i32>} : memref<10112xf32, #tpu.memory_space<vmem>>, vector<16xf32>,
      %mul3A_782 = arith.constant 128 : i32
      %mul3A_783 = arith.muli %add3A_649, %mul3A_782 : i32
      %add3A_784 = arith.constant 96 : i32
      %add3A_785 = arith.addi %mul3A_783, %add3A_784 : i32
      %get3A_786 = arith.index_cast %add3A_785 : i32 to index
      %get3A_787 = tpu.vector_load %arg11[%get3A_786] {strides = array<i32>} : memref<10112xf32, #tpu.memory_space<vmem>>, vector<16xf32>,
      %mul3A_788 = arith.constant 128 : i32
      %mul3A_789 = arith.muli %add3A_649, %mul3A_788 : i32
      %add3A_790 = arith.constant 112 : i32
      %add3A_791 = arith.addi %mul3A_789, %add3A_790 : i32
      %get3A_792 = arith.index_cast %add3A_791 : i32 to index
      %get3A_793 = tpu.vector_load %arg11[%get3A_792] {strides = array<i32>} : memref<10112xf32, #tpu.memory_space<vmem>>, vector<16xf32>,
      %mul3A_794 = arith.mulf %gather3A_696, %get3A_751 : vector<16xf32>
      %mul3A_795 = arith.constant 128 : i32
      %mul3A_796 = arith.muli %add3A_649, %mul3A_795 : i32
      %add3A_797 = arith.constant 0 : i32
      %add3A_798 = arith.addi %mul3A_796, %add3A_797 : i32
      %swap3A_799 = arith.index_cast %add3A_798 : i32 to index
      %swap3A_800 = tpu.vector_load %arg12[%swap3A_799] {strides = array<i32>} : memref<10112xf32, #tpu.memory_space<vmem>>, vector<16xf32>,
      tpu.vector_store %arg12[%swap3A_799], %mul3A_794 {strides = array<i32>} : memref<10112xf32, #tpu.memory_space<vmem>>, vector<16xf32>,
      %mul3A_801 = arith.mulf %gather3A_703, %get3A_757 : vector<16xf32>
      %mul3A_802 = arith.constant 128 : i32
      %mul3A_803 = arith.muli %add3A_649, %mul3A_802 : i32
      %add3A_804 = arith.constant 16 : i32
      %add3A_805 = arith.addi %mul3A_803, %add3A_804 : i32
      %swap3A_806 = arith.index_cast %add3A_805 : i32 to index
      %swap3A_807 = tpu.vector_load %arg12[%swap3A_806] {strides = array<i32>} : memref<10112xf32, #tpu.memory_space<vmem>>, vector<16xf32>,
      tpu.vector_store %arg12[%swap3A_806], %mul3A_801 {strides = array<i32>} : memref<10112xf32, #tpu.memory_space<vmem>>, vector<16xf32>,
      %mul3A_808 = arith.mulf %gather3A_710, %get3A_763 : vector<16xf32>
      %mul3A_809 = arith.constant 128 : i32
      %mul3A_810 = arith.muli %add3A_649, %mul3A_809 : i32
      %add3A_811 = arith.constant 32 : i32
      %add3A_812 = arith.addi %mul3A_810, %add3A_811 : i32
      %swap3A_813 = arith.index_cast %add3A_812 : i32 to index
      %swap3A_814 = tpu.vector_load %arg12[%swap3A_813] {strides = array<i32>} : memref<10112xf32, #tpu.memory_space<vmem>>, vector<16xf32>,
      tpu.vector_store %arg12[%swap3A_813], %mul3A_808 {strides = array<i32>} : memref<10112xf32, #tpu.memory_space<vmem>>, vector<16xf32>,
      %mul3A_815 = arith.mulf %gather3A_717, %get3A_769 : vector<16xf32>
      %mul3A_816 = arith.constant 128 : i32
      %mul3A_817 = arith.muli %add3A_649, %mul3A_816 : i32
      %add3A_818 = arith.constant 48 : i32
      %add3A_819 = arith.addi %mul3A_817, %add3A_818 : i32
      %swap3A_820 = arith.index_cast %add3A_819 : i32 to index
      %swap3A_821 = tpu.vector_load %arg12[%swap3A_820] {strides = array<i32>} : memref<10112xf32, #tpu.memory_space<vmem>>, vector<16xf32>,
      tpu.vector_store %arg12[%swap3A_820], %mul3A_815 {strides = array<i32>} : memref<10112xf32, #tpu.memory_space<vmem>>, vector<16xf32>,
      %mul3A_822 = arith.mulf %gather3A_724, %get3A_775 : vector<16xf32>
      %mul3A_823 = arith.constant 128 : i32
      %mul3A_824 = arith.muli %add3A_649, %mul3A_823 : i32
      %add3A_825 = arith.constant 64 : i32
      %add3A_826 = arith.addi %mul3A_824, %add3A_825 : i32
      %swap3A_827 = arith.index_cast %add3A_826 : i32 to index
      %swap3A_828 = tpu.vector_load %arg12[%swap3A_827] {strides = array<i32>} : memref<10112xf32, #tpu.memory_space<vmem>>, vector<16xf32>,
      tpu.vector_store %arg12[%swap3A_827], %mul3A_822 {strides = array<i32>} : memref<10112xf32, #tpu.memory_space<vmem>>, vector<16xf32>,
      %mul3A_829 = arith.mulf %gather3A_731, %get3A_781 : vector<16xf32>
      %mul3A_830 = arith.constant 128 : i32
      %mul3A_831 = arith.muli %add3A_649, %mul3A_830 : i32
      %add3A_832 = arith.constant 80 : i32
      %add3A_833 = arith.addi %mul3A_831, %add3A_832 : i32
      %swap3A_834 = arith.index_cast %add3A_833 : i32 to index
      %swap3A_835 = tpu.vector_load %arg12[%swap3A_834] {strides = array<i32>} : memref<10112xf32, #tpu.memory_space<vmem>>, vector<16xf32>,
      tpu.vector_store %arg12[%swap3A_834], %mul3A_829 {strides = array<i32>} : memref<10112xf32, #tpu.memory_space<vmem>>, vector<16xf32>,
      %mul3A_836 = arith.mulf %gather3A_738, %get3A_787 : vector<16xf32>
      %mul3A_837 = arith.constant 128 : i32
      %mul3A_838 = arith.muli %add3A_649, %mul3A_837 : i32
      %add3A_839 = arith.constant 96 : i32
      %add3A_840 = arith.addi %mul3A_838, %add3A_839 : i32
      %swap3A_841 = arith.index_cast %add3A_840 : i32 to index
      %swap3A_842 = tpu.vector_load %arg12[%swap3A_841] {strides = array<i32>} : memref<10112xf32, #tpu.memory_space<vmem>>, vector<16xf32>,
      tpu.vector_store %arg12[%swap3A_841], %mul3A_836 {strides = array<i32>} : memref<10112xf32, #tpu.memory_space<vmem>>, vector<16xf32>,
      %mul3A_843 = arith.mulf %gather3A_745, %get3A_793 : vector<16xf32>
      %mul3A_844 = arith.constant 128 : i32
      %mul3A_845 = arith.muli %add3A_649, %mul3A_844 : i32
      %add3A_846 = arith.constant 112 : i32
      %add3A_847 = arith.addi %mul3A_845, %add3A_846 : i32
      %swap3A_848 = arith.index_cast %add3A_847 : i32 to index
      %swap3A_849 = tpu.vector_load %arg12[%swap3A_848] {strides = array<i32>} : memref<10112xf32, #tpu.memory_space<vmem>>, vector<16xf32>,
      tpu.vector_store %arg12[%swap3A_848], %mul3A_843 {strides = array<i32>} : memref<10112xf32, #tpu.memory_space<vmem>>, vector<16xf32>,
      %mul3A_850 = arith.constant 128 : i32
      %mul3A_851 = arith.muli %add3A_649, %mul3A_850 : i32
      %dma_start3A_852 = arith.constant 1 : i32
      %dma_start3A_853 = tpu.memref_slice %arg12[%mul3A_851] : memref<10112xf32, #tpu.memory_space<vmem>> -> memref<128xf32, #tpu.memory_space<vmem>>
      %dma_start3A_854 = arith.constant 0 : i32
      %dma_start3A_855 = tpu.memref_slice %arg10[%add3A_649, %dma_start3A_852, %dma_start3A_854] : memref<79x2x128xi32, #tpu.memory_space<vmem>> -> memref<1x1x128xi32, #tpu.memory_space<vmem>>
      %dma_start3A_856 = tpu.memref_squeeze %dma_start3A_855 : memref<1x1x128xi32, #tpu.memory_space<vmem>> -> memref<128xi32, #tpu.memory_space<vmem>>
      %dma_start3A_857 = arith.constant 0 : i32
      %dma_start3A_858 = tpu.memref_slice %arg15[%dma_start3A_857] : memref<10240xf32, #tpu.memory_space<vmem_shared>> -> memref<10240xf32, #tpu.memory_space<vmem_shared>>
      tpu.enqueue_indirect_dma source(%dma_start3A_853 : memref<128xf32, #tpu.memory_space<vmem>>) target(%dma_start3A_858 : memref<10240xf32, #tpu.memory_space<vmem_shared>>) offsets(%dma_start3A_856 : memref<128xi32, #tpu.memory_space<vmem>>) semaphore(%arg18 : memref<!tpu.dma_semaphore, #tpu.memory_space<semaphore_mem>>) {add = true}
      %dma_start3A_859 = arith.constant 1 : i32
      %dma_start3A_860 = arith.constant 0 : i32
      %dma_start3A_861 = tpu.memref_slice %arg10[%add3A_649, %dma_start3A_859, %dma_start3A_860] : memref<79x2x128xi32, #tpu.memory_space<vmem>> -> memref<1x1x128xi32, #tpu.memory_space<vmem>>
      %dma_start3A_862 = tpu.memref_squeeze %dma_start3A_861 : memref<1x1x128xi32, #tpu.memory_space<vmem>> -> memref<128xi32, #tpu.memory_space<vmem>>
      %dma_start3A_863 = arith.constant 0 : i32
      %dma_start3A_864 = tpu.memref_slice %arg16[%dma_start3A_863] : memref<10240xf32, #tpu.memory_space<vmem_shared>> -> memref<10240xf32, #tpu.memory_space<vmem_shared>>
      tpu.enqueue_indirect_dma source(%arg13 : memref<128xf32, #tpu.memory_space<vmem>>) target(%dma_start3A_864 : memref<10240xf32, #tpu.memory_space<vmem_shared>>) offsets(%dma_start3A_862 : memref<128xi32, #tpu.memory_space<vmem>>) semaphore(%arg18 : memref<!tpu.dma_semaphore, #tpu.memory_space<semaphore_mem>>) {add = true}
      %mul3A_865 = arith.constant 6 : i32
      %mul3A_866 = arith.muli %scan3A_208, %mul3A_865 : i32
      %add3A_867 = arith.addi %sub3A, %mul3A_866 : i32
      %add3A_868 = arith.constant 3 : i32
      %add3A_869 = arith.addi %add3A_867, %add3A_868 : i32
      %get3A_870 = arith.constant 0 : i32
      %get3A_871 = arith.index_cast %add3A_869 : i32 to index
      %get3A_872 = arith.index_cast %get3A_870 : i32 to index
      %get3A_873 = arith.constant 0 : index
      %get3A_874 = tpu.vector_load %arg10[%get3A_871, %get3A_872, %get3A_873] {strides = array<i32>} : memref<79x2x128xi32, #tpu.memory_space<vmem>>, vector<16xi32>,
      %get3A_875 = arith.constant 0 : i32
      %get3A_876 = arith.index_cast %add3A_869 : i32 to index
      %get3A_877 = arith.index_cast %get3A_875 : i32 to index
      %get3A_878 = arith.constant 16 : index
      %get3A_879 = tpu.vector_load %arg10[%get3A_876, %get3A_877, %get3A_878] {strides = array<i32>} : memref<79x2x128xi32, #tpu.memory_space<vmem>>, vector<16xi32>,
      %get3A_880 = arith.constant 0 : i32
      %get3A_881 = arith.index_cast %add3A_869 : i32 to index
      %get3A_882 = arith.index_cast %get3A_880 : i32 to index
      %get3A_883 = arith.constant 32 : index
      %get3A_884 = tpu.vector_load %arg10[%get3A_881, %get3A_882, %get3A_883] {strides = array<i32>} : memref<79x2x128xi32, #tpu.memory_space<vmem>>, vector<16xi32>,
      %get3A_885 = arith.constant 0 : i32
      %get3A_886 = arith.index_cast %add3A_869 : i32 to index
      %get3A_887 = arith.index_cast %get3A_885 : i32 to index
      %get3A_888 = arith.constant 48 : index
      %get3A_889 = tpu.vector_load %arg10[%get3A_886, %get3A_887, %get3A_888] {strides = array<i32>} : memref<79x2x128xi32, #tpu.memory_space<vmem>>, vector<16xi32>,
      %get3A_890 = arith.constant 0 : i32
      %get3A_891 = arith.index_cast %add3A_869 : i32 to index
      %get3A_892 = arith.index_cast %get3A_890 : i32 to index
      %get3A_893 = arith.constant 64 : index
      %get3A_894 = tpu.vector_load %arg10[%get3A_891, %get3A_892, %get3A_893] {strides = array<i32>} : memref<79x2x128xi32, #tpu.memory_space<vmem>>, vector<16xi32>,
      %get3A_895 = arith.constant 0 : i32
      %get3A_896 = arith.index_cast %add3A_869 : i32 to index
      %get3A_897 = arith.index_cast %get3A_895 : i32 to index
      %get3A_898 = arith.constant 80 : index
      %get3A_899 = tpu.vector_load %arg10[%get3A_896, %get3A_897, %get3A_898] {strides = array<i32>} : memref<79x2x128xi32, #tpu.memory_space<vmem>>, vector<16xi32>,
      %get3A_900 = arith.constant 0 : i32
      %get3A_901 = arith.index_cast %add3A_869 : i32 to index
      %get3A_902 = arith.index_cast %get3A_900 : i32 to index
      %get3A_903 = arith.constant 96 : index
      %get3A_904 = tpu.vector_load %arg10[%get3A_901, %get3A_902, %get3A_903] {strides = array<i32>} : memref<79x2x128xi32, #tpu.memory_space<vmem>>, vector<16xi32>,
      %get3A_905 = arith.constant 0 : i32
      %get3A_906 = arith.index_cast %add3A_869 : i32 to index
      %get3A_907 = arith.index_cast %get3A_905 : i32 to index
      %get3A_908 = arith.constant 112 : index
      %get3A_909 = tpu.vector_load %arg10[%get3A_906, %get3A_907, %get3A_908] {strides = array<i32>} : memref<79x2x128xi32, #tpu.memory_space<vmem>>, vector<16xi32>,
      %shift_right_logical3A_910 = arith.constant 7 : i32
      %shift_right_logical3A_911 = vector.broadcast %shift_right_logical3A_910 : i32 to vector<16xi32>
      %shift_right_logical3A_912 = arith.shrui %get3A_874, %shift_right_logical3A_911 : vector<16xi32>
      %and3A_913 = arith.constant 127 : i32
      %and3A_914 = vector.broadcast %and3A_913 : i32 to vector<16xi32>
      %and3A_915 = arith.andi %get3A_874, %and3A_914 : vector<16xi32>
      %gather3A_916 = tpu.vector_load_idx %arg9[%shift_right_logical3A_912, %and3A_915] : memref<80x128xf32, #tpu.memory_space<vmem>>[vector<16xi32>, vector<16xi32>], vector<16xf32>,
      %shift_right_logical3A_917 = arith.constant 7 : i32
      %shift_right_logical3A_918 = vector.broadcast %shift_right_logical3A_917 : i32 to vector<16xi32>
      %shift_right_logical3A_919 = arith.shrui %get3A_879, %shift_right_logical3A_918 : vector<16xi32>
      %and3A_920 = arith.constant 127 : i32
      %and3A_921 = vector.broadcast %and3A_920 : i32 to vector<16xi32>
      %and3A_922 = arith.andi %get3A_879, %and3A_921 : vector<16xi32>
      %gather3A_923 = tpu.vector_load_idx %arg9[%shift_right_logical3A_919, %and3A_922] : memref<80x128xf32, #tpu.memory_space<vmem>>[vector<16xi32>, vector<16xi32>], vector<16xf32>,
      %shift_right_logical3A_924 = arith.constant 7 : i32
      %shift_right_logical3A_925 = vector.broadcast %shift_right_logical3A_924 : i32 to vector<16xi32>
      %shift_right_logical3A_926 = arith.shrui %get3A_884, %shift_right_logical3A_925 : vector<16xi32>
      %and3A_927 = arith.constant 127 : i32
      %and3A_928 = vector.broadcast %and3A_927 : i32 to vector<16xi32>
      %and3A_929 = arith.andi %get3A_884, %and3A_928 : vector<16xi32>
      %gather3A_930 = tpu.vector_load_idx %arg9[%shift_right_logical3A_926, %and3A_929] : memref<80x128xf32, #tpu.memory_space<vmem>>[vector<16xi32>, vector<16xi32>], vector<16xf32>,
      %shift_right_logical3A_931 = arith.constant 7 : i32
      %shift_right_logical3A_932 = vector.broadcast %shift_right_logical3A_931 : i32 to vector<16xi32>
      %shift_right_logical3A_933 = arith.shrui %get3A_889, %shift_right_logical3A_932 : vector<16xi32>
      %and3A_934 = arith.constant 127 : i32
      %and3A_935 = vector.broadcast %and3A_934 : i32 to vector<16xi32>
      %and3A_936 = arith.andi %get3A_889, %and3A_935 : vector<16xi32>
      %gather3A_937 = tpu.vector_load_idx %arg9[%shift_right_logical3A_933, %and3A_936] : memref<80x128xf32, #tpu.memory_space<vmem>>[vector<16xi32>, vector<16xi32>], vector<16xf32>,
      %shift_right_logical3A_938 = arith.constant 7 : i32
      %shift_right_logical3A_939 = vector.broadcast %shift_right_logical3A_938 : i32 to vector<16xi32>
      %shift_right_logical3A_940 = arith.shrui %get3A_894, %shift_right_logical3A_939 : vector<16xi32>
      %and3A_941 = arith.constant 127 : i32
      %and3A_942 = vector.broadcast %and3A_941 : i32 to vector<16xi32>
      %and3A_943 = arith.andi %get3A_894, %and3A_942 : vector<16xi32>
      %gather3A_944 = tpu.vector_load_idx %arg9[%shift_right_logical3A_940, %and3A_943] : memref<80x128xf32, #tpu.memory_space<vmem>>[vector<16xi32>, vector<16xi32>], vector<16xf32>,
      %shift_right_logical3A_945 = arith.constant 7 : i32
      %shift_right_logical3A_946 = vector.broadcast %shift_right_logical3A_945 : i32 to vector<16xi32>
      %shift_right_logical3A_947 = arith.shrui %get3A_899, %shift_right_logical3A_946 : vector<16xi32>
      %and3A_948 = arith.constant 127 : i32
      %and3A_949 = vector.broadcast %and3A_948 : i32 to vector<16xi32>
      %and3A_950 = arith.andi %get3A_899, %and3A_949 : vector<16xi32>
      %gather3A_951 = tpu.vector_load_idx %arg9[%shift_right_logical3A_947, %and3A_950] : memref<80x128xf32, #tpu.memory_space<vmem>>[vector<16xi32>, vector<16xi32>], vector<16xf32>,
      %shift_right_logical3A_952 = arith.constant 7 : i32
      %shift_right_logical3A_953 = vector.broadcast %shift_right_logical3A_952 : i32 to vector<16xi32>
      %shift_right_logical3A_954 = arith.shrui %get3A_904, %shift_right_logical3A_953 : vector<16xi32>
      %and3A_955 = arith.constant 127 : i32
      %and3A_956 = vector.broadcast %and3A_955 : i32 to vector<16xi32>
      %and3A_957 = arith.andi %get3A_904, %and3A_956 : vector<16xi32>
      %gather3A_958 = tpu.vector_load_idx %arg9[%shift_right_logical3A_954, %and3A_957] : memref<80x128xf32, #tpu.memory_space<vmem>>[vector<16xi32>, vector<16xi32>], vector<16xf32>,
      %shift_right_logical3A_959 = arith.constant 7 : i32
      %shift_right_logical3A_960 = vector.broadcast %shift_right_logical3A_959 : i32 to vector<16xi32>
      %shift_right_logical3A_961 = arith.shrui %get3A_909, %shift_right_logical3A_960 : vector<16xi32>
      %and3A_962 = arith.constant 127 : i32
      %and3A_963 = vector.broadcast %and3A_962 : i32 to vector<16xi32>
      %and3A_964 = arith.andi %get3A_909, %and3A_963 : vector<16xi32>
      %gather3A_965 = tpu.vector_load_idx %arg9[%shift_right_logical3A_961, %and3A_964] : memref<80x128xf32, #tpu.memory_space<vmem>>[vector<16xi32>, vector<16xi32>], vector<16xf32>,
      %mul3A_966 = arith.constant 128 : i32
      %mul3A_967 = arith.muli %add3A_869, %mul3A_966 : i32
      %add3A_968 = arith.constant 0 : i32
      %add3A_969 = arith.addi %mul3A_967, %add3A_968 : i32
      %get3A_970 = arith.index_cast %add3A_969 : i32 to index
      %get3A_971 = tpu.vector_load %arg11[%get3A_970] {strides = array<i32>} : memref<10112xf32, #tpu.memory_space<vmem>>, vector<16xf32>,
      %mul3A_972 = arith.constant 128 : i32
      %mul3A_973 = arith.muli %add3A_869, %mul3A_972 : i32
      %add3A_974 = arith.constant 16 : i32
      %add3A_975 = arith.addi %mul3A_973, %add3A_974 : i32
      %get3A_976 = arith.index_cast %add3A_975 : i32 to index
      %get3A_977 = tpu.vector_load %arg11[%get3A_976] {strides = array<i32>} : memref<10112xf32, #tpu.memory_space<vmem>>, vector<16xf32>,
      %mul3A_978 = arith.constant 128 : i32
      %mul3A_979 = arith.muli %add3A_869, %mul3A_978 : i32
      %add3A_980 = arith.constant 32 : i32
      %add3A_981 = arith.addi %mul3A_979, %add3A_980 : i32
      %get3A_982 = arith.index_cast %add3A_981 : i32 to index
      %get3A_983 = tpu.vector_load %arg11[%get3A_982] {strides = array<i32>} : memref<10112xf32, #tpu.memory_space<vmem>>, vector<16xf32>,
      %mul3A_984 = arith.constant 128 : i32
      %mul3A_985 = arith.muli %add3A_869, %mul3A_984 : i32
      %add3A_986 = arith.constant 48 : i32
      %add3A_987 = arith.addi %mul3A_985, %add3A_986 : i32
      %get3A_988 = arith.index_cast %add3A_987 : i32 to index
      %get3A_989 = tpu.vector_load %arg11[%get3A_988] {strides = array<i32>} : memref<10112xf32, #tpu.memory_space<vmem>>, vector<16xf32>,
      %mul3A_990 = arith.constant 128 : i32
      %mul3A_991 = arith.muli %add3A_869, %mul3A_990 : i32
      %add3A_992 = arith.constant 64 : i32
      %add3A_993 = arith.addi %mul3A_991, %add3A_992 : i32
      %get3A_994 = arith.index_cast %add3A_993 : i32 to index
      %get3A_995 = tpu.vector_load %arg11[%get3A_994] {strides = array<i32>} : memref<10112xf32, #tpu.memory_space<vmem>>, vector<16xf32>,
      %mul3A_996 = arith.constant 128 : i32
      %mul3A_997 = arith.muli %add3A_869, %mul3A_996 : i32
      %add3A_998 = arith.constant 80 : i32
      %add3A_999 = arith.addi %mul3A_997, %add3A_998 : i32
      %get3A_1000 = arith.index_cast %add3A_999 : i32 to index
      %get3A_1001 = tpu.vector_load %arg11[%get3A_1000] {strides = array<i32>} : memref<10112xf32, #tpu.memory_space<vmem>>, vector<16xf32>,
      %mul3A_1002 = arith.constant 128 : i32
      %mul3A_1003 = arith.muli %add3A_869, %mul3A_1002 : i32
      %add3A_1004 = arith.constant 96 : i32
      %add3A_1005 = arith.addi %mul3A_1003, %add3A_1004 : i32
      %get3A_1006 = arith.index_cast %add3A_1005 : i32 to index
      %get3A_1007 = tpu.vector_load %arg11[%get3A_1006] {strides = array<i32>} : memref<10112xf32, #tpu.memory_space<vmem>>, vector<16xf32>,
      %mul3A_1008 = arith.constant 128 : i32
      %mul3A_1009 = arith.muli %add3A_869, %mul3A_1008 : i32
      %add3A_1010 = arith.constant 112 : i32
      %add3A_1011 = arith.addi %mul3A_1009, %add3A_1010 : i32
      %get3A_1012 = arith.index_cast %add3A_1011 : i32 to index
      %get3A_1013 = tpu.vector_load %arg11[%get3A_1012] {strides = array<i32>} : memref<10112xf32, #tpu.memory_space<vmem>>, vector<16xf32>,
      %mul3A_1014 = arith.mulf %gather3A_916, %get3A_971 : vector<16xf32>
      %mul3A_1015 = arith.constant 128 : i32
      %mul3A_1016 = arith.muli %add3A_869, %mul3A_1015 : i32
      %add3A_1017 = arith.constant 0 : i32
      %add3A_1018 = arith.addi %mul3A_1016, %add3A_1017 : i32
      %swap3A_1019 = arith.index_cast %add3A_1018 : i32 to index
      %swap3A_1020 = tpu.vector_load %arg12[%swap3A_1019] {strides = array<i32>} : memref<10112xf32, #tpu.memory_space<vmem>>, vector<16xf32>,
      tpu.vector_store %arg12[%swap3A_1019], %mul3A_1014 {strides = array<i32>} : memref<10112xf32, #tpu.memory_space<vmem>>, vector<16xf32>,
      %mul3A_1021 = arith.mulf %gather3A_923, %get3A_977 : vector<16xf32>
      %mul3A_1022 = arith.constant 128 : i32
      %mul3A_1023 = arith.muli %add3A_869, %mul3A_1022 : i32
      %add3A_1024 = arith.constant 16 : i32
      %add3A_1025 = arith.addi %mul3A_1023, %add3A_1024 : i32
      %swap3A_1026 = arith.index_cast %add3A_1025 : i32 to index
      %swap3A_1027 = tpu.vector_load %arg12[%swap3A_1026] {strides = array<i32>} : memref<10112xf32, #tpu.memory_space<vmem>>, vector<16xf32>,
      tpu.vector_store %arg12[%swap3A_1026], %mul3A_1021 {strides = array<i32>} : memref<10112xf32, #tpu.memory_space<vmem>>, vector<16xf32>,
      %mul3A_1028 = arith.mulf %gather3A_930, %get3A_983 : vector<16xf32>
      %mul3A_1029 = arith.constant 128 : i32
      %mul3A_1030 = arith.muli %add3A_869, %mul3A_1029 : i32
      %add3A_1031 = arith.constant 32 : i32
      %add3A_1032 = arith.addi %mul3A_1030, %add3A_1031 : i32
      %swap3A_1033 = arith.index_cast %add3A_1032 : i32 to index
      %swap3A_1034 = tpu.vector_load %arg12[%swap3A_1033] {strides = array<i32>} : memref<10112xf32, #tpu.memory_space<vmem>>, vector<16xf32>,
      tpu.vector_store %arg12[%swap3A_1033], %mul3A_1028 {strides = array<i32>} : memref<10112xf32, #tpu.memory_space<vmem>>, vector<16xf32>,
      %mul3A_1035 = arith.mulf %gather3A_937, %get3A_989 : vector<16xf32>
      %mul3A_1036 = arith.constant 128 : i32
      %mul3A_1037 = arith.muli %add3A_869, %mul3A_1036 : i32
      %add3A_1038 = arith.constant 48 : i32
      %add3A_1039 = arith.addi %mul3A_1037, %add3A_1038 : i32
      %swap3A_1040 = arith.index_cast %add3A_1039 : i32 to index
      %swap3A_1041 = tpu.vector_load %arg12[%swap3A_1040] {strides = array<i32>} : memref<10112xf32, #tpu.memory_space<vmem>>, vector<16xf32>,
      tpu.vector_store %arg12[%swap3A_1040], %mul3A_1035 {strides = array<i32>} : memref<10112xf32, #tpu.memory_space<vmem>>, vector<16xf32>,
      %mul3A_1042 = arith.mulf %gather3A_944, %get3A_995 : vector<16xf32>
      %mul3A_1043 = arith.constant 128 : i32
      %mul3A_1044 = arith.muli %add3A_869, %mul3A_1043 : i32
      %add3A_1045 = arith.constant 64 : i32
      %add3A_1046 = arith.addi %mul3A_1044, %add3A_1045 : i32
      %swap3A_1047 = arith.index_cast %add3A_1046 : i32 to index
      %swap3A_1048 = tpu.vector_load %arg12[%swap3A_1047] {strides = array<i32>} : memref<10112xf32, #tpu.memory_space<vmem>>, vector<16xf32>,
      tpu.vector_store %arg12[%swap3A_1047], %mul3A_1042 {strides = array<i32>} : memref<10112xf32, #tpu.memory_space<vmem>>, vector<16xf32>,
      %mul3A_1049 = arith.mulf %gather3A_951, %get3A_1001 : vector<16xf32>
      %mul3A_1050 = arith.constant 128 : i32
      %mul3A_1051 = arith.muli %add3A_869, %mul3A_1050 : i32
      %add3A_1052 = arith.constant 80 : i32
      %add3A_1053 = arith.addi %mul3A_1051, %add3A_1052 : i32
      %swap3A_1054 = arith.index_cast %add3A_1053 : i32 to index
      %swap3A_1055 = tpu.vector_load %arg12[%swap3A_1054] {strides = array<i32>} : memref<10112xf32, #tpu.memory_space<vmem>>, vector<16xf32>,
      tpu.vector_store %arg12[%swap3A_1054], %mul3A_1049 {strides = array<i32>} : memref<10112xf32, #tpu.memory_space<vmem>>, vector<16xf32>,
      %mul3A_1056 = arith.mulf %gather3A_958, %get3A_1007 : vector<16xf32>
      %mul3A_1057 = arith.constant 128 : i32
      %mul3A_1058 = arith.muli %add3A_869, %mul3A_1057 : i32
      %add3A_1059 = arith.constant 96 : i32
      %add3A_1060 = arith.addi %mul3A_1058, %add3A_1059 : i32
      %swap3A_1061 = arith.index_cast %add3A_1060 : i32 to index
      %swap3A_1062 = tpu.vector_load %arg12[%swap3A_1061] {strides = array<i32>} : memref<10112xf32, #tpu.memory_space<vmem>>, vector<16xf32>,
      tpu.vector_store %arg12[%swap3A_1061], %mul3A_1056 {strides = array<i32>} : memref<10112xf32, #tpu.memory_space<vmem>>, vector<16xf32>,
      %mul3A_1063 = arith.mulf %gather3A_965, %get3A_1013 : vector<16xf32>
      %mul3A_1064 = arith.constant 128 : i32
      %mul3A_1065 = arith.muli %add3A_869, %mul3A_1064 : i32
      %add3A_1066 = arith.constant 112 : i32
      %add3A_1067 = arith.addi %mul3A_1065, %add3A_1066 : i32
      %swap3A_1068 = arith.index_cast %add3A_1067 : i32 to index
      %swap3A_1069 = tpu.vector_load %arg12[%swap3A_1068] {strides = array<i32>} : memref<10112xf32, #tpu.memory_space<vmem>>, vector<16xf32>,
      tpu.vector_store %arg12[%swap3A_1068], %mul3A_1063 {strides = array<i32>} : memref<10112xf32, #tpu.memory_space<vmem>>, vector<16xf32>,
      %mul3A_1070 = arith.constant 128 : i32
      %mul3A_1071 = arith.muli %add3A_869, %mul3A_1070 : i32
      %dma_start3A_1072 = arith.constant 1 : i32
      %dma_start3A_1073 = tpu.memref_slice %arg12[%mul3A_1071] : memref<10112xf32, #tpu.memory_space<vmem>> -> memref<128xf32, #tpu.memory_space<vmem>>
      %dma_start3A_1074 = arith.constant 0 : i32
      %dma_start3A_1075 = tpu.memref_slice %arg10[%add3A_869, %dma_start3A_1072, %dma_start3A_1074] : memref<79x2x128xi32, #tpu.memory_space<vmem>> -> memref<1x1x128xi32, #tpu.memory_space<vmem>>
      %dma_start3A_1076 = tpu.memref_squeeze %dma_start3A_1075 : memref<1x1x128xi32, #tpu.memory_space<vmem>> -> memref<128xi32, #tpu.memory_space<vmem>>
      %dma_start3A_1077 = arith.constant 0 : i32
      %dma_start3A_1078 = tpu.memref_slice %arg15[%dma_start3A_1077] : memref<10240xf32, #tpu.memory_space<vmem_shared>> -> memref<10240xf32, #tpu.memory_space<vmem_shared>>
      tpu.enqueue_indirect_dma source(%dma_start3A_1073 : memref<128xf32, #tpu.memory_space<vmem>>) target(%dma_start3A_1078 : memref<10240xf32, #tpu.memory_space<vmem_shared>>) offsets(%dma_start3A_1076 : memref<128xi32, #tpu.memory_space<vmem>>) semaphore(%arg18 : memref<!tpu.dma_semaphore, #tpu.memory_space<semaphore_mem>>) {add = true}
      %dma_start3A_1079 = arith.constant 1 : i32
      %dma_start3A_1080 = arith.constant 0 : i32
      %dma_start3A_1081 = tpu.memref_slice %arg10[%add3A_869, %dma_start3A_1079, %dma_start3A_1080] : memref<79x2x128xi32, #tpu.memory_space<vmem>> -> memref<1x1x128xi32, #tpu.memory_space<vmem>>
      %dma_start3A_1082 = tpu.memref_squeeze %dma_start3A_1081 : memref<1x1x128xi32, #tpu.memory_space<vmem>> -> memref<128xi32, #tpu.memory_space<vmem>>
      %dma_start3A_1083 = arith.constant 0 : i32
      %dma_start3A_1084 = tpu.memref_slice %arg16[%dma_start3A_1083] : memref<10240xf32, #tpu.memory_space<vmem_shared>> -> memref<10240xf32, #tpu.memory_space<vmem_shared>>
      tpu.enqueue_indirect_dma source(%arg13 : memref<128xf32, #tpu.memory_space<vmem>>) target(%dma_start3A_1084 : memref<10240xf32, #tpu.memory_space<vmem_shared>>) offsets(%dma_start3A_1082 : memref<128xi32, #tpu.memory_space<vmem>>) semaphore(%arg18 : memref<!tpu.dma_semaphore, #tpu.memory_space<semaphore_mem>>) {add = true}
      %mul3A_1085 = arith.constant 6 : i32
      %mul3A_1086 = arith.muli %scan3A_208, %mul3A_1085 : i32
      %add3A_1087 = arith.addi %sub3A, %mul3A_1086 : i32
      %add3A_1088 = arith.constant 4 : i32
      %add3A_1089 = arith.addi %add3A_1087, %add3A_1088 : i32
      %get3A_1090 = arith.constant 0 : i32
      %get3A_1091 = arith.index_cast %add3A_1089 : i32 to index
      %get3A_1092 = arith.index_cast %get3A_1090 : i32 to index
      %get3A_1093 = arith.constant 0 : index
      %get3A_1094 = tpu.vector_load %arg10[%get3A_1091, %get3A_1092, %get3A_1093] {strides = array<i32>} : memref<79x2x128xi32, #tpu.memory_space<vmem>>, vector<16xi32>,
      %get3A_1095 = arith.constant 0 : i32
      %get3A_1096 = arith.index_cast %add3A_1089 : i32 to index
      %get3A_1097 = arith.index_cast %get3A_1095 : i32 to index
      %get3A_1098 = arith.constant 16 : index
      %get3A_1099 = tpu.vector_load %arg10[%get3A_1096, %get3A_1097, %get3A_1098] {strides = array<i32>} : memref<79x2x128xi32, #tpu.memory_space<vmem>>, vector<16xi32>,
      %get3A_1100 = arith.constant 0 : i32
      %get3A_1101 = arith.index_cast %add3A_1089 : i32 to index
      %get3A_1102 = arith.index_cast %get3A_1100 : i32 to index
      %get3A_1103 = arith.constant 32 : index
      %get3A_1104 = tpu.vector_load %arg10[%get3A_1101, %get3A_1102, %get3A_1103] {strides = array<i32>} : memref<79x2x128xi32, #tpu.memory_space<vmem>>, vector<16xi32>,
      %get3A_1105 = arith.constant 0 : i32
      %get3A_1106 = arith.index_cast %add3A_1089 : i32 to index
      %get3A_1107 = arith.index_cast %get3A_1105 : i32 to index
      %get3A_1108 = arith.constant 48 : index
      %get3A_1109 = tpu.vector_load %arg10[%get3A_1106, %get3A_1107, %get3A_1108] {strides = array<i32>} : memref<79x2x128xi32, #tpu.memory_space<vmem>>, vector<16xi32>,
      %get3A_1110 = arith.constant 0 : i32
      %get3A_1111 = arith.index_cast %add3A_1089 : i32 to index
      %get3A_1112 = arith.index_cast %get3A_1110 : i32 to index
      %get3A_1113 = arith.constant 64 : index
      %get3A_1114 = tpu.vector_load %arg10[%get3A_1111, %get3A_1112, %get3A_1113] {strides = array<i32>} : memref<79x2x128xi32, #tpu.memory_space<vmem>>, vector<16xi32>,
      %get3A_1115 = arith.constant 0 : i32
      %get3A_1116 = arith.index_cast %add3A_1089 : i32 to index
      %get3A_1117 = arith.index_cast %get3A_1115 : i32 to index
      %get3A_1118 = arith.constant 80 : index
      %get3A_1119 = tpu.vector_load %arg10[%get3A_1116, %get3A_1117, %get3A_1118] {strides = array<i32>} : memref<79x2x128xi32, #tpu.memory_space<vmem>>, vector<16xi32>,
      %get3A_1120 = arith.constant 0 : i32
      %get3A_1121 = arith.index_cast %add3A_1089 : i32 to index
      %get3A_1122 = arith.index_cast %get3A_1120 : i32 to index
      %get3A_1123 = arith.constant 96 : index
      %get3A_1124 = tpu.vector_load %arg10[%get3A_1121, %get3A_1122, %get3A_1123] {strides = array<i32>} : memref<79x2x128xi32, #tpu.memory_space<vmem>>, vector<16xi32>,
      %get3A_1125 = arith.constant 0 : i32
      %get3A_1126 = arith.index_cast %add3A_1089 : i32 to index
      %get3A_1127 = arith.index_cast %get3A_1125 : i32 to index
      %get3A_1128 = arith.constant 112 : index
      %get3A_1129 = tpu.vector_load %arg10[%get3A_1126, %get3A_1127, %get3A_1128] {strides = array<i32>} : memref<79x2x128xi32, #tpu.memory_space<vmem>>, vector<16xi32>,
      %shift_right_logical3A_1130 = arith.constant 7 : i32
      %shift_right_logical3A_1131 = vector.broadcast %shift_right_logical3A_1130 : i32 to vector<16xi32>
      %shift_right_logical3A_1132 = arith.shrui %get3A_1094, %shift_right_logical3A_1131 : vector<16xi32>
      %and3A_1133 = arith.constant 127 : i32
      %and3A_1134 = vector.broadcast %and3A_1133 : i32 to vector<16xi32>
      %and3A_1135 = arith.andi %get3A_1094, %and3A_1134 : vector<16xi32>
      %gather3A_1136 = tpu.vector_load_idx %arg9[%shift_right_logical3A_1132, %and3A_1135] : memref<80x128xf32, #tpu.memory_space<vmem>>[vector<16xi32>, vector<16xi32>], vector<16xf32>,
      %shift_right_logical3A_1137 = arith.constant 7 : i32
      %shift_right_logical3A_1138 = vector.broadcast %shift_right_logical3A_1137 : i32 to vector<16xi32>
      %shift_right_logical3A_1139 = arith.shrui %get3A_1099, %shift_right_logical3A_1138 : vector<16xi32>
      %and3A_1140 = arith.constant 127 : i32
      %and3A_1141 = vector.broadcast %and3A_1140 : i32 to vector<16xi32>
      %and3A_1142 = arith.andi %get3A_1099, %and3A_1141 : vector<16xi32>
      %gather3A_1143 = tpu.vector_load_idx %arg9[%shift_right_logical3A_1139, %and3A_1142] : memref<80x128xf32, #tpu.memory_space<vmem>>[vector<16xi32>, vector<16xi32>], vector<16xf32>,
      %shift_right_logical3A_1144 = arith.constant 7 : i32
      %shift_right_logical3A_1145 = vector.broadcast %shift_right_logical3A_1144 : i32 to vector<16xi32>
      %shift_right_logical3A_1146 = arith.shrui %get3A_1104, %shift_right_logical3A_1145 : vector<16xi32>
      %and3A_1147 = arith.constant 127 : i32
      %and3A_1148 = vector.broadcast %and3A_1147 : i32 to vector<16xi32>
      %and3A_1149 = arith.andi %get3A_1104, %and3A_1148 : vector<16xi32>
      %gather3A_1150 = tpu.vector_load_idx %arg9[%shift_right_logical3A_1146, %and3A_1149] : memref<80x128xf32, #tpu.memory_space<vmem>>[vector<16xi32>, vector<16xi32>], vector<16xf32>,
      %shift_right_logical3A_1151 = arith.constant 7 : i32
      %shift_right_logical3A_1152 = vector.broadcast %shift_right_logical3A_1151 : i32 to vector<16xi32>
      %shift_right_logical3A_1153 = arith.shrui %get3A_1109, %shift_right_logical3A_1152 : vector<16xi32>
      %and3A_1154 = arith.constant 127 : i32
      %and3A_1155 = vector.broadcast %and3A_1154 : i32 to vector<16xi32>
      %and3A_1156 = arith.andi %get3A_1109, %and3A_1155 : vector<16xi32>
      %gather3A_1157 = tpu.vector_load_idx %arg9[%shift_right_logical3A_1153, %and3A_1156] : memref<80x128xf32, #tpu.memory_space<vmem>>[vector<16xi32>, vector<16xi32>], vector<16xf32>,
      %shift_right_logical3A_1158 = arith.constant 7 : i32
      %shift_right_logical3A_1159 = vector.broadcast %shift_right_logical3A_1158 : i32 to vector<16xi32>
      %shift_right_logical3A_1160 = arith.shrui %get3A_1114, %shift_right_logical3A_1159 : vector<16xi32>
      %and3A_1161 = arith.constant 127 : i32
      %and3A_1162 = vector.broadcast %and3A_1161 : i32 to vector<16xi32>
      %and3A_1163 = arith.andi %get3A_1114, %and3A_1162 : vector<16xi32>
      %gather3A_1164 = tpu.vector_load_idx %arg9[%shift_right_logical3A_1160, %and3A_1163] : memref<80x128xf32, #tpu.memory_space<vmem>>[vector<16xi32>, vector<16xi32>], vector<16xf32>,
      %shift_right_logical3A_1165 = arith.constant 7 : i32
      %shift_right_logical3A_1166 = vector.broadcast %shift_right_logical3A_1165 : i32 to vector<16xi32>
      %shift_right_logical3A_1167 = arith.shrui %get3A_1119, %shift_right_logical3A_1166 : vector<16xi32>
      %and3A_1168 = arith.constant 127 : i32
      %and3A_1169 = vector.broadcast %and3A_1168 : i32 to vector<16xi32>
      %and3A_1170 = arith.andi %get3A_1119, %and3A_1169 : vector<16xi32>
      %gather3A_1171 = tpu.vector_load_idx %arg9[%shift_right_logical3A_1167, %and3A_1170] : memref<80x128xf32, #tpu.memory_space<vmem>>[vector<16xi32>, vector<16xi32>], vector<16xf32>,
      %shift_right_logical3A_1172 = arith.constant 7 : i32
      %shift_right_logical3A_1173 = vector.broadcast %shift_right_logical3A_1172 : i32 to vector<16xi32>
      %shift_right_logical3A_1174 = arith.shrui %get3A_1124, %shift_right_logical3A_1173 : vector<16xi32>
      %and3A_1175 = arith.constant 127 : i32
      %and3A_1176 = vector.broadcast %and3A_1175 : i32 to vector<16xi32>
      %and3A_1177 = arith.andi %get3A_1124, %and3A_1176 : vector<16xi32>
      %gather3A_1178 = tpu.vector_load_idx %arg9[%shift_right_logical3A_1174, %and3A_1177] : memref<80x128xf32, #tpu.memory_space<vmem>>[vector<16xi32>, vector<16xi32>], vector<16xf32>,
      %shift_right_logical3A_1179 = arith.constant 7 : i32
      %shift_right_logical3A_1180 = vector.broadcast %shift_right_logical3A_1179 : i32 to vector<16xi32>
      %shift_right_logical3A_1181 = arith.shrui %get3A_1129, %shift_right_logical3A_1180 : vector<16xi32>
      %and3A_1182 = arith.constant 127 : i32
      %and3A_1183 = vector.broadcast %and3A_1182 : i32 to vector<16xi32>
      %and3A_1184 = arith.andi %get3A_1129, %and3A_1183 : vector<16xi32>
      %gather3A_1185 = tpu.vector_load_idx %arg9[%shift_right_logical3A_1181, %and3A_1184] : memref<80x128xf32, #tpu.memory_space<vmem>>[vector<16xi32>, vector<16xi32>], vector<16xf32>,
      %mul3A_1186 = arith.constant 128 : i32
      %mul3A_1187 = arith.muli %add3A_1089, %mul3A_1186 : i32
      %add3A_1188 = arith.constant 0 : i32
      %add3A_1189 = arith.addi %mul3A_1187, %add3A_1188 : i32
      %get3A_1190 = arith.index_cast %add3A_1189 : i32 to index
      %get3A_1191 = tpu.vector_load %arg11[%get3A_1190] {strides = array<i32>} : memref<10112xf32, #tpu.memory_space<vmem>>, vector<16xf32>,
      %mul3A_1192 = arith.constant 128 : i32
      %mul3A_1193 = arith.muli %add3A_1089, %mul3A_1192 : i32
      %add3A_1194 = arith.constant 16 : i32
      %add3A_1195 = arith.addi %mul3A_1193, %add3A_1194 : i32
      %get3A_1196 = arith.index_cast %add3A_1195 : i32 to index
      %get3A_1197 = tpu.vector_load %arg11[%get3A_1196] {strides = array<i32>} : memref<10112xf32, #tpu.memory_space<vmem>>, vector<16xf32>,
      %mul3A_1198 = arith.constant 128 : i32
      %mul3A_1199 = arith.muli %add3A_1089, %mul3A_1198 : i32
      %add3A_1200 = arith.constant 32 : i32
      %add3A_1201 = arith.addi %mul3A_1199, %add3A_1200 : i32
      %get3A_1202 = arith.index_cast %add3A_1201 : i32 to index
      %get3A_1203 = tpu.vector_load %arg11[%get3A_1202] {strides = array<i32>} : memref<10112xf32, #tpu.memory_space<vmem>>, vector<16xf32>,
      %mul3A_1204 = arith.constant 128 : i32
      %mul3A_1205 = arith.muli %add3A_1089, %mul3A_1204 : i32
      %add3A_1206 = arith.constant 48 : i32
      %add3A_1207 = arith.addi %mul3A_1205, %add3A_1206 : i32
      %get3A_1208 = arith.index_cast %add3A_1207 : i32 to index
      %get3A_1209 = tpu.vector_load %arg11[%get3A_1208] {strides = array<i32>} : memref<10112xf32, #tpu.memory_space<vmem>>, vector<16xf32>,
      %mul3A_1210 = arith.constant 128 : i32
      %mul3A_1211 = arith.muli %add3A_1089, %mul3A_1210 : i32
      %add3A_1212 = arith.constant 64 : i32
      %add3A_1213 = arith.addi %mul3A_1211, %add3A_1212 : i32
      %get3A_1214 = arith.index_cast %add3A_1213 : i32 to index
      %get3A_1215 = tpu.vector_load %arg11[%get3A_1214] {strides = array<i32>} : memref<10112xf32, #tpu.memory_space<vmem>>, vector<16xf32>,
      %mul3A_1216 = arith.constant 128 : i32
      %mul3A_1217 = arith.muli %add3A_1089, %mul3A_1216 : i32
      %add3A_1218 = arith.constant 80 : i32
      %add3A_1219 = arith.addi %mul3A_1217, %add3A_1218 : i32
      %get3A_1220 = arith.index_cast %add3A_1219 : i32 to index
      %get3A_1221 = tpu.vector_load %arg11[%get3A_1220] {strides = array<i32>} : memref<10112xf32, #tpu.memory_space<vmem>>, vector<16xf32>,
      %mul3A_1222 = arith.constant 128 : i32
      %mul3A_1223 = arith.muli %add3A_1089, %mul3A_1222 : i32
      %add3A_1224 = arith.constant 96 : i32
      %add3A_1225 = arith.addi %mul3A_1223, %add3A_1224 : i32
      %get3A_1226 = arith.index_cast %add3A_1225 : i32 to index
      %get3A_1227 = tpu.vector_load %arg11[%get3A_1226] {strides = array<i32>} : memref<10112xf32, #tpu.memory_space<vmem>>, vector<16xf32>,
      %mul3A_1228 = arith.constant 128 : i32
      %mul3A_1229 = arith.muli %add3A_1089, %mul3A_1228 : i32
      %add3A_1230 = arith.constant 112 : i32
      %add3A_1231 = arith.addi %mul3A_1229, %add3A_1230 : i32
      %get3A_1232 = arith.index_cast %add3A_1231 : i32 to index
      %get3A_1233 = tpu.vector_load %arg11[%get3A_1232] {strides = array<i32>} : memref<10112xf32, #tpu.memory_space<vmem>>, vector<16xf32>,
      %mul3A_1234 = arith.mulf %gather3A_1136, %get3A_1191 : vector<16xf32>
      %mul3A_1235 = arith.constant 128 : i32
      %mul3A_1236 = arith.muli %add3A_1089, %mul3A_1235 : i32
      %add3A_1237 = arith.constant 0 : i32
      %add3A_1238 = arith.addi %mul3A_1236, %add3A_1237 : i32
      %swap3A_1239 = arith.index_cast %add3A_1238 : i32 to index
      %swap3A_1240 = tpu.vector_load %arg12[%swap3A_1239] {strides = array<i32>} : memref<10112xf32, #tpu.memory_space<vmem>>, vector<16xf32>,
      tpu.vector_store %arg12[%swap3A_1239], %mul3A_1234 {strides = array<i32>} : memref<10112xf32, #tpu.memory_space<vmem>>, vector<16xf32>,
      %mul3A_1241 = arith.mulf %gather3A_1143, %get3A_1197 : vector<16xf32>
      %mul3A_1242 = arith.constant 128 : i32
      %mul3A_1243 = arith.muli %add3A_1089, %mul3A_1242 : i32
      %add3A_1244 = arith.constant 16 : i32
      %add3A_1245 = arith.addi %mul3A_1243, %add3A_1244 : i32
      %swap3A_1246 = arith.index_cast %add3A_1245 : i32 to index
      %swap3A_1247 = tpu.vector_load %arg12[%swap3A_1246] {strides = array<i32>} : memref<10112xf32, #tpu.memory_space<vmem>>, vector<16xf32>,
      tpu.vector_store %arg12[%swap3A_1246], %mul3A_1241 {strides = array<i32>} : memref<10112xf32, #tpu.memory_space<vmem>>, vector<16xf32>,
      %mul3A_1248 = arith.mulf %gather3A_1150, %get3A_1203 : vector<16xf32>
      %mul3A_1249 = arith.constant 128 : i32
      %mul3A_1250 = arith.muli %add3A_1089, %mul3A_1249 : i32
      %add3A_1251 = arith.constant 32 : i32
      %add3A_1252 = arith.addi %mul3A_1250, %add3A_1251 : i32
      %swap3A_1253 = arith.index_cast %add3A_1252 : i32 to index
      %swap3A_1254 = tpu.vector_load %arg12[%swap3A_1253] {strides = array<i32>} : memref<10112xf32, #tpu.memory_space<vmem>>, vector<16xf32>,
      tpu.vector_store %arg12[%swap3A_1253], %mul3A_1248 {strides = array<i32>} : memref<10112xf32, #tpu.memory_space<vmem>>, vector<16xf32>,
      %mul3A_1255 = arith.mulf %gather3A_1157, %get3A_1209 : vector<16xf32>
      %mul3A_1256 = arith.constant 128 : i32
      %mul3A_1257 = arith.muli %add3A_1089, %mul3A_1256 : i32
      %add3A_1258 = arith.constant 48 : i32
      %add3A_1259 = arith.addi %mul3A_1257, %add3A_1258 : i32
      %swap3A_1260 = arith.index_cast %add3A_1259 : i32 to index
      %swap3A_1261 = tpu.vector_load %arg12[%swap3A_1260] {strides = array<i32>} : memref<10112xf32, #tpu.memory_space<vmem>>, vector<16xf32>,
      tpu.vector_store %arg12[%swap3A_1260], %mul3A_1255 {strides = array<i32>} : memref<10112xf32, #tpu.memory_space<vmem>>, vector<16xf32>,
      %mul3A_1262 = arith.mulf %gather3A_1164, %get3A_1215 : vector<16xf32>
      %mul3A_1263 = arith.constant 128 : i32
      %mul3A_1264 = arith.muli %add3A_1089, %mul3A_1263 : i32
      %add3A_1265 = arith.constant 64 : i32
      %add3A_1266 = arith.addi %mul3A_1264, %add3A_1265 : i32
      %swap3A_1267 = arith.index_cast %add3A_1266 : i32 to index
      %swap3A_1268 = tpu.vector_load %arg12[%swap3A_1267] {strides = array<i32>} : memref<10112xf32, #tpu.memory_space<vmem>>, vector<16xf32>,
      tpu.vector_store %arg12[%swap3A_1267], %mul3A_1262 {strides = array<i32>} : memref<10112xf32, #tpu.memory_space<vmem>>, vector<16xf32>,
      %mul3A_1269 = arith.mulf %gather3A_1171, %get3A_1221 : vector<16xf32>
      %mul3A_1270 = arith.constant 128 : i32
      %mul3A_1271 = arith.muli %add3A_1089, %mul3A_1270 : i32
      %add3A_1272 = arith.constant 80 : i32
      %add3A_1273 = arith.addi %mul3A_1271, %add3A_1272 : i32
      %swap3A_1274 = arith.index_cast %add3A_1273 : i32 to index
      %swap3A_1275 = tpu.vector_load %arg12[%swap3A_1274] {strides = array<i32>} : memref<10112xf32, #tpu.memory_space<vmem>>, vector<16xf32>,
      tpu.vector_store %arg12[%swap3A_1274], %mul3A_1269 {strides = array<i32>} : memref<10112xf32, #tpu.memory_space<vmem>>, vector<16xf32>,
      %mul3A_1276 = arith.mulf %gather3A_1178, %get3A_1227 : vector<16xf32>
      %mul3A_1277 = arith.constant 128 : i32
      %mul3A_1278 = arith.muli %add3A_1089, %mul3A_1277 : i32
      %add3A_1279 = arith.constant 96 : i32
      %add3A_1280 = arith.addi %mul3A_1278, %add3A_1279 : i32
      %swap3A_1281 = arith.index_cast %add3A_1280 : i32 to index
      %swap3A_1282 = tpu.vector_load %arg12[%swap3A_1281] {strides = array<i32>} : memref<10112xf32, #tpu.memory_space<vmem>>, vector<16xf32>,
      tpu.vector_store %arg12[%swap3A_1281], %mul3A_1276 {strides = array<i32>} : memref<10112xf32, #tpu.memory_space<vmem>>, vector<16xf32>,
      %mul3A_1283 = arith.mulf %gather3A_1185, %get3A_1233 : vector<16xf32>
      %mul3A_1284 = arith.constant 128 : i32
      %mul3A_1285 = arith.muli %add3A_1089, %mul3A_1284 : i32
      %add3A_1286 = arith.constant 112 : i32
      %add3A_1287 = arith.addi %mul3A_1285, %add3A_1286 : i32
      %swap3A_1288 = arith.index_cast %add3A_1287 : i32 to index
      %swap3A_1289 = tpu.vector_load %arg12[%swap3A_1288] {strides = array<i32>} : memref<10112xf32, #tpu.memory_space<vmem>>, vector<16xf32>,
      tpu.vector_store %arg12[%swap3A_1288], %mul3A_1283 {strides = array<i32>} : memref<10112xf32, #tpu.memory_space<vmem>>, vector<16xf32>,
      %mul3A_1290 = arith.constant 128 : i32
      %mul3A_1291 = arith.muli %add3A_1089, %mul3A_1290 : i32
      %dma_start3A_1292 = arith.constant 1 : i32
      %dma_start3A_1293 = tpu.memref_slice %arg12[%mul3A_1291] : memref<10112xf32, #tpu.memory_space<vmem>> -> memref<128xf32, #tpu.memory_space<vmem>>
      %dma_start3A_1294 = arith.constant 0 : i32
      %dma_start3A_1295 = tpu.memref_slice %arg10[%add3A_1089, %dma_start3A_1292, %dma_start3A_1294] : memref<79x2x128xi32, #tpu.memory_space<vmem>> -> memref<1x1x128xi32, #tpu.memory_space<vmem>>
      %dma_start3A_1296 = tpu.memref_squeeze %dma_start3A_1295 : memref<1x1x128xi32, #tpu.memory_space<vmem>> -> memref<128xi32, #tpu.memory_space<vmem>>
      %dma_start3A_1297 = arith.constant 0 : i32
      %dma_start3A_1298 = tpu.memref_slice %arg15[%dma_start3A_1297] : memref<10240xf32, #tpu.memory_space<vmem_shared>> -> memref<10240xf32, #tpu.memory_space<vmem_shared>>
      tpu.enqueue_indirect_dma source(%dma_start3A_1293 : memref<128xf32, #tpu.memory_space<vmem>>) target(%dma_start3A_1298 : memref<10240xf32, #tpu.memory_space<vmem_shared>>) offsets(%dma_start3A_1296 : memref<128xi32, #tpu.memory_space<vmem>>) semaphore(%arg18 : memref<!tpu.dma_semaphore, #tpu.memory_space<semaphore_mem>>) {add = true}
      %dma_start3A_1299 = arith.constant 1 : i32
      %dma_start3A_1300 = arith.constant 0 : i32
      %dma_start3A_1301 = tpu.memref_slice %arg10[%add3A_1089, %dma_start3A_1299, %dma_start3A_1300] : memref<79x2x128xi32, #tpu.memory_space<vmem>> -> memref<1x1x128xi32, #tpu.memory_space<vmem>>
      %dma_start3A_1302 = tpu.memref_squeeze %dma_start3A_1301 : memref<1x1x128xi32, #tpu.memory_space<vmem>> -> memref<128xi32, #tpu.memory_space<vmem>>
      %dma_start3A_1303 = arith.constant 0 : i32
      %dma_start3A_1304 = tpu.memref_slice %arg16[%dma_start3A_1303] : memref<10240xf32, #tpu.memory_space<vmem_shared>> -> memref<10240xf32, #tpu.memory_space<vmem_shared>>
      tpu.enqueue_indirect_dma source(%arg13 : memref<128xf32, #tpu.memory_space<vmem>>) target(%dma_start3A_1304 : memref<10240xf32, #tpu.memory_space<vmem_shared>>) offsets(%dma_start3A_1302 : memref<128xi32, #tpu.memory_space<vmem>>) semaphore(%arg18 : memref<!tpu.dma_semaphore, #tpu.memory_space<semaphore_mem>>) {add = true}
      %mul3A_1305 = arith.constant 6 : i32
      %mul3A_1306 = arith.muli %scan3A_208, %mul3A_1305 : i32
      %add3A_1307 = arith.addi %sub3A, %mul3A_1306 : i32
      %add3A_1308 = arith.constant 5 : i32
      %add3A_1309 = arith.addi %add3A_1307, %add3A_1308 : i32
      %get3A_1310 = arith.constant 0 : i32
      %get3A_1311 = arith.index_cast %add3A_1309 : i32 to index
      %get3A_1312 = arith.index_cast %get3A_1310 : i32 to index
      %get3A_1313 = arith.constant 0 : index
      %get3A_1314 = tpu.vector_load %arg10[%get3A_1311, %get3A_1312, %get3A_1313] {strides = array<i32>} : memref<79x2x128xi32, #tpu.memory_space<vmem>>, vector<16xi32>,
      %get3A_1315 = arith.constant 0 : i32
      %get3A_1316 = arith.index_cast %add3A_1309 : i32 to index
      %get3A_1317 = arith.index_cast %get3A_1315 : i32 to index
      %get3A_1318 = arith.constant 16 : index
      %get3A_1319 = tpu.vector_load %arg10[%get3A_1316, %get3A_1317, %get3A_1318] {strides = array<i32>} : memref<79x2x128xi32, #tpu.memory_space<vmem>>, vector<16xi32>,
      %get3A_1320 = arith.constant 0 : i32
      %get3A_1321 = arith.index_cast %add3A_1309 : i32 to index
      %get3A_1322 = arith.index_cast %get3A_1320 : i32 to index
      %get3A_1323 = arith.constant 32 : index
      %get3A_1324 = tpu.vector_load %arg10[%get3A_1321, %get3A_1322, %get3A_1323] {strides = array<i32>} : memref<79x2x128xi32, #tpu.memory_space<vmem>>, vector<16xi32>,
      %get3A_1325 = arith.constant 0 : i32
      %get3A_1326 = arith.index_cast %add3A_1309 : i32 to index
      %get3A_1327 = arith.index_cast %get3A_1325 : i32 to index
      %get3A_1328 = arith.constant 48 : index
      %get3A_1329 = tpu.vector_load %arg10[%get3A_1326, %get3A_1327, %get3A_1328] {strides = array<i32>} : memref<79x2x128xi32, #tpu.memory_space<vmem>>, vector<16xi32>,
      %get3A_1330 = arith.constant 0 : i32
      %get3A_1331 = arith.index_cast %add3A_1309 : i32 to index
      %get3A_1332 = arith.index_cast %get3A_1330 : i32 to index
      %get3A_1333 = arith.constant 64 : index
      %get3A_1334 = tpu.vector_load %arg10[%get3A_1331, %get3A_1332, %get3A_1333] {strides = array<i32>} : memref<79x2x128xi32, #tpu.memory_space<vmem>>, vector<16xi32>,
      %get3A_1335 = arith.constant 0 : i32
      %get3A_1336 = arith.index_cast %add3A_1309 : i32 to index
      %get3A_1337 = arith.index_cast %get3A_1335 : i32 to index
      %get3A_1338 = arith.constant 80 : index
      %get3A_1339 = tpu.vector_load %arg10[%get3A_1336, %get3A_1337, %get3A_1338] {strides = array<i32>} : memref<79x2x128xi32, #tpu.memory_space<vmem>>, vector<16xi32>,
      %get3A_1340 = arith.constant 0 : i32
      %get3A_1341 = arith.index_cast %add3A_1309 : i32 to index
      %get3A_1342 = arith.index_cast %get3A_1340 : i32 to index
      %get3A_1343 = arith.constant 96 : index
      %get3A_1344 = tpu.vector_load %arg10[%get3A_1341, %get3A_1342, %get3A_1343] {strides = array<i32>} : memref<79x2x128xi32, #tpu.memory_space<vmem>>, vector<16xi32>,
      %get3A_1345 = arith.constant 0 : i32
      %get3A_1346 = arith.index_cast %add3A_1309 : i32 to index
      %get3A_1347 = arith.index_cast %get3A_1345 : i32 to index
      %get3A_1348 = arith.constant 112 : index
      %get3A_1349 = tpu.vector_load %arg10[%get3A_1346, %get3A_1347, %get3A_1348] {strides = array<i32>} : memref<79x2x128xi32, #tpu.memory_space<vmem>>, vector<16xi32>,
      %shift_right_logical3A_1350 = arith.constant 7 : i32
      %shift_right_logical3A_1351 = vector.broadcast %shift_right_logical3A_1350 : i32 to vector<16xi32>
      %shift_right_logical3A_1352 = arith.shrui %get3A_1314, %shift_right_logical3A_1351 : vector<16xi32>
      %and3A_1353 = arith.constant 127 : i32
      %and3A_1354 = vector.broadcast %and3A_1353 : i32 to vector<16xi32>
      %and3A_1355 = arith.andi %get3A_1314, %and3A_1354 : vector<16xi32>
      %gather3A_1356 = tpu.vector_load_idx %arg9[%shift_right_logical3A_1352, %and3A_1355] : memref<80x128xf32, #tpu.memory_space<vmem>>[vector<16xi32>, vector<16xi32>], vector<16xf32>,
      %shift_right_logical3A_1357 = arith.constant 7 : i32
      %shift_right_logical3A_1358 = vector.broadcast %shift_right_logical3A_1357 : i32 to vector<16xi32>
      %shift_right_logical3A_1359 = arith.shrui %get3A_1319, %shift_right_logical3A_1358 : vector<16xi32>
      %and3A_1360 = arith.constant 127 : i32
      %and3A_1361 = vector.broadcast %and3A_1360 : i32 to vector<16xi32>
      %and3A_1362 = arith.andi %get3A_1319, %and3A_1361 : vector<16xi32>
      %gather3A_1363 = tpu.vector_load_idx %arg9[%shift_right_logical3A_1359, %and3A_1362] : memref<80x128xf32, #tpu.memory_space<vmem>>[vector<16xi32>, vector<16xi32>], vector<16xf32>,
      %shift_right_logical3A_1364 = arith.constant 7 : i32
      %shift_right_logical3A_1365 = vector.broadcast %shift_right_logical3A_1364 : i32 to vector<16xi32>
      %shift_right_logical3A_1366 = arith.shrui %get3A_1324, %shift_right_logical3A_1365 : vector<16xi32>
      %and3A_1367 = arith.constant 127 : i32
      %and3A_1368 = vector.broadcast %and3A_1367 : i32 to vector<16xi32>
      %and3A_1369 = arith.andi %get3A_1324, %and3A_1368 : vector<16xi32>
      %gather3A_1370 = tpu.vector_load_idx %arg9[%shift_right_logical3A_1366, %and3A_1369] : memref<80x128xf32, #tpu.memory_space<vmem>>[vector<16xi32>, vector<16xi32>], vector<16xf32>,
      %shift_right_logical3A_1371 = arith.constant 7 : i32
      %shift_right_logical3A_1372 = vector.broadcast %shift_right_logical3A_1371 : i32 to vector<16xi32>
      %shift_right_logical3A_1373 = arith.shrui %get3A_1329, %shift_right_logical3A_1372 : vector<16xi32>
      %and3A_1374 = arith.constant 127 : i32
      %and3A_1375 = vector.broadcast %and3A_1374 : i32 to vector<16xi32>
      %and3A_1376 = arith.andi %get3A_1329, %and3A_1375 : vector<16xi32>
      %gather3A_1377 = tpu.vector_load_idx %arg9[%shift_right_logical3A_1373, %and3A_1376] : memref<80x128xf32, #tpu.memory_space<vmem>>[vector<16xi32>, vector<16xi32>], vector<16xf32>,
      %shift_right_logical3A_1378 = arith.constant 7 : i32
      %shift_right_logical3A_1379 = vector.broadcast %shift_right_logical3A_1378 : i32 to vector<16xi32>
      %shift_right_logical3A_1380 = arith.shrui %get3A_1334, %shift_right_logical3A_1379 : vector<16xi32>
      %and3A_1381 = arith.constant 127 : i32
      %and3A_1382 = vector.broadcast %and3A_1381 : i32 to vector<16xi32>
      %and3A_1383 = arith.andi %get3A_1334, %and3A_1382 : vector<16xi32>
      %gather3A_1384 = tpu.vector_load_idx %arg9[%shift_right_logical3A_1380, %and3A_1383] : memref<80x128xf32, #tpu.memory_space<vmem>>[vector<16xi32>, vector<16xi32>], vector<16xf32>,
      %shift_right_logical3A_1385 = arith.constant 7 : i32
      %shift_right_logical3A_1386 = vector.broadcast %shift_right_logical3A_1385 : i32 to vector<16xi32>
      %shift_right_logical3A_1387 = arith.shrui %get3A_1339, %shift_right_logical3A_1386 : vector<16xi32>
      %and3A_1388 = arith.constant 127 : i32
      %and3A_1389 = vector.broadcast %and3A_1388 : i32 to vector<16xi32>
      %and3A_1390 = arith.andi %get3A_1339, %and3A_1389 : vector<16xi32>
      %gather3A_1391 = tpu.vector_load_idx %arg9[%shift_right_logical3A_1387, %and3A_1390] : memref<80x128xf32, #tpu.memory_space<vmem>>[vector<16xi32>, vector<16xi32>], vector<16xf32>,
      %shift_right_logical3A_1392 = arith.constant 7 : i32
      %shift_right_logical3A_1393 = vector.broadcast %shift_right_logical3A_1392 : i32 to vector<16xi32>
      %shift_right_logical3A_1394 = arith.shrui %get3A_1344, %shift_right_logical3A_1393 : vector<16xi32>
      %and3A_1395 = arith.constant 127 : i32
      %and3A_1396 = vector.broadcast %and3A_1395 : i32 to vector<16xi32>
      %and3A_1397 = arith.andi %get3A_1344, %and3A_1396 : vector<16xi32>
      %gather3A_1398 = tpu.vector_load_idx %arg9[%shift_right_logical3A_1394, %and3A_1397] : memref<80x128xf32, #tpu.memory_space<vmem>>[vector<16xi32>, vector<16xi32>], vector<16xf32>,
      %shift_right_logical3A_1399 = arith.constant 7 : i32
      %shift_right_logical3A_1400 = vector.broadcast %shift_right_logical3A_1399 : i32 to vector<16xi32>
      %shift_right_logical3A_1401 = arith.shrui %get3A_1349, %shift_right_logical3A_1400 : vector<16xi32>
      %and3A_1402 = arith.constant 127 : i32
      %and3A_1403 = vector.broadcast %and3A_1402 : i32 to vector<16xi32>
      %and3A_1404 = arith.andi %get3A_1349, %and3A_1403 : vector<16xi32>
      %gather3A_1405 = tpu.vector_load_idx %arg9[%shift_right_logical3A_1401, %and3A_1404] : memref<80x128xf32, #tpu.memory_space<vmem>>[vector<16xi32>, vector<16xi32>], vector<16xf32>,
      %mul3A_1406 = arith.constant 128 : i32
      %mul3A_1407 = arith.muli %add3A_1309, %mul3A_1406 : i32
      %add3A_1408 = arith.constant 0 : i32
      %add3A_1409 = arith.addi %mul3A_1407, %add3A_1408 : i32
      %get3A_1410 = arith.index_cast %add3A_1409 : i32 to index
      %get3A_1411 = tpu.vector_load %arg11[%get3A_1410] {strides = array<i32>} : memref<10112xf32, #tpu.memory_space<vmem>>, vector<16xf32>,
      %mul3A_1412 = arith.constant 128 : i32
      %mul3A_1413 = arith.muli %add3A_1309, %mul3A_1412 : i32
      %add3A_1414 = arith.constant 16 : i32
      %add3A_1415 = arith.addi %mul3A_1413, %add3A_1414 : i32
      %get3A_1416 = arith.index_cast %add3A_1415 : i32 to index
      %get3A_1417 = tpu.vector_load %arg11[%get3A_1416] {strides = array<i32>} : memref<10112xf32, #tpu.memory_space<vmem>>, vector<16xf32>,
      %mul3A_1418 = arith.constant 128 : i32
      %mul3A_1419 = arith.muli %add3A_1309, %mul3A_1418 : i32
      %add3A_1420 = arith.constant 32 : i32
      %add3A_1421 = arith.addi %mul3A_1419, %add3A_1420 : i32
      %get3A_1422 = arith.index_cast %add3A_1421 : i32 to index
      %get3A_1423 = tpu.vector_load %arg11[%get3A_1422] {strides = array<i32>} : memref<10112xf32, #tpu.memory_space<vmem>>, vector<16xf32>,
      %mul3A_1424 = arith.constant 128 : i32
      %mul3A_1425 = arith.muli %add3A_1309, %mul3A_1424 : i32
      %add3A_1426 = arith.constant 48 : i32
      %add3A_1427 = arith.addi %mul3A_1425, %add3A_1426 : i32
      %get3A_1428 = arith.index_cast %add3A_1427 : i32 to index
      %get3A_1429 = tpu.vector_load %arg11[%get3A_1428] {strides = array<i32>} : memref<10112xf32, #tpu.memory_space<vmem>>, vector<16xf32>,
      %mul3A_1430 = arith.constant 128 : i32
      %mul3A_1431 = arith.muli %add3A_1309, %mul3A_1430 : i32
      %add3A_1432 = arith.constant 64 : i32
      %add3A_1433 = arith.addi %mul3A_1431, %add3A_1432 : i32
      %get3A_1434 = arith.index_cast %add3A_1433 : i32 to index
      %get3A_1435 = tpu.vector_load %arg11[%get3A_1434] {strides = array<i32>} : memref<10112xf32, #tpu.memory_space<vmem>>, vector<16xf32>,
      %mul3A_1436 = arith.constant 128 : i32
      %mul3A_1437 = arith.muli %add3A_1309, %mul3A_1436 : i32
      %add3A_1438 = arith.constant 80 : i32
      %add3A_1439 = arith.addi %mul3A_1437, %add3A_1438 : i32
      %get3A_1440 = arith.index_cast %add3A_1439 : i32 to index
      %get3A_1441 = tpu.vector_load %arg11[%get3A_1440] {strides = array<i32>} : memref<10112xf32, #tpu.memory_space<vmem>>, vector<16xf32>,
      %mul3A_1442 = arith.constant 128 : i32
      %mul3A_1443 = arith.muli %add3A_1309, %mul3A_1442 : i32
      %add3A_1444 = arith.constant 96 : i32
      %add3A_1445 = arith.addi %mul3A_1443, %add3A_1444 : i32
      %get3A_1446 = arith.index_cast %add3A_1445 : i32 to index
      %get3A_1447 = tpu.vector_load %arg11[%get3A_1446] {strides = array<i32>} : memref<10112xf32, #tpu.memory_space<vmem>>, vector<16xf32>,
      %mul3A_1448 = arith.constant 128 : i32
      %mul3A_1449 = arith.muli %add3A_1309, %mul3A_1448 : i32
      %add3A_1450 = arith.constant 112 : i32
      %add3A_1451 = arith.addi %mul3A_1449, %add3A_1450 : i32
      %get3A_1452 = arith.index_cast %add3A_1451 : i32 to index
      %get3A_1453 = tpu.vector_load %arg11[%get3A_1452] {strides = array<i32>} : memref<10112xf32, #tpu.memory_space<vmem>>, vector<16xf32>,
      %mul3A_1454 = arith.mulf %gather3A_1356, %get3A_1411 : vector<16xf32>
      %mul3A_1455 = arith.constant 128 : i32
      %mul3A_1456 = arith.muli %add3A_1309, %mul3A_1455 : i32
      %add3A_1457 = arith.constant 0 : i32
      %add3A_1458 = arith.addi %mul3A_1456, %add3A_1457 : i32
      %swap3A_1459 = arith.index_cast %add3A_1458 : i32 to index
      %swap3A_1460 = tpu.vector_load %arg12[%swap3A_1459] {strides = array<i32>} : memref<10112xf32, #tpu.memory_space<vmem>>, vector<16xf32>,
      tpu.vector_store %arg12[%swap3A_1459], %mul3A_1454 {strides = array<i32>} : memref<10112xf32, #tpu.memory_space<vmem>>, vector<16xf32>,
      %mul3A_1461 = arith.mulf %gather3A_1363, %get3A_1417 : vector<16xf32>
      %mul3A_1462 = arith.constant 128 : i32
      %mul3A_1463 = arith.muli %add3A_1309, %mul3A_1462 : i32
      %add3A_1464 = arith.constant 16 : i32
      %add3A_1465 = arith.addi %mul3A_1463, %add3A_1464 : i32
      %swap3A_1466 = arith.index_cast %add3A_1465 : i32 to index
      %swap3A_1467 = tpu.vector_load %arg12[%swap3A_1466] {strides = array<i32>} : memref<10112xf32, #tpu.memory_space<vmem>>, vector<16xf32>,
      tpu.vector_store %arg12[%swap3A_1466], %mul3A_1461 {strides = array<i32>} : memref<10112xf32, #tpu.memory_space<vmem>>, vector<16xf32>,
      %mul3A_1468 = arith.mulf %gather3A_1370, %get3A_1423 : vector<16xf32>
      %mul3A_1469 = arith.constant 128 : i32
      %mul3A_1470 = arith.muli %add3A_1309, %mul3A_1469 : i32
      %add3A_1471 = arith.constant 32 : i32
      %add3A_1472 = arith.addi %mul3A_1470, %add3A_1471 : i32
      %swap3A_1473 = arith.index_cast %add3A_1472 : i32 to index
      %swap3A_1474 = tpu.vector_load %arg12[%swap3A_1473] {strides = array<i32>} : memref<10112xf32, #tpu.memory_space<vmem>>, vector<16xf32>,
      tpu.vector_store %arg12[%swap3A_1473], %mul3A_1468 {strides = array<i32>} : memref<10112xf32, #tpu.memory_space<vmem>>, vector<16xf32>,
      %mul3A_1475 = arith.mulf %gather3A_1377, %get3A_1429 : vector<16xf32>
      %mul3A_1476 = arith.constant 128 : i32
      %mul3A_1477 = arith.muli %add3A_1309, %mul3A_1476 : i32
      %add3A_1478 = arith.constant 48 : i32
      %add3A_1479 = arith.addi %mul3A_1477, %add3A_1478 : i32
      %swap3A_1480 = arith.index_cast %add3A_1479 : i32 to index
      %swap3A_1481 = tpu.vector_load %arg12[%swap3A_1480] {strides = array<i32>} : memref<10112xf32, #tpu.memory_space<vmem>>, vector<16xf32>,
      tpu.vector_store %arg12[%swap3A_1480], %mul3A_1475 {strides = array<i32>} : memref<10112xf32, #tpu.memory_space<vmem>>, vector<16xf32>,
      %mul3A_1482 = arith.mulf %gather3A_1384, %get3A_1435 : vector<16xf32>
      %mul3A_1483 = arith.constant 128 : i32
      %mul3A_1484 = arith.muli %add3A_1309, %mul3A_1483 : i32
      %add3A_1485 = arith.constant 64 : i32
      %add3A_1486 = arith.addi %mul3A_1484, %add3A_1485 : i32
      %swap3A_1487 = arith.index_cast %add3A_1486 : i32 to index
      %swap3A_1488 = tpu.vector_load %arg12[%swap3A_1487] {strides = array<i32>} : memref<10112xf32, #tpu.memory_space<vmem>>, vector<16xf32>,
      tpu.vector_store %arg12[%swap3A_1487], %mul3A_1482 {strides = array<i32>} : memref<10112xf32, #tpu.memory_space<vmem>>, vector<16xf32>,
      %mul3A_1489 = arith.mulf %gather3A_1391, %get3A_1441 : vector<16xf32>
      %mul3A_1490 = arith.constant 128 : i32
      %mul3A_1491 = arith.muli %add3A_1309, %mul3A_1490 : i32
      %add3A_1492 = arith.constant 80 : i32
      %add3A_1493 = arith.addi %mul3A_1491, %add3A_1492 : i32
      %swap3A_1494 = arith.index_cast %add3A_1493 : i32 to index
      %swap3A_1495 = tpu.vector_load %arg12[%swap3A_1494] {strides = array<i32>} : memref<10112xf32, #tpu.memory_space<vmem>>, vector<16xf32>,
      tpu.vector_store %arg12[%swap3A_1494], %mul3A_1489 {strides = array<i32>} : memref<10112xf32, #tpu.memory_space<vmem>>, vector<16xf32>,
      %mul3A_1496 = arith.mulf %gather3A_1398, %get3A_1447 : vector<16xf32>
      %mul3A_1497 = arith.constant 128 : i32
      %mul3A_1498 = arith.muli %add3A_1309, %mul3A_1497 : i32
      %add3A_1499 = arith.constant 96 : i32
      %add3A_1500 = arith.addi %mul3A_1498, %add3A_1499 : i32
      %swap3A_1501 = arith.index_cast %add3A_1500 : i32 to index
      %swap3A_1502 = tpu.vector_load %arg12[%swap3A_1501] {strides = array<i32>} : memref<10112xf32, #tpu.memory_space<vmem>>, vector<16xf32>,
      tpu.vector_store %arg12[%swap3A_1501], %mul3A_1496 {strides = array<i32>} : memref<10112xf32, #tpu.memory_space<vmem>>, vector<16xf32>,
      %mul3A_1503 = arith.mulf %gather3A_1405, %get3A_1453 : vector<16xf32>
      %mul3A_1504 = arith.constant 128 : i32
      %mul3A_1505 = arith.muli %add3A_1309, %mul3A_1504 : i32
      %add3A_1506 = arith.constant 112 : i32
      %add3A_1507 = arith.addi %mul3A_1505, %add3A_1506 : i32
      %swap3A_1508 = arith.index_cast %add3A_1507 : i32 to index
      %swap3A_1509 = tpu.vector_load %arg12[%swap3A_1508] {strides = array<i32>} : memref<10112xf32, #tpu.memory_space<vmem>>, vector<16xf32>,
      tpu.vector_store %arg12[%swap3A_1508], %mul3A_1503 {strides = array<i32>} : memref<10112xf32, #tpu.memory_space<vmem>>, vector<16xf32>,
      %mul3A_1510 = arith.constant 128 : i32
      %mul3A_1511 = arith.muli %add3A_1309, %mul3A_1510 : i32
      %dma_start3A_1512 = arith.constant 1 : i32
      %dma_start3A_1513 = tpu.memref_slice %arg12[%mul3A_1511] : memref<10112xf32, #tpu.memory_space<vmem>> -> memref<128xf32, #tpu.memory_space<vmem>>
      %dma_start3A_1514 = arith.constant 0 : i32
      %dma_start3A_1515 = tpu.memref_slice %arg10[%add3A_1309, %dma_start3A_1512, %dma_start3A_1514] : memref<79x2x128xi32, #tpu.memory_space<vmem>> -> memref<1x1x128xi32, #tpu.memory_space<vmem>>
      %dma_start3A_1516 = tpu.memref_squeeze %dma_start3A_1515 : memref<1x1x128xi32, #tpu.memory_space<vmem>> -> memref<128xi32, #tpu.memory_space<vmem>>
      %dma_start3A_1517 = arith.constant 0 : i32
      %dma_start3A_1518 = tpu.memref_slice %arg15[%dma_start3A_1517] : memref<10240xf32, #tpu.memory_space<vmem_shared>> -> memref<10240xf32, #tpu.memory_space<vmem_shared>>
      tpu.enqueue_indirect_dma source(%dma_start3A_1513 : memref<128xf32, #tpu.memory_space<vmem>>) target(%dma_start3A_1518 : memref<10240xf32, #tpu.memory_space<vmem_shared>>) offsets(%dma_start3A_1516 : memref<128xi32, #tpu.memory_space<vmem>>) semaphore(%arg18 : memref<!tpu.dma_semaphore, #tpu.memory_space<semaphore_mem>>) {add = true}
      %dma_start3A_1519 = arith.constant 1 : i32
      %dma_start3A_1520 = arith.constant 0 : i32
      %dma_start3A_1521 = tpu.memref_slice %arg10[%add3A_1309, %dma_start3A_1519, %dma_start3A_1520] : memref<79x2x128xi32, #tpu.memory_space<vmem>> -> memref<1x1x128xi32, #tpu.memory_space<vmem>>
      %dma_start3A_1522 = tpu.memref_squeeze %dma_start3A_1521 : memref<1x1x128xi32, #tpu.memory_space<vmem>> -> memref<128xi32, #tpu.memory_space<vmem>>
      %dma_start3A_1523 = arith.constant 0 : i32
      %dma_start3A_1524 = tpu.memref_slice %arg16[%dma_start3A_1523] : memref<10240xf32, #tpu.memory_space<vmem_shared>> -> memref<10240xf32, #tpu.memory_space<vmem_shared>>
      tpu.enqueue_indirect_dma source(%arg13 : memref<128xf32, #tpu.memory_space<vmem>>) target(%dma_start3A_1524 : memref<10240xf32, #tpu.memory_space<vmem_shared>>) offsets(%dma_start3A_1522 : memref<128xi32, #tpu.memory_space<vmem>>) semaphore(%arg18 : memref<!tpu.dma_semaphore, #tpu.memory_space<semaphore_mem>>) {add = true}
      %gt3A = arith.constant 0 : i32
      %gt3A_1525 = arith.cmpi sgt, %scan3A_208, %gt3A : i32
      %convert_element_type3A_1526 = arith.extui %gt3A_1525 : i1 to i32
      %cond3A_1527 = arith.constant 0 : i32
      %cond3A_1528 = arith.cmpi ne, %convert_element_type3A_1526, %cond3A_1527 : i32
      scf.if %cond3A_1528 {
        %sub3A_1529 = arith.constant 1 : i32
        %sub3A_1530 = arith.subi %scan3A_208, %sub3A_1529 : i32
        %mul3A_1531 = arith.constant 6 : i32
        %mul3A_1532 = arith.muli %sub3A_1530, %mul3A_1531 : i32
        %add3A_1533 = arith.addi %sub3A, %mul3A_1532 : i32
        %add3A_1534 = arith.constant 0 : i32
        %add3A_1535 = arith.addi %add3A_1533, %add3A_1534 : i32
        %mul3A_1536 = arith.constant 128 : i32
        %mul3A_1537 = arith.muli %add3A_1535, %mul3A_1536 : i32
        %dma_wait3A_1538 = arith.constant 1 : i32
        %dma_wait3A_1539 = tpu.memref_slice %arg12[%mul3A_1537] : memref<10112xf32, #tpu.memory_space<vmem>> -> memref<128xf32, #tpu.memory_space<vmem>>
        %dma_wait3A_1540 = arith.constant 0 : i32
        %dma_wait3A_1541 = tpu.memref_slice %arg10[%add3A_1535, %dma_wait3A_1538, %dma_wait3A_1540] : memref<79x2x128xi32, #tpu.memory_space<vmem>> -> memref<1x1x128xi32, #tpu.memory_space<vmem>>
        %dma_wait3A_1542 = tpu.memref_squeeze %dma_wait3A_1541 : memref<1x1x128xi32, #tpu.memory_space<vmem>> -> memref<128xi32, #tpu.memory_space<vmem>>
        %dma_wait3A_1543 = arith.constant 0 : i32
        %dma_wait3A_1544 = tpu.memref_slice %arg15[%dma_wait3A_1543] : memref<10240xf32, #tpu.memory_space<vmem_shared>> -> memref<10240xf32, #tpu.memory_space<vmem_shared>>
        tpu.wait_indirect_dma semaphore(%arg18 : memref<!tpu.dma_semaphore, #tpu.memory_space<semaphore_mem>>) src(%dma_wait3A_1539 : memref<128xf32, #tpu.memory_space<vmem>>) dst(%dma_wait3A_1544 : memref<10240xf32, #tpu.memory_space<vmem_shared>>)
        %dma_wait3A_1545 = arith.constant 1 : i32
        %dma_wait3A_1546 = arith.constant 0 : i32
        %dma_wait3A_1547 = tpu.memref_slice %arg10[%add3A_1535, %dma_wait3A_1545, %dma_wait3A_1546] : memref<79x2x128xi32, #tpu.memory_space<vmem>> -> memref<1x1x128xi32, #tpu.memory_space<vmem>>
        %dma_wait3A_1548 = tpu.memref_squeeze %dma_wait3A_1547 : memref<1x1x128xi32, #tpu.memory_space<vmem>> -> memref<128xi32, #tpu.memory_space<vmem>>
        %dma_wait3A_1549 = arith.constant 0 : i32
        %dma_wait3A_1550 = tpu.memref_slice %arg16[%dma_wait3A_1549] : memref<10240xf32, #tpu.memory_space<vmem_shared>> -> memref<10240xf32, #tpu.memory_space<vmem_shared>>
        tpu.wait_indirect_dma semaphore(%arg18 : memref<!tpu.dma_semaphore, #tpu.memory_space<semaphore_mem>>) src(%arg13 : memref<128xf32, #tpu.memory_space<vmem>>) dst(%dma_wait3A_1550 : memref<10240xf32, #tpu.memory_space<vmem_shared>>)
        %sub3A_1551 = arith.constant 1 : i32
        %sub3A_1552 = arith.subi %scan3A_208, %sub3A_1551 : i32
        %mul3A_1553 = arith.constant 6 : i32
        %mul3A_1554 = arith.muli %sub3A_1552, %mul3A_1553 : i32
        %add3A_1555 = arith.addi %sub3A, %mul3A_1554 : i32
        %add3A_1556 = arith.constant 1 : i32
        %add3A_1557 = arith.addi %add3A_1555, %add3A_1556 : i32
        %mul3A_1558 = arith.constant 128 : i32
        %mul3A_1559 = arith.muli %add3A_1557, %mul3A_1558 : i32
        %dma_wait3A_1560 = arith.constant 1 : i32
        %dma_wait3A_1561 = tpu.memref_slice %arg12[%mul3A_1559] : memref<10112xf32, #tpu.memory_space<vmem>> -> memref<128xf32, #tpu.memory_space<vmem>>
        %dma_wait3A_1562 = arith.constant 0 : i32
        %dma_wait3A_1563 = tpu.memref_slice %arg10[%add3A_1557, %dma_wait3A_1560, %dma_wait3A_1562] : memref<79x2x128xi32, #tpu.memory_space<vmem>> -> memref<1x1x128xi32, #tpu.memory_space<vmem>>
        %dma_wait3A_1564 = tpu.memref_squeeze %dma_wait3A_1563 : memref<1x1x128xi32, #tpu.memory_space<vmem>> -> memref<128xi32, #tpu.memory_space<vmem>>
        %dma_wait3A_1565 = arith.constant 0 : i32
        %dma_wait3A_1566 = tpu.memref_slice %arg15[%dma_wait3A_1565] : memref<10240xf32, #tpu.memory_space<vmem_shared>> -> memref<10240xf32, #tpu.memory_space<vmem_shared>>
        tpu.wait_indirect_dma semaphore(%arg18 : memref<!tpu.dma_semaphore, #tpu.memory_space<semaphore_mem>>) src(%dma_wait3A_1561 : memref<128xf32, #tpu.memory_space<vmem>>) dst(%dma_wait3A_1566 : memref<10240xf32, #tpu.memory_space<vmem_shared>>)
        %dma_wait3A_1567 = arith.constant 1 : i32
        %dma_wait3A_1568 = arith.constant 0 : i32
        %dma_wait3A_1569 = tpu.memref_slice %arg10[%add3A_1557, %dma_wait3A_1567, %dma_wait3A_1568] : memref<79x2x128xi32, #tpu.memory_space<vmem>> -> memref<1x1x128xi32, #tpu.memory_space<vmem>>
        %dma_wait3A_1570 = tpu.memref_squeeze %dma_wait3A_1569 : memref<1x1x128xi32, #tpu.memory_space<vmem>> -> memref<128xi32, #tpu.memory_space<vmem>>
        %dma_wait3A_1571 = arith.constant 0 : i32
        %dma_wait3A_1572 = tpu.memref_slice %arg16[%dma_wait3A_1571] : memref<10240xf32, #tpu.memory_space<vmem_shared>> -> memref<10240xf32, #tpu.memory_space<vmem_shared>>
        tpu.wait_indirect_dma semaphore(%arg18 : memref<!tpu.dma_semaphore, #tpu.memory_space<semaphore_mem>>) src(%arg13 : memref<128xf32, #tpu.memory_space<vmem>>) dst(%dma_wait3A_1572 : memref<10240xf32, #tpu.memory_space<vmem_shared>>)
        %sub3A_1573 = arith.constant 1 : i32
        %sub3A_1574 = arith.subi %scan3A_208, %sub3A_1573 : i32
        %mul3A_1575 = arith.constant 6 : i32
        %mul3A_1576 = arith.muli %sub3A_1574, %mul3A_1575 : i32
        %add3A_1577 = arith.addi %sub3A, %mul3A_1576 : i32
        %add3A_1578 = arith.constant 2 : i32
        %add3A_1579 = arith.addi %add3A_1577, %add3A_1578 : i32
        %mul3A_1580 = arith.constant 128 : i32
        %mul3A_1581 = arith.muli %add3A_1579, %mul3A_1580 : i32
        %dma_wait3A_1582 = arith.constant 1 : i32
        %dma_wait3A_1583 = tpu.memref_slice %arg12[%mul3A_1581] : memref<10112xf32, #tpu.memory_space<vmem>> -> memref<128xf32, #tpu.memory_space<vmem>>
        %dma_wait3A_1584 = arith.constant 0 : i32
        %dma_wait3A_1585 = tpu.memref_slice %arg10[%add3A_1579, %dma_wait3A_1582, %dma_wait3A_1584] : memref<79x2x128xi32, #tpu.memory_space<vmem>> -> memref<1x1x128xi32, #tpu.memory_space<vmem>>
        %dma_wait3A_1586 = tpu.memref_squeeze %dma_wait3A_1585 : memref<1x1x128xi32, #tpu.memory_space<vmem>> -> memref<128xi32, #tpu.memory_space<vmem>>
        %dma_wait3A_1587 = arith.constant 0 : i32
        %dma_wait3A_1588 = tpu.memref_slice %arg15[%dma_wait3A_1587] : memref<10240xf32, #tpu.memory_space<vmem_shared>> -> memref<10240xf32, #tpu.memory_space<vmem_shared>>
        tpu.wait_indirect_dma semaphore(%arg18 : memref<!tpu.dma_semaphore, #tpu.memory_space<semaphore_mem>>) src(%dma_wait3A_1583 : memref<128xf32, #tpu.memory_space<vmem>>) dst(%dma_wait3A_1588 : memref<10240xf32, #tpu.memory_space<vmem_shared>>)
        %dma_wait3A_1589 = arith.constant 1 : i32
        %dma_wait3A_1590 = arith.constant 0 : i32
        %dma_wait3A_1591 = tpu.memref_slice %arg10[%add3A_1579, %dma_wait3A_1589, %dma_wait3A_1590] : memref<79x2x128xi32, #tpu.memory_space<vmem>> -> memref<1x1x128xi32, #tpu.memory_space<vmem>>
        %dma_wait3A_1592 = tpu.memref_squeeze %dma_wait3A_1591 : memref<1x1x128xi32, #tpu.memory_space<vmem>> -> memref<128xi32, #tpu.memory_space<vmem>>
        %dma_wait3A_1593 = arith.constant 0 : i32
        %dma_wait3A_1594 = tpu.memref_slice %arg16[%dma_wait3A_1593] : memref<10240xf32, #tpu.memory_space<vmem_shared>> -> memref<10240xf32, #tpu.memory_space<vmem_shared>>
        tpu.wait_indirect_dma semaphore(%arg18 : memref<!tpu.dma_semaphore, #tpu.memory_space<semaphore_mem>>) src(%arg13 : memref<128xf32, #tpu.memory_space<vmem>>) dst(%dma_wait3A_1594 : memref<10240xf32, #tpu.memory_space<vmem_shared>>)
        %sub3A_1595 = arith.constant 1 : i32
        %sub3A_1596 = arith.subi %scan3A_208, %sub3A_1595 : i32
        %mul3A_1597 = arith.constant 6 : i32
        %mul3A_1598 = arith.muli %sub3A_1596, %mul3A_1597 : i32
        %add3A_1599 = arith.addi %sub3A, %mul3A_1598 : i32
        %add3A_1600 = arith.constant 3 : i32
        %add3A_1601 = arith.addi %add3A_1599, %add3A_1600 : i32
        %mul3A_1602 = arith.constant 128 : i32
        %mul3A_1603 = arith.muli %add3A_1601, %mul3A_1602 : i32
        %dma_wait3A_1604 = arith.constant 1 : i32
        %dma_wait3A_1605 = tpu.memref_slice %arg12[%mul3A_1603] : memref<10112xf32, #tpu.memory_space<vmem>> -> memref<128xf32, #tpu.memory_space<vmem>>
        %dma_wait3A_1606 = arith.constant 0 : i32
        %dma_wait3A_1607 = tpu.memref_slice %arg10[%add3A_1601, %dma_wait3A_1604, %dma_wait3A_1606] : memref<79x2x128xi32, #tpu.memory_space<vmem>> -> memref<1x1x128xi32, #tpu.memory_space<vmem>>
        %dma_wait3A_1608 = tpu.memref_squeeze %dma_wait3A_1607 : memref<1x1x128xi32, #tpu.memory_space<vmem>> -> memref<128xi32, #tpu.memory_space<vmem>>
        %dma_wait3A_1609 = arith.constant 0 : i32
        %dma_wait3A_1610 = tpu.memref_slice %arg15[%dma_wait3A_1609] : memref<10240xf32, #tpu.memory_space<vmem_shared>> -> memref<10240xf32, #tpu.memory_space<vmem_shared>>
        tpu.wait_indirect_dma semaphore(%arg18 : memref<!tpu.dma_semaphore, #tpu.memory_space<semaphore_mem>>) src(%dma_wait3A_1605 : memref<128xf32, #tpu.memory_space<vmem>>) dst(%dma_wait3A_1610 : memref<10240xf32, #tpu.memory_space<vmem_shared>>)
        %dma_wait3A_1611 = arith.constant 1 : i32
        %dma_wait3A_1612 = arith.constant 0 : i32
        %dma_wait3A_1613 = tpu.memref_slice %arg10[%add3A_1601, %dma_wait3A_1611, %dma_wait3A_1612] : memref<79x2x128xi32, #tpu.memory_space<vmem>> -> memref<1x1x128xi32, #tpu.memory_space<vmem>>
        %dma_wait3A_1614 = tpu.memref_squeeze %dma_wait3A_1613 : memref<1x1x128xi32, #tpu.memory_space<vmem>> -> memref<128xi32, #tpu.memory_space<vmem>>
        %dma_wait3A_1615 = arith.constant 0 : i32
        %dma_wait3A_1616 = tpu.memref_slice %arg16[%dma_wait3A_1615] : memref<10240xf32, #tpu.memory_space<vmem_shared>> -> memref<10240xf32, #tpu.memory_space<vmem_shared>>
        tpu.wait_indirect_dma semaphore(%arg18 : memref<!tpu.dma_semaphore, #tpu.memory_space<semaphore_mem>>) src(%arg13 : memref<128xf32, #tpu.memory_space<vmem>>) dst(%dma_wait3A_1616 : memref<10240xf32, #tpu.memory_space<vmem_shared>>)
        %sub3A_1617 = arith.constant 1 : i32
        %sub3A_1618 = arith.subi %scan3A_208, %sub3A_1617 : i32
        %mul3A_1619 = arith.constant 6 : i32
        %mul3A_1620 = arith.muli %sub3A_1618, %mul3A_1619 : i32
        %add3A_1621 = arith.addi %sub3A, %mul3A_1620 : i32
        %add3A_1622 = arith.constant 4 : i32
        %add3A_1623 = arith.addi %add3A_1621, %add3A_1622 : i32
        %mul3A_1624 = arith.constant 128 : i32
        %mul3A_1625 = arith.muli %add3A_1623, %mul3A_1624 : i32
        %dma_wait3A_1626 = arith.constant 1 : i32
        %dma_wait3A_1627 = tpu.memref_slice %arg12[%mul3A_1625] : memref<10112xf32, #tpu.memory_space<vmem>> -> memref<128xf32, #tpu.memory_space<vmem>>
        %dma_wait3A_1628 = arith.constant 0 : i32
        %dma_wait3A_1629 = tpu.memref_slice %arg10[%add3A_1623, %dma_wait3A_1626, %dma_wait3A_1628] : memref<79x2x128xi32, #tpu.memory_space<vmem>> -> memref<1x1x128xi32, #tpu.memory_space<vmem>>
        %dma_wait3A_1630 = tpu.memref_squeeze %dma_wait3A_1629 : memref<1x1x128xi32, #tpu.memory_space<vmem>> -> memref<128xi32, #tpu.memory_space<vmem>>
        %dma_wait3A_1631 = arith.constant 0 : i32
        %dma_wait3A_1632 = tpu.memref_slice %arg15[%dma_wait3A_1631] : memref<10240xf32, #tpu.memory_space<vmem_shared>> -> memref<10240xf32, #tpu.memory_space<vmem_shared>>
        tpu.wait_indirect_dma semaphore(%arg18 : memref<!tpu.dma_semaphore, #tpu.memory_space<semaphore_mem>>) src(%dma_wait3A_1627 : memref<128xf32, #tpu.memory_space<vmem>>) dst(%dma_wait3A_1632 : memref<10240xf32, #tpu.memory_space<vmem_shared>>)
        %dma_wait3A_1633 = arith.constant 1 : i32
        %dma_wait3A_1634 = arith.constant 0 : i32
        %dma_wait3A_1635 = tpu.memref_slice %arg10[%add3A_1623, %dma_wait3A_1633, %dma_wait3A_1634] : memref<79x2x128xi32, #tpu.memory_space<vmem>> -> memref<1x1x128xi32, #tpu.memory_space<vmem>>
        %dma_wait3A_1636 = tpu.memref_squeeze %dma_wait3A_1635 : memref<1x1x128xi32, #tpu.memory_space<vmem>> -> memref<128xi32, #tpu.memory_space<vmem>>
        %dma_wait3A_1637 = arith.constant 0 : i32
        %dma_wait3A_1638 = tpu.memref_slice %arg16[%dma_wait3A_1637] : memref<10240xf32, #tpu.memory_space<vmem_shared>> -> memref<10240xf32, #tpu.memory_space<vmem_shared>>
        tpu.wait_indirect_dma semaphore(%arg18 : memref<!tpu.dma_semaphore, #tpu.memory_space<semaphore_mem>>) src(%arg13 : memref<128xf32, #tpu.memory_space<vmem>>) dst(%dma_wait3A_1638 : memref<10240xf32, #tpu.memory_space<vmem_shared>>)
        %sub3A_1639 = arith.constant 1 : i32
        %sub3A_1640 = arith.subi %scan3A_208, %sub3A_1639 : i32
        %mul3A_1641 = arith.constant 6 : i32
        %mul3A_1642 = arith.muli %sub3A_1640, %mul3A_1641 : i32
        %add3A_1643 = arith.addi %sub3A, %mul3A_1642 : i32
        %add3A_1644 = arith.constant 5 : i32
        %add3A_1645 = arith.addi %add3A_1643, %add3A_1644 : i32
        %mul3A_1646 = arith.constant 128 : i32
        %mul3A_1647 = arith.muli %add3A_1645, %mul3A_1646 : i32
        %dma_wait3A_1648 = arith.constant 1 : i32
        %dma_wait3A_1649 = tpu.memref_slice %arg12[%mul3A_1647] : memref<10112xf32, #tpu.memory_space<vmem>> -> memref<128xf32, #tpu.memory_space<vmem>>
        %dma_wait3A_1650 = arith.constant 0 : i32
        %dma_wait3A_1651 = tpu.memref_slice %arg10[%add3A_1645, %dma_wait3A_1648, %dma_wait3A_1650] : memref<79x2x128xi32, #tpu.memory_space<vmem>> -> memref<1x1x128xi32, #tpu.memory_space<vmem>>
        %dma_wait3A_1652 = tpu.memref_squeeze %dma_wait3A_1651 : memref<1x1x128xi32, #tpu.memory_space<vmem>> -> memref<128xi32, #tpu.memory_space<vmem>>
        %dma_wait3A_1653 = arith.constant 0 : i32
        %dma_wait3A_1654 = tpu.memref_slice %arg15[%dma_wait3A_1653] : memref<10240xf32, #tpu.memory_space<vmem_shared>> -> memref<10240xf32, #tpu.memory_space<vmem_shared>>
        tpu.wait_indirect_dma semaphore(%arg18 : memref<!tpu.dma_semaphore, #tpu.memory_space<semaphore_mem>>) src(%dma_wait3A_1649 : memref<128xf32, #tpu.memory_space<vmem>>) dst(%dma_wait3A_1654 : memref<10240xf32, #tpu.memory_space<vmem_shared>>)
        %dma_wait3A_1655 = arith.constant 1 : i32
        %dma_wait3A_1656 = arith.constant 0 : i32
        %dma_wait3A_1657 = tpu.memref_slice %arg10[%add3A_1645, %dma_wait3A_1655, %dma_wait3A_1656] : memref<79x2x128xi32, #tpu.memory_space<vmem>> -> memref<1x1x128xi32, #tpu.memory_space<vmem>>
        %dma_wait3A_1658 = tpu.memref_squeeze %dma_wait3A_1657 : memref<1x1x128xi32, #tpu.memory_space<vmem>> -> memref<128xi32, #tpu.memory_space<vmem>>
        %dma_wait3A_1659 = arith.constant 0 : i32
        %dma_wait3A_1660 = tpu.memref_slice %arg16[%dma_wait3A_1659] : memref<10240xf32, #tpu.memory_space<vmem_shared>> -> memref<10240xf32, #tpu.memory_space<vmem_shared>>
        tpu.wait_indirect_dma semaphore(%arg18 : memref<!tpu.dma_semaphore, #tpu.memory_space<semaphore_mem>>) src(%arg13 : memref<128xf32, #tpu.memory_space<vmem>>) dst(%dma_wait3A_1660 : memref<10240xf32, #tpu.memory_space<vmem_shared>>)
      } else {
      }
    }
    %scan3A_67 = arith.constant 13 : i32
    %add3A_68 = arith.constant 78 : i32
    %add3A_69 = arith.addi %sub3A, %add3A_68 : i32
    %sub3A_70 = arith.constant 6 : i32
    %sub3A_71 = arith.subi %add3A_69, %sub3A_70 : i32
    %add3A_72 = arith.constant 0 : i32
    %add3A_73 = arith.addi %sub3A_71, %add3A_72 : i32
    %mul3A_74 = arith.constant 128 : i32
    %mul3A_75 = arith.muli %add3A_73, %mul3A_74 : i32
    %dma_wait3A_76 = arith.constant 1 : i32
    %dma_wait3A_77 = tpu.memref_slice %arg12[%mul3A_75] : memref<10112xf32, #tpu.memory_space<vmem>> -> memref<128xf32, #tpu.memory_space<vmem>>
    %dma_wait3A_78 = arith.constant 0 : i32
    %dma_wait3A_79 = tpu.memref_slice %arg10[%add3A_73, %dma_wait3A_76, %dma_wait3A_78] : memref<79x2x128xi32, #tpu.memory_space<vmem>> -> memref<1x1x128xi32, #tpu.memory_space<vmem>>
    %dma_wait3A_80 = tpu.memref_squeeze %dma_wait3A_79 : memref<1x1x128xi32, #tpu.memory_space<vmem>> -> memref<128xi32, #tpu.memory_space<vmem>>
    %dma_wait3A_81 = arith.constant 0 : i32
    %dma_wait3A_82 = tpu.memref_slice %arg15[%dma_wait3A_81] : memref<10240xf32, #tpu.memory_space<vmem_shared>> -> memref<10240xf32, #tpu.memory_space<vmem_shared>>
    tpu.wait_indirect_dma semaphore(%arg18 : memref<!tpu.dma_semaphore, #tpu.memory_space<semaphore_mem>>) src(%dma_wait3A_77 : memref<128xf32, #tpu.memory_space<vmem>>) dst(%dma_wait3A_82 : memref<10240xf32, #tpu.memory_space<vmem_shared>>)
    %dma_wait3A_83 = arith.constant 1 : i32
    %dma_wait3A_84 = arith.constant 0 : i32
    %dma_wait3A_85 = tpu.memref_slice %arg10[%add3A_73, %dma_wait3A_83, %dma_wait3A_84] : memref<79x2x128xi32, #tpu.memory_space<vmem>> -> memref<1x1x128xi32, #tpu.memory_space<vmem>>
    %dma_wait3A_86 = tpu.memref_squeeze %dma_wait3A_85 : memref<1x1x128xi32, #tpu.memory_space<vmem>> -> memref<128xi32, #tpu.memory_space<vmem>>
    %dma_wait3A_87 = arith.constant 0 : i32
    %dma_wait3A_88 = tpu.memref_slice %arg16[%dma_wait3A_87] : memref<10240xf32, #tpu.memory_space<vmem_shared>> -> memref<10240xf32, #tpu.memory_space<vmem_shared>>
    tpu.wait_indirect_dma semaphore(%arg18 : memref<!tpu.dma_semaphore, #tpu.memory_space<semaphore_mem>>) src(%arg13 : memref<128xf32, #tpu.memory_space<vmem>>) dst(%dma_wait3A_88 : memref<10240xf32, #tpu.memory_space<vmem_shared>>)
    %add3A_89 = arith.constant 78 : i32
    %add3A_90 = arith.addi %sub3A, %add3A_89 : i32
    %sub3A_91 = arith.constant 6 : i32
    %sub3A_92 = arith.subi %add3A_90, %sub3A_91 : i32
    %add3A_93 = arith.constant 1 : i32
    %add3A_94 = arith.addi %sub3A_92, %add3A_93 : i32
    %mul3A_95 = arith.constant 128 : i32
    %mul3A_96 = arith.muli %add3A_94, %mul3A_95 : i32
    %dma_wait3A_97 = arith.constant 1 : i32
    %dma_wait3A_98 = tpu.memref_slice %arg12[%mul3A_96] : memref<10112xf32, #tpu.memory_space<vmem>> -> memref<128xf32, #tpu.memory_space<vmem>>
    %dma_wait3A_99 = arith.constant 0 : i32
    %dma_wait3A_100 = tpu.memref_slice %arg10[%add3A_94, %dma_wait3A_97, %dma_wait3A_99] : memref<79x2x128xi32, #tpu.memory_space<vmem>> -> memref<1x1x128xi32, #tpu.memory_space<vmem>>
    %dma_wait3A_101 = tpu.memref_squeeze %dma_wait3A_100 : memref<1x1x128xi32, #tpu.memory_space<vmem>> -> memref<128xi32, #tpu.memory_space<vmem>>
    %dma_wait3A_102 = arith.constant 0 : i32
    %dma_wait3A_103 = tpu.memref_slice %arg15[%dma_wait3A_102] : memref<10240xf32, #tpu.memory_space<vmem_shared>> -> memref<10240xf32, #tpu.memory_space<vmem_shared>>
    tpu.wait_indirect_dma semaphore(%arg18 : memref<!tpu.dma_semaphore, #tpu.memory_space<semaphore_mem>>) src(%dma_wait3A_98 : memref<128xf32, #tpu.memory_space<vmem>>) dst(%dma_wait3A_103 : memref<10240xf32, #tpu.memory_space<vmem_shared>>)
    %dma_wait3A_104 = arith.constant 1 : i32
    %dma_wait3A_105 = arith.constant 0 : i32
    %dma_wait3A_106 = tpu.memref_slice %arg10[%add3A_94, %dma_wait3A_104, %dma_wait3A_105] : memref<79x2x128xi32, #tpu.memory_space<vmem>> -> memref<1x1x128xi32, #tpu.memory_space<vmem>>
    %dma_wait3A_107 = tpu.memref_squeeze %dma_wait3A_106 : memref<1x1x128xi32, #tpu.memory_space<vmem>> -> memref<128xi32, #tpu.memory_space<vmem>>
    %dma_wait3A_108 = arith.constant 0 : i32
    %dma_wait3A_109 = tpu.memref_slice %arg16[%dma_wait3A_108] : memref<10240xf32, #tpu.memory_space<vmem_shared>> -> memref<10240xf32, #tpu.memory_space<vmem_shared>>
    tpu.wait_indirect_dma semaphore(%arg18 : memref<!tpu.dma_semaphore, #tpu.memory_space<semaphore_mem>>) src(%arg13 : memref<128xf32, #tpu.memory_space<vmem>>) dst(%dma_wait3A_109 : memref<10240xf32, #tpu.memory_space<vmem_shared>>)
    %add3A_110 = arith.constant 78 : i32
    %add3A_111 = arith.addi %sub3A, %add3A_110 : i32
    %sub3A_112 = arith.constant 6 : i32
    %sub3A_113 = arith.subi %add3A_111, %sub3A_112 : i32
    %add3A_114 = arith.constant 2 : i32
    %add3A_115 = arith.addi %sub3A_113, %add3A_114 : i32
    %mul3A_116 = arith.constant 128 : i32
    %mul3A_117 = arith.muli %add3A_115, %mul3A_116 : i32
    %dma_wait3A_118 = arith.constant 1 : i32
    %dma_wait3A_119 = tpu.memref_slice %arg12[%mul3A_117] : memref<10112xf32, #tpu.memory_space<vmem>> -> memref<128xf32, #tpu.memory_space<vmem>>
    %dma_wait3A_120 = arith.constant 0 : i32
    %dma_wait3A_121 = tpu.memref_slice %arg10[%add3A_115, %dma_wait3A_118, %dma_wait3A_120] : memref<79x2x128xi32, #tpu.memory_space<vmem>> -> memref<1x1x128xi32, #tpu.memory_space<vmem>>
    %dma_wait3A_122 = tpu.memref_squeeze %dma_wait3A_121 : memref<1x1x128xi32, #tpu.memory_space<vmem>> -> memref<128xi32, #tpu.memory_space<vmem>>
    %dma_wait3A_123 = arith.constant 0 : i32
    %dma_wait3A_124 = tpu.memref_slice %arg15[%dma_wait3A_123] : memref<10240xf32, #tpu.memory_space<vmem_shared>> -> memref<10240xf32, #tpu.memory_space<vmem_shared>>
    tpu.wait_indirect_dma semaphore(%arg18 : memref<!tpu.dma_semaphore, #tpu.memory_space<semaphore_mem>>) src(%dma_wait3A_119 : memref<128xf32, #tpu.memory_space<vmem>>) dst(%dma_wait3A_124 : memref<10240xf32, #tpu.memory_space<vmem_shared>>)
    %dma_wait3A_125 = arith.constant 1 : i32
    %dma_wait3A_126 = arith.constant 0 : i32
    %dma_wait3A_127 = tpu.memref_slice %arg10[%add3A_115, %dma_wait3A_125, %dma_wait3A_126] : memref<79x2x128xi32, #tpu.memory_space<vmem>> -> memref<1x1x128xi32, #tpu.memory_space<vmem>>
    %dma_wait3A_128 = tpu.memref_squeeze %dma_wait3A_127 : memref<1x1x128xi32, #tpu.memory_space<vmem>> -> memref<128xi32, #tpu.memory_space<vmem>>
    %dma_wait3A_129 = arith.constant 0 : i32
    %dma_wait3A_130 = tpu.memref_slice %arg16[%dma_wait3A_129] : memref<10240xf32, #tpu.memory_space<vmem_shared>> -> memref<10240xf32, #tpu.memory_space<vmem_shared>>
    tpu.wait_indirect_dma semaphore(%arg18 : memref<!tpu.dma_semaphore, #tpu.memory_space<semaphore_mem>>) src(%arg13 : memref<128xf32, #tpu.memory_space<vmem>>) dst(%dma_wait3A_130 : memref<10240xf32, #tpu.memory_space<vmem_shared>>)
    %add3A_131 = arith.constant 78 : i32
    %add3A_132 = arith.addi %sub3A, %add3A_131 : i32
    %sub3A_133 = arith.constant 6 : i32
    %sub3A_134 = arith.subi %add3A_132, %sub3A_133 : i32
    %add3A_135 = arith.constant 3 : i32
    %add3A_136 = arith.addi %sub3A_134, %add3A_135 : i32
    %mul3A_137 = arith.constant 128 : i32
    %mul3A_138 = arith.muli %add3A_136, %mul3A_137 : i32
    %dma_wait3A_139 = arith.constant 1 : i32
    %dma_wait3A_140 = tpu.memref_slice %arg12[%mul3A_138] : memref<10112xf32, #tpu.memory_space<vmem>> -> memref<128xf32, #tpu.memory_space<vmem>>
    %dma_wait3A_141 = arith.constant 0 : i32
    %dma_wait3A_142 = tpu.memref_slice %arg10[%add3A_136, %dma_wait3A_139, %dma_wait3A_141] : memref<79x2x128xi32, #tpu.memory_space<vmem>> -> memref<1x1x128xi32, #tpu.memory_space<vmem>>
    %dma_wait3A_143 = tpu.memref_squeeze %dma_wait3A_142 : memref<1x1x128xi32, #tpu.memory_space<vmem>> -> memref<128xi32, #tpu.memory_space<vmem>>
    %dma_wait3A_144 = arith.constant 0 : i32
    %dma_wait3A_145 = tpu.memref_slice %arg15[%dma_wait3A_144] : memref<10240xf32, #tpu.memory_space<vmem_shared>> -> memref<10240xf32, #tpu.memory_space<vmem_shared>>
    tpu.wait_indirect_dma semaphore(%arg18 : memref<!tpu.dma_semaphore, #tpu.memory_space<semaphore_mem>>) src(%dma_wait3A_140 : memref<128xf32, #tpu.memory_space<vmem>>) dst(%dma_wait3A_145 : memref<10240xf32, #tpu.memory_space<vmem_shared>>)
    %dma_wait3A_146 = arith.constant 1 : i32
    %dma_wait3A_147 = arith.constant 0 : i32
    %dma_wait3A_148 = tpu.memref_slice %arg10[%add3A_136, %dma_wait3A_146, %dma_wait3A_147] : memref<79x2x128xi32, #tpu.memory_space<vmem>> -> memref<1x1x128xi32, #tpu.memory_space<vmem>>
    %dma_wait3A_149 = tpu.memref_squeeze %dma_wait3A_148 : memref<1x1x128xi32, #tpu.memory_space<vmem>> -> memref<128xi32, #tpu.memory_space<vmem>>
    %dma_wait3A_150 = arith.constant 0 : i32
    %dma_wait3A_151 = tpu.memref_slice %arg16[%dma_wait3A_150] : memref<10240xf32, #tpu.memory_space<vmem_shared>> -> memref<10240xf32, #tpu.memory_space<vmem_shared>>
    tpu.wait_indirect_dma semaphore(%arg18 : memref<!tpu.dma_semaphore, #tpu.memory_space<semaphore_mem>>) src(%arg13 : memref<128xf32, #tpu.memory_space<vmem>>) dst(%dma_wait3A_151 : memref<10240xf32, #tpu.memory_space<vmem_shared>>)
    %add3A_152 = arith.constant 78 : i32
    %add3A_153 = arith.addi %sub3A, %add3A_152 : i32
    %sub3A_154 = arith.constant 6 : i32
    %sub3A_155 = arith.subi %add3A_153, %sub3A_154 : i32
    %add3A_156 = arith.constant 4 : i32
    %add3A_157 = arith.addi %sub3A_155, %add3A_156 : i32
    %mul3A_158 = arith.constant 128 : i32
    %mul3A_159 = arith.muli %add3A_157, %mul3A_158 : i32
    %dma_wait3A_160 = arith.constant 1 : i32
    %dma_wait3A_161 = tpu.memref_slice %arg12[%mul3A_159] : memref<10112xf32, #tpu.memory_space<vmem>> -> memref<128xf32, #tpu.memory_space<vmem>>
    %dma_wait3A_162 = arith.constant 0 : i32
    %dma_wait3A_163 = tpu.memref_slice %arg10[%add3A_157, %dma_wait3A_160, %dma_wait3A_162] : memref<79x2x128xi32, #tpu.memory_space<vmem>> -> memref<1x1x128xi32, #tpu.memory_space<vmem>>
    %dma_wait3A_164 = tpu.memref_squeeze %dma_wait3A_163 : memref<1x1x128xi32, #tpu.memory_space<vmem>> -> memref<128xi32, #tpu.memory_space<vmem>>
    %dma_wait3A_165 = arith.constant 0 : i32
    %dma_wait3A_166 = tpu.memref_slice %arg15[%dma_wait3A_165] : memref<10240xf32, #tpu.memory_space<vmem_shared>> -> memref<10240xf32, #tpu.memory_space<vmem_shared>>
    tpu.wait_indirect_dma semaphore(%arg18 : memref<!tpu.dma_semaphore, #tpu.memory_space<semaphore_mem>>) src(%dma_wait3A_161 : memref<128xf32, #tpu.memory_space<vmem>>) dst(%dma_wait3A_166 : memref<10240xf32, #tpu.memory_space<vmem_shared>>)
    %dma_wait3A_167 = arith.constant 1 : i32
    %dma_wait3A_168 = arith.constant 0 : i32
    %dma_wait3A_169 = tpu.memref_slice %arg10[%add3A_157, %dma_wait3A_167, %dma_wait3A_168] : memref<79x2x128xi32, #tpu.memory_space<vmem>> -> memref<1x1x128xi32, #tpu.memory_space<vmem>>
    %dma_wait3A_170 = tpu.memref_squeeze %dma_wait3A_169 : memref<1x1x128xi32, #tpu.memory_space<vmem>> -> memref<128xi32, #tpu.memory_space<vmem>>
    %dma_wait3A_171 = arith.constant 0 : i32
    %dma_wait3A_172 = tpu.memref_slice %arg16[%dma_wait3A_171] : memref<10240xf32, #tpu.memory_space<vmem_shared>> -> memref<10240xf32, #tpu.memory_space<vmem_shared>>
    tpu.wait_indirect_dma semaphore(%arg18 : memref<!tpu.dma_semaphore, #tpu.memory_space<semaphore_mem>>) src(%arg13 : memref<128xf32, #tpu.memory_space<vmem>>) dst(%dma_wait3A_172 : memref<10240xf32, #tpu.memory_space<vmem_shared>>)
    %add3A_173 = arith.constant 78 : i32
    %add3A_174 = arith.addi %sub3A, %add3A_173 : i32
    %sub3A_175 = arith.constant 6 : i32
    %sub3A_176 = arith.subi %add3A_174, %sub3A_175 : i32
    %add3A_177 = arith.constant 5 : i32
    %add3A_178 = arith.addi %sub3A_176, %add3A_177 : i32
    %mul3A_179 = arith.constant 128 : i32
    %mul3A_180 = arith.muli %add3A_178, %mul3A_179 : i32
    %dma_wait3A_181 = arith.constant 1 : i32
    %dma_wait3A_182 = tpu.memref_slice %arg12[%mul3A_180] : memref<10112xf32, #tpu.memory_space<vmem>> -> memref<128xf32, #tpu.memory_space<vmem>>
    %dma_wait3A_183 = arith.constant 0 : i32
    %dma_wait3A_184 = tpu.memref_slice %arg10[%add3A_178, %dma_wait3A_181, %dma_wait3A_183] : memref<79x2x128xi32, #tpu.memory_space<vmem>> -> memref<1x1x128xi32, #tpu.memory_space<vmem>>
    %dma_wait3A_185 = tpu.memref_squeeze %dma_wait3A_184 : memref<1x1x128xi32, #tpu.memory_space<vmem>> -> memref<128xi32, #tpu.memory_space<vmem>>
    %dma_wait3A_186 = arith.constant 0 : i32
    %dma_wait3A_187 = tpu.memref_slice %arg15[%dma_wait3A_186] : memref<10240xf32, #tpu.memory_space<vmem_shared>> -> memref<10240xf32, #tpu.memory_space<vmem_shared>>
    tpu.wait_indirect_dma semaphore(%arg18 : memref<!tpu.dma_semaphore, #tpu.memory_space<semaphore_mem>>) src(%dma_wait3A_182 : memref<128xf32, #tpu.memory_space<vmem>>) dst(%dma_wait3A_187 : memref<10240xf32, #tpu.memory_space<vmem_shared>>)
    %dma_wait3A_188 = arith.constant 1 : i32
    %dma_wait3A_189 = arith.constant 0 : i32
    %dma_wait3A_190 = tpu.memref_slice %arg10[%add3A_178, %dma_wait3A_188, %dma_wait3A_189] : memref<79x2x128xi32, #tpu.memory_space<vmem>> -> memref<1x1x128xi32, #tpu.memory_space<vmem>>
    %dma_wait3A_191 = tpu.memref_squeeze %dma_wait3A_190 : memref<1x1x128xi32, #tpu.memory_space<vmem>> -> memref<128xi32, #tpu.memory_space<vmem>>
    %dma_wait3A_192 = arith.constant 0 : i32
    %dma_wait3A_193 = tpu.memref_slice %arg16[%dma_wait3A_192] : memref<10240xf32, #tpu.memory_space<vmem_shared>> -> memref<10240xf32, #tpu.memory_space<vmem_shared>>
    tpu.wait_indirect_dma semaphore(%arg18 : memref<!tpu.dma_semaphore, #tpu.memory_space<semaphore_mem>>) src(%arg13 : memref<128xf32, #tpu.memory_space<vmem>>) dst(%dma_wait3A_193 : memref<10240xf32, #tpu.memory_space<vmem_shared>>)
    %lt3A = arith.constant 4 : i32
    %lt3A_194 = arith.cmpi slt, %add3A, %lt3A : i32
    %convert_element_type3A = arith.extui %lt3A_194 : i1 to i32
    %cond3A = arith.constant 0 : i32
    %cond3A_195 = arith.cmpi ne, %convert_element_type3A, %cond3A : i32
    scf.if %cond3A_195 {
      %add3A_208 = arith.constant 78 : i32
      %add3A_209 = arith.addi %sub3A, %add3A_208 : i32
      %get3A = arith.constant 0 : i32
      %get3A_210 = arith.index_cast %add3A_209 : i32 to index
      %get3A_211 = arith.index_cast %get3A : i32 to index
      %get3A_212 = arith.constant 0 : index
      %get3A_213 = tpu.vector_load %arg10[%get3A_210, %get3A_211, %get3A_212] {strides = array<i32>} : memref<79x2x128xi32, #tpu.memory_space<vmem>>, vector<16xi32>,
      %get3A_214 = arith.constant 0 : i32
      %get3A_215 = arith.index_cast %add3A_209 : i32 to index
      %get3A_216 = arith.index_cast %get3A_214 : i32 to index
      %get3A_217 = arith.constant 16 : index
      %get3A_218 = tpu.vector_load %arg10[%get3A_215, %get3A_216, %get3A_217] {strides = array<i32>} : memref<79x2x128xi32, #tpu.memory_space<vmem>>, vector<16xi32>,
      %get3A_219 = arith.constant 0 : i32
      %get3A_220 = arith.index_cast %add3A_209 : i32 to index
      %get3A_221 = arith.index_cast %get3A_219 : i32 to index
      %get3A_222 = arith.constant 32 : index
      %get3A_223 = tpu.vector_load %arg10[%get3A_220, %get3A_221, %get3A_222] {strides = array<i32>} : memref<79x2x128xi32, #tpu.memory_space<vmem>>, vector<16xi32>,
      %get3A_224 = arith.constant 0 : i32
      %get3A_225 = arith.index_cast %add3A_209 : i32 to index
      %get3A_226 = arith.index_cast %get3A_224 : i32 to index
      %get3A_227 = arith.constant 48 : index
      %get3A_228 = tpu.vector_load %arg10[%get3A_225, %get3A_226, %get3A_227] {strides = array<i32>} : memref<79x2x128xi32, #tpu.memory_space<vmem>>, vector<16xi32>,
      %get3A_229 = arith.constant 0 : i32
      %get3A_230 = arith.index_cast %add3A_209 : i32 to index
      %get3A_231 = arith.index_cast %get3A_229 : i32 to index
      %get3A_232 = arith.constant 64 : index
      %get3A_233 = tpu.vector_load %arg10[%get3A_230, %get3A_231, %get3A_232] {strides = array<i32>} : memref<79x2x128xi32, #tpu.memory_space<vmem>>, vector<16xi32>,
      %get3A_234 = arith.constant 0 : i32
      %get3A_235 = arith.index_cast %add3A_209 : i32 to index
      %get3A_236 = arith.index_cast %get3A_234 : i32 to index
      %get3A_237 = arith.constant 80 : index
      %get3A_238 = tpu.vector_load %arg10[%get3A_235, %get3A_236, %get3A_237] {strides = array<i32>} : memref<79x2x128xi32, #tpu.memory_space<vmem>>, vector<16xi32>,
      %get3A_239 = arith.constant 0 : i32
      %get3A_240 = arith.index_cast %add3A_209 : i32 to index
      %get3A_241 = arith.index_cast %get3A_239 : i32 to index
      %get3A_242 = arith.constant 96 : index
      %get3A_243 = tpu.vector_load %arg10[%get3A_240, %get3A_241, %get3A_242] {strides = array<i32>} : memref<79x2x128xi32, #tpu.memory_space<vmem>>, vector<16xi32>,
      %get3A_244 = arith.constant 0 : i32
      %get3A_245 = arith.index_cast %add3A_209 : i32 to index
      %get3A_246 = arith.index_cast %get3A_244 : i32 to index
      %get3A_247 = arith.constant 112 : index
      %get3A_248 = tpu.vector_load %arg10[%get3A_245, %get3A_246, %get3A_247] {strides = array<i32>} : memref<79x2x128xi32, #tpu.memory_space<vmem>>, vector<16xi32>,
      %shift_right_logical3A = arith.constant 7 : i32
      %shift_right_logical3A_249 = vector.broadcast %shift_right_logical3A : i32 to vector<16xi32>
      %shift_right_logical3A_250 = arith.shrui %get3A_213, %shift_right_logical3A_249 : vector<16xi32>
      %and3A = arith.constant 127 : i32
      %and3A_251 = vector.broadcast %and3A : i32 to vector<16xi32>
      %and3A_252 = arith.andi %get3A_213, %and3A_251 : vector<16xi32>
      %gather3A = tpu.vector_load_idx %arg9[%shift_right_logical3A_250, %and3A_252] : memref<80x128xf32, #tpu.memory_space<vmem>>[vector<16xi32>, vector<16xi32>], vector<16xf32>,
      %shift_right_logical3A_253 = arith.constant 7 : i32
      %shift_right_logical3A_254 = vector.broadcast %shift_right_logical3A_253 : i32 to vector<16xi32>
      %shift_right_logical3A_255 = arith.shrui %get3A_218, %shift_right_logical3A_254 : vector<16xi32>
      %and3A_256 = arith.constant 127 : i32
      %and3A_257 = vector.broadcast %and3A_256 : i32 to vector<16xi32>
      %and3A_258 = arith.andi %get3A_218, %and3A_257 : vector<16xi32>
      %gather3A_259 = tpu.vector_load_idx %arg9[%shift_right_logical3A_255, %and3A_258] : memref<80x128xf32, #tpu.memory_space<vmem>>[vector<16xi32>, vector<16xi32>], vector<16xf32>,
      %shift_right_logical3A_260 = arith.constant 7 : i32
      %shift_right_logical3A_261 = vector.broadcast %shift_right_logical3A_260 : i32 to vector<16xi32>
      %shift_right_logical3A_262 = arith.shrui %get3A_223, %shift_right_logical3A_261 : vector<16xi32>
      %and3A_263 = arith.constant 127 : i32
      %and3A_264 = vector.broadcast %and3A_263 : i32 to vector<16xi32>
      %and3A_265 = arith.andi %get3A_223, %and3A_264 : vector<16xi32>
      %gather3A_266 = tpu.vector_load_idx %arg9[%shift_right_logical3A_262, %and3A_265] : memref<80x128xf32, #tpu.memory_space<vmem>>[vector<16xi32>, vector<16xi32>], vector<16xf32>,
      %shift_right_logical3A_267 = arith.constant 7 : i32
      %shift_right_logical3A_268 = vector.broadcast %shift_right_logical3A_267 : i32 to vector<16xi32>
      %shift_right_logical3A_269 = arith.shrui %get3A_228, %shift_right_logical3A_268 : vector<16xi32>
      %and3A_270 = arith.constant 127 : i32
      %and3A_271 = vector.broadcast %and3A_270 : i32 to vector<16xi32>
      %and3A_272 = arith.andi %get3A_228, %and3A_271 : vector<16xi32>
      %gather3A_273 = tpu.vector_load_idx %arg9[%shift_right_logical3A_269, %and3A_272] : memref<80x128xf32, #tpu.memory_space<vmem>>[vector<16xi32>, vector<16xi32>], vector<16xf32>,
      %shift_right_logical3A_274 = arith.constant 7 : i32
      %shift_right_logical3A_275 = vector.broadcast %shift_right_logical3A_274 : i32 to vector<16xi32>
      %shift_right_logical3A_276 = arith.shrui %get3A_233, %shift_right_logical3A_275 : vector<16xi32>
      %and3A_277 = arith.constant 127 : i32
      %and3A_278 = vector.broadcast %and3A_277 : i32 to vector<16xi32>
      %and3A_279 = arith.andi %get3A_233, %and3A_278 : vector<16xi32>
      %gather3A_280 = tpu.vector_load_idx %arg9[%shift_right_logical3A_276, %and3A_279] : memref<80x128xf32, #tpu.memory_space<vmem>>[vector<16xi32>, vector<16xi32>], vector<16xf32>,
      %shift_right_logical3A_281 = arith.constant 7 : i32
      %shift_right_logical3A_282 = vector.broadcast %shift_right_logical3A_281 : i32 to vector<16xi32>
      %shift_right_logical3A_283 = arith.shrui %get3A_238, %shift_right_logical3A_282 : vector<16xi32>
      %and3A_284 = arith.constant 127 : i32
      %and3A_285 = vector.broadcast %and3A_284 : i32 to vector<16xi32>
      %and3A_286 = arith.andi %get3A_238, %and3A_285 : vector<16xi32>
      %gather3A_287 = tpu.vector_load_idx %arg9[%shift_right_logical3A_283, %and3A_286] : memref<80x128xf32, #tpu.memory_space<vmem>>[vector<16xi32>, vector<16xi32>], vector<16xf32>,
      %shift_right_logical3A_288 = arith.constant 7 : i32
      %shift_right_logical3A_289 = vector.broadcast %shift_right_logical3A_288 : i32 to vector<16xi32>
      %shift_right_logical3A_290 = arith.shrui %get3A_243, %shift_right_logical3A_289 : vector<16xi32>
      %and3A_291 = arith.constant 127 : i32
      %and3A_292 = vector.broadcast %and3A_291 : i32 to vector<16xi32>
      %and3A_293 = arith.andi %get3A_243, %and3A_292 : vector<16xi32>
      %gather3A_294 = tpu.vector_load_idx %arg9[%shift_right_logical3A_290, %and3A_293] : memref<80x128xf32, #tpu.memory_space<vmem>>[vector<16xi32>, vector<16xi32>], vector<16xf32>,
      %shift_right_logical3A_295 = arith.constant 7 : i32
      %shift_right_logical3A_296 = vector.broadcast %shift_right_logical3A_295 : i32 to vector<16xi32>
      %shift_right_logical3A_297 = arith.shrui %get3A_248, %shift_right_logical3A_296 : vector<16xi32>
      %and3A_298 = arith.constant 127 : i32
      %and3A_299 = vector.broadcast %and3A_298 : i32 to vector<16xi32>
      %and3A_300 = arith.andi %get3A_248, %and3A_299 : vector<16xi32>
      %gather3A_301 = tpu.vector_load_idx %arg9[%shift_right_logical3A_297, %and3A_300] : memref<80x128xf32, #tpu.memory_space<vmem>>[vector<16xi32>, vector<16xi32>], vector<16xf32>,
      %mul3A_302 = arith.constant 128 : i32
      %mul3A_303 = arith.muli %add3A_209, %mul3A_302 : i32
      %add3A_304 = arith.constant 0 : i32
      %add3A_305 = arith.addi %mul3A_303, %add3A_304 : i32
      %get3A_306 = arith.index_cast %add3A_305 : i32 to index
      %get3A_307 = tpu.vector_load %arg11[%get3A_306] {strides = array<i32>} : memref<10112xf32, #tpu.memory_space<vmem>>, vector<16xf32>,
      %mul3A_308 = arith.constant 128 : i32
      %mul3A_309 = arith.muli %add3A_209, %mul3A_308 : i32
      %add3A_310 = arith.constant 16 : i32
      %add3A_311 = arith.addi %mul3A_309, %add3A_310 : i32
      %get3A_312 = arith.index_cast %add3A_311 : i32 to index
      %get3A_313 = tpu.vector_load %arg11[%get3A_312] {strides = array<i32>} : memref<10112xf32, #tpu.memory_space<vmem>>, vector<16xf32>,
      %mul3A_314 = arith.constant 128 : i32
      %mul3A_315 = arith.muli %add3A_209, %mul3A_314 : i32
      %add3A_316 = arith.constant 32 : i32
      %add3A_317 = arith.addi %mul3A_315, %add3A_316 : i32
      %get3A_318 = arith.index_cast %add3A_317 : i32 to index
      %get3A_319 = tpu.vector_load %arg11[%get3A_318] {strides = array<i32>} : memref<10112xf32, #tpu.memory_space<vmem>>, vector<16xf32>,
      %mul3A_320 = arith.constant 128 : i32
      %mul3A_321 = arith.muli %add3A_209, %mul3A_320 : i32
      %add3A_322 = arith.constant 48 : i32
      %add3A_323 = arith.addi %mul3A_321, %add3A_322 : i32
      %get3A_324 = arith.index_cast %add3A_323 : i32 to index
      %get3A_325 = tpu.vector_load %arg11[%get3A_324] {strides = array<i32>} : memref<10112xf32, #tpu.memory_space<vmem>>, vector<16xf32>,
      %mul3A_326 = arith.constant 128 : i32
      %mul3A_327 = arith.muli %add3A_209, %mul3A_326 : i32
      %add3A_328 = arith.constant 64 : i32
      %add3A_329 = arith.addi %mul3A_327, %add3A_328 : i32
      %get3A_330 = arith.index_cast %add3A_329 : i32 to index
      %get3A_331 = tpu.vector_load %arg11[%get3A_330] {strides = array<i32>} : memref<10112xf32, #tpu.memory_space<vmem>>, vector<16xf32>,
      %mul3A_332 = arith.constant 128 : i32
      %mul3A_333 = arith.muli %add3A_209, %mul3A_332 : i32
      %add3A_334 = arith.constant 80 : i32
      %add3A_335 = arith.addi %mul3A_333, %add3A_334 : i32
      %get3A_336 = arith.index_cast %add3A_335 : i32 to index
      %get3A_337 = tpu.vector_load %arg11[%get3A_336] {strides = array<i32>} : memref<10112xf32, #tpu.memory_space<vmem>>, vector<16xf32>,
      %mul3A_338 = arith.constant 128 : i32
      %mul3A_339 = arith.muli %add3A_209, %mul3A_338 : i32
      %add3A_340 = arith.constant 96 : i32
      %add3A_341 = arith.addi %mul3A_339, %add3A_340 : i32
      %get3A_342 = arith.index_cast %add3A_341 : i32 to index
      %get3A_343 = tpu.vector_load %arg11[%get3A_342] {strides = array<i32>} : memref<10112xf32, #tpu.memory_space<vmem>>, vector<16xf32>,
      %mul3A_344 = arith.constant 128 : i32
      %mul3A_345 = arith.muli %add3A_209, %mul3A_344 : i32
      %add3A_346 = arith.constant 112 : i32
      %add3A_347 = arith.addi %mul3A_345, %add3A_346 : i32
      %get3A_348 = arith.index_cast %add3A_347 : i32 to index
      %get3A_349 = tpu.vector_load %arg11[%get3A_348] {strides = array<i32>} : memref<10112xf32, #tpu.memory_space<vmem>>, vector<16xf32>,
      %mul3A_350 = arith.mulf %gather3A, %get3A_307 : vector<16xf32>
      %mul3A_351 = arith.constant 128 : i32
      %mul3A_352 = arith.muli %add3A_209, %mul3A_351 : i32
      %add3A_353 = arith.constant 0 : i32
      %add3A_354 = arith.addi %mul3A_352, %add3A_353 : i32
      %swap3A_355 = arith.index_cast %add3A_354 : i32 to index
      %swap3A_356 = tpu.vector_load %arg12[%swap3A_355] {strides = array<i32>} : memref<10112xf32, #tpu.memory_space<vmem>>, vector<16xf32>,
      tpu.vector_store %arg12[%swap3A_355], %mul3A_350 {strides = array<i32>} : memref<10112xf32, #tpu.memory_space<vmem>>, vector<16xf32>,
      %mul3A_357 = arith.mulf %gather3A_259, %get3A_313 : vector<16xf32>
      %mul3A_358 = arith.constant 128 : i32
      %mul3A_359 = arith.muli %add3A_209, %mul3A_358 : i32
      %add3A_360 = arith.constant 16 : i32
      %add3A_361 = arith.addi %mul3A_359, %add3A_360 : i32
      %swap3A_362 = arith.index_cast %add3A_361 : i32 to index
      %swap3A_363 = tpu.vector_load %arg12[%swap3A_362] {strides = array<i32>} : memref<10112xf32, #tpu.memory_space<vmem>>, vector<16xf32>,
      tpu.vector_store %arg12[%swap3A_362], %mul3A_357 {strides = array<i32>} : memref<10112xf32, #tpu.memory_space<vmem>>, vector<16xf32>,
      %mul3A_364 = arith.mulf %gather3A_266, %get3A_319 : vector<16xf32>
      %mul3A_365 = arith.constant 128 : i32
      %mul3A_366 = arith.muli %add3A_209, %mul3A_365 : i32
      %add3A_367 = arith.constant 32 : i32
      %add3A_368 = arith.addi %mul3A_366, %add3A_367 : i32
      %swap3A_369 = arith.index_cast %add3A_368 : i32 to index
      %swap3A_370 = tpu.vector_load %arg12[%swap3A_369] {strides = array<i32>} : memref<10112xf32, #tpu.memory_space<vmem>>, vector<16xf32>,
      tpu.vector_store %arg12[%swap3A_369], %mul3A_364 {strides = array<i32>} : memref<10112xf32, #tpu.memory_space<vmem>>, vector<16xf32>,
      %mul3A_371 = arith.mulf %gather3A_273, %get3A_325 : vector<16xf32>
      %mul3A_372 = arith.constant 128 : i32
      %mul3A_373 = arith.muli %add3A_209, %mul3A_372 : i32
      %add3A_374 = arith.constant 48 : i32
      %add3A_375 = arith.addi %mul3A_373, %add3A_374 : i32
      %swap3A_376 = arith.index_cast %add3A_375 : i32 to index
      %swap3A_377 = tpu.vector_load %arg12[%swap3A_376] {strides = array<i32>} : memref<10112xf32, #tpu.memory_space<vmem>>, vector<16xf32>,
      tpu.vector_store %arg12[%swap3A_376], %mul3A_371 {strides = array<i32>} : memref<10112xf32, #tpu.memory_space<vmem>>, vector<16xf32>,
      %mul3A_378 = arith.mulf %gather3A_280, %get3A_331 : vector<16xf32>
      %mul3A_379 = arith.constant 128 : i32
      %mul3A_380 = arith.muli %add3A_209, %mul3A_379 : i32
      %add3A_381 = arith.constant 64 : i32
      %add3A_382 = arith.addi %mul3A_380, %add3A_381 : i32
      %swap3A_383 = arith.index_cast %add3A_382 : i32 to index
      %swap3A_384 = tpu.vector_load %arg12[%swap3A_383] {strides = array<i32>} : memref<10112xf32, #tpu.memory_space<vmem>>, vector<16xf32>,
      tpu.vector_store %arg12[%swap3A_383], %mul3A_378 {strides = array<i32>} : memref<10112xf32, #tpu.memory_space<vmem>>, vector<16xf32>,
      %mul3A_385 = arith.mulf %gather3A_287, %get3A_337 : vector<16xf32>
      %mul3A_386 = arith.constant 128 : i32
      %mul3A_387 = arith.muli %add3A_209, %mul3A_386 : i32
      %add3A_388 = arith.constant 80 : i32
      %add3A_389 = arith.addi %mul3A_387, %add3A_388 : i32
      %swap3A_390 = arith.index_cast %add3A_389 : i32 to index
      %swap3A_391 = tpu.vector_load %arg12[%swap3A_390] {strides = array<i32>} : memref<10112xf32, #tpu.memory_space<vmem>>, vector<16xf32>,
      tpu.vector_store %arg12[%swap3A_390], %mul3A_385 {strides = array<i32>} : memref<10112xf32, #tpu.memory_space<vmem>>, vector<16xf32>,
      %mul3A_392 = arith.mulf %gather3A_294, %get3A_343 : vector<16xf32>
      %mul3A_393 = arith.constant 128 : i32
      %mul3A_394 = arith.muli %add3A_209, %mul3A_393 : i32
      %add3A_395 = arith.constant 96 : i32
      %add3A_396 = arith.addi %mul3A_394, %add3A_395 : i32
      %swap3A_397 = arith.index_cast %add3A_396 : i32 to index
      %swap3A_398 = tpu.vector_load %arg12[%swap3A_397] {strides = array<i32>} : memref<10112xf32, #tpu.memory_space<vmem>>, vector<16xf32>,
      tpu.vector_store %arg12[%swap3A_397], %mul3A_392 {strides = array<i32>} : memref<10112xf32, #tpu.memory_space<vmem>>, vector<16xf32>,
      %mul3A_399 = arith.mulf %gather3A_301, %get3A_349 : vector<16xf32>
      %mul3A_400 = arith.constant 128 : i32
      %mul3A_401 = arith.muli %add3A_209, %mul3A_400 : i32
      %add3A_402 = arith.constant 112 : i32
      %add3A_403 = arith.addi %mul3A_401, %add3A_402 : i32
      %swap3A_404 = arith.index_cast %add3A_403 : i32 to index
      %swap3A_405 = tpu.vector_load %arg12[%swap3A_404] {strides = array<i32>} : memref<10112xf32, #tpu.memory_space<vmem>>, vector<16xf32>,
      tpu.vector_store %arg12[%swap3A_404], %mul3A_399 {strides = array<i32>} : memref<10112xf32, #tpu.memory_space<vmem>>, vector<16xf32>,
      %mul3A_406 = arith.constant 128 : i32
      %mul3A_407 = arith.muli %add3A_209, %mul3A_406 : i32
      %dma_start3A_408 = arith.constant 1 : i32
      %dma_start3A_409 = tpu.memref_slice %arg12[%mul3A_407] : memref<10112xf32, #tpu.memory_space<vmem>> -> memref<128xf32, #tpu.memory_space<vmem>>
      %dma_start3A_410 = arith.constant 0 : i32
      %dma_start3A_411 = tpu.memref_slice %arg10[%add3A_209, %dma_start3A_408, %dma_start3A_410] : memref<79x2x128xi32, #tpu.memory_space<vmem>> -> memref<1x1x128xi32, #tpu.memory_space<vmem>>
      %dma_start3A_412 = tpu.memref_squeeze %dma_start3A_411 : memref<1x1x128xi32, #tpu.memory_space<vmem>> -> memref<128xi32, #tpu.memory_space<vmem>>
      %dma_start3A_413 = arith.constant 0 : i32
      %dma_start3A_414 = tpu.memref_slice %arg15[%dma_start3A_413] : memref<10240xf32, #tpu.memory_space<vmem_shared>> -> memref<10240xf32, #tpu.memory_space<vmem_shared>>
      tpu.enqueue_indirect_dma source(%dma_start3A_409 : memref<128xf32, #tpu.memory_space<vmem>>) target(%dma_start3A_414 : memref<10240xf32, #tpu.memory_space<vmem_shared>>) offsets(%dma_start3A_412 : memref<128xi32, #tpu.memory_space<vmem>>) semaphore(%arg18 : memref<!tpu.dma_semaphore, #tpu.memory_space<semaphore_mem>>) {add = true}
      %dma_start3A_415 = arith.constant 1 : i32
      %dma_start3A_416 = arith.constant 0 : i32
      %dma_start3A_417 = tpu.memref_slice %arg10[%add3A_209, %dma_start3A_415, %dma_start3A_416] : memref<79x2x128xi32, #tpu.memory_space<vmem>> -> memref<1x1x128xi32, #tpu.memory_space<vmem>>
      %dma_start3A_418 = tpu.memref_squeeze %dma_start3A_417 : memref<1x1x128xi32, #tpu.memory_space<vmem>> -> memref<128xi32, #tpu.memory_space<vmem>>
      %dma_start3A_419 = arith.constant 0 : i32
      %dma_start3A_420 = tpu.memref_slice %arg16[%dma_start3A_419] : memref<10240xf32, #tpu.memory_space<vmem_shared>> -> memref<10240xf32, #tpu.memory_space<vmem_shared>>
      tpu.enqueue_indirect_dma source(%arg13 : memref<128xf32, #tpu.memory_space<vmem>>) target(%dma_start3A_420 : memref<10240xf32, #tpu.memory_space<vmem_shared>>) offsets(%dma_start3A_418 : memref<128xi32, #tpu.memory_space<vmem>>) semaphore(%arg18 : memref<!tpu.dma_semaphore, #tpu.memory_space<semaphore_mem>>) {add = true}
      %add3A_421 = arith.constant 78 : i32
      %add3A_422 = arith.addi %sub3A, %add3A_421 : i32
      %mul3A_423 = arith.constant 128 : i32
      %mul3A_424 = arith.muli %add3A_422, %mul3A_423 : i32
      %dma_wait3A_425 = arith.constant 1 : i32
      %dma_wait3A_426 = tpu.memref_slice %arg12[%mul3A_424] : memref<10112xf32, #tpu.memory_space<vmem>> -> memref<128xf32, #tpu.memory_space<vmem>>
      %dma_wait3A_427 = arith.constant 0 : i32
      %dma_wait3A_428 = tpu.memref_slice %arg10[%add3A_422, %dma_wait3A_425, %dma_wait3A_427] : memref<79x2x128xi32, #tpu.memory_space<vmem>> -> memref<1x1x128xi32, #tpu.memory_space<vmem>>
      %dma_wait3A_429 = tpu.memref_squeeze %dma_wait3A_428 : memref<1x1x128xi32, #tpu.memory_space<vmem>> -> memref<128xi32, #tpu.memory_space<vmem>>
      %dma_wait3A_430 = arith.constant 0 : i32
      %dma_wait3A_431 = tpu.memref_slice %arg15[%dma_wait3A_430] : memref<10240xf32, #tpu.memory_space<vmem_shared>> -> memref<10240xf32, #tpu.memory_space<vmem_shared>>
      tpu.wait_indirect_dma semaphore(%arg18 : memref<!tpu.dma_semaphore, #tpu.memory_space<semaphore_mem>>) src(%dma_wait3A_426 : memref<128xf32, #tpu.memory_space<vmem>>) dst(%dma_wait3A_431 : memref<10240xf32, #tpu.memory_space<vmem_shared>>)
      %dma_wait3A_432 = arith.constant 1 : i32
      %dma_wait3A_433 = arith.constant 0 : i32
      %dma_wait3A_434 = tpu.memref_slice %arg10[%add3A_422, %dma_wait3A_432, %dma_wait3A_433] : memref<79x2x128xi32, #tpu.memory_space<vmem>> -> memref<1x1x128xi32, #tpu.memory_space<vmem>>
      %dma_wait3A_435 = tpu.memref_squeeze %dma_wait3A_434 : memref<1x1x128xi32, #tpu.memory_space<vmem>> -> memref<128xi32, #tpu.memory_space<vmem>>
      %dma_wait3A_436 = arith.constant 0 : i32
      %dma_wait3A_437 = tpu.memref_slice %arg16[%dma_wait3A_436] : memref<10240xf32, #tpu.memory_space<vmem_shared>> -> memref<10240xf32, #tpu.memory_space<vmem_shared>>
      tpu.wait_indirect_dma semaphore(%arg18 : memref<!tpu.dma_semaphore, #tpu.memory_space<semaphore_mem>>) src(%arg13 : memref<128xf32, #tpu.memory_space<vmem>>) dst(%dma_wait3A_437 : memref<10240xf32, #tpu.memory_space<vmem_shared>>)
    } else {
    }
    %barrier3A_196 = arith.constant 0 : index
    tpu.barrier barrier_id(%barrier3A_196)
    %mul3A_197 = arith.constant 640 : i32
    %mul3A_198 = arith.muli %arg1, %mul3A_197 : i32
    %eq3A = arith.constant 0 : i32
    %eq3A_199 = arith.cmpi eq, %arg0, %eq3A : i32
    %convert_element_type3A_200 = arith.extui %eq3A_199 : i1 to i32
    %cond3A_201 = arith.constant 0 : i32
    %cond3A_202 = arith.cmpi ne, %convert_element_type3A_200, %cond3A_201 : i32
    scf.if %cond3A_202 {
      %dma_start3A_208 = tpu.memref_slice %arg5[%mul3A_198] : memref<10240xf32, #tpu.memory_space<hbm>> -> memref<640xf32, #tpu.memory_space<hbm>>
      %dma_start3A_209 = tpu.memref_slice %arg15[%mul3A_198] : memref<10240xf32, #tpu.memory_space<vmem_shared>> -> memref<640xf32, #tpu.memory_space<vmem_shared>>
      tpu.enqueue_dma source(%dma_start3A_209 : memref<640xf32, #tpu.memory_space<vmem_shared>>) target(%dma_start3A_208 : memref<640xf32, #tpu.memory_space<hbm>>) target_semaphore(%arg17 : memref<!tpu.dma_semaphore, #tpu.memory_space<semaphore_mem>>)
      %dma_start3A_210 = tpu.memref_slice %arg7[%mul3A_198] : memref<10240xf32, #tpu.memory_space<hbm>> -> memref<640xf32, #tpu.memory_space<hbm>>
      %dma_start3A_211 = tpu.memref_slice %arg16[%mul3A_198] : memref<10240xf32, #tpu.memory_space<vmem_shared>> -> memref<640xf32, #tpu.memory_space<vmem_shared>>
      tpu.enqueue_dma source(%dma_start3A_211 : memref<640xf32, #tpu.memory_space<vmem_shared>>) target(%dma_start3A_210 : memref<640xf32, #tpu.memory_space<hbm>>) target_semaphore(%arg17 : memref<!tpu.dma_semaphore, #tpu.memory_space<semaphore_mem>>)
      %dma_wait3A_212 = tpu.memref_slice %arg5[%mul3A_198] : memref<10240xf32, #tpu.memory_space<hbm>> -> memref<640xf32, #tpu.memory_space<hbm>>
      %dma_wait3A_213 = tpu.memref_slice %arg15[%mul3A_198] : memref<10240xf32, #tpu.memory_space<vmem_shared>> -> memref<640xf32, #tpu.memory_space<vmem_shared>>
      tpu.wait_dma2 semaphore(%arg17 : memref<!tpu.dma_semaphore, #tpu.memory_space<semaphore_mem>>) src(%dma_wait3A_213 : memref<640xf32, #tpu.memory_space<vmem_shared>>) dst(%dma_wait3A_212 : memref<640xf32, #tpu.memory_space<hbm>>)
      %dma_wait3A_214 = tpu.memref_slice %arg7[%mul3A_198] : memref<10240xf32, #tpu.memory_space<hbm>> -> memref<640xf32, #tpu.memory_space<hbm>>
      %dma_wait3A_215 = tpu.memref_slice %arg16[%mul3A_198] : memref<10240xf32, #tpu.memory_space<vmem_shared>> -> memref<640xf32, #tpu.memory_space<vmem_shared>>
      tpu.wait_dma2 semaphore(%arg17 : memref<!tpu.dma_semaphore, #tpu.memory_space<semaphore_mem>>) src(%dma_wait3A_215 : memref<640xf32, #tpu.memory_space<vmem_shared>>) dst(%dma_wait3A_214 : memref<640xf32, #tpu.memory_space<hbm>>)
    } else {
    }
    %eq3A_203 = arith.constant 1 : i32
    %eq3A_204 = arith.cmpi eq, %arg0, %eq3A_203 : i32
    %convert_element_type3A_205 = arith.extui %eq3A_204 : i1 to i32
    %cond3A_206 = arith.constant 0 : i32
    %cond3A_207 = arith.cmpi ne, %convert_element_type3A_205, %cond3A_206 : i32
    scf.if %cond3A_207 {
      %dma_start3A_208 = tpu.memref_slice %arg6[%mul3A_198] : memref<10240xf32, #tpu.memory_space<hbm>> -> memref<640xf32, #tpu.memory_space<hbm>>
      %dma_start3A_209 = tpu.memref_slice %arg15[%mul3A_198] : memref<10240xf32, #tpu.memory_space<vmem_shared>> -> memref<640xf32, #tpu.memory_space<vmem_shared>>
      tpu.enqueue_dma source(%dma_start3A_209 : memref<640xf32, #tpu.memory_space<vmem_shared>>) target(%dma_start3A_208 : memref<640xf32, #tpu.memory_space<hbm>>) target_semaphore(%arg17 : memref<!tpu.dma_semaphore, #tpu.memory_space<semaphore_mem>>)
      %dma_start3A_210 = tpu.memref_slice %arg8[%mul3A_198] : memref<10240xf32, #tpu.memory_space<hbm>> -> memref<640xf32, #tpu.memory_space<hbm>>
      %dma_start3A_211 = tpu.memref_slice %arg16[%mul3A_198] : memref<10240xf32, #tpu.memory_space<vmem_shared>> -> memref<640xf32, #tpu.memory_space<vmem_shared>>
      tpu.enqueue_dma source(%dma_start3A_211 : memref<640xf32, #tpu.memory_space<vmem_shared>>) target(%dma_start3A_210 : memref<640xf32, #tpu.memory_space<hbm>>) target_semaphore(%arg17 : memref<!tpu.dma_semaphore, #tpu.memory_space<semaphore_mem>>)
      %dma_wait3A_212 = tpu.memref_slice %arg6[%mul3A_198] : memref<10240xf32, #tpu.memory_space<hbm>> -> memref<640xf32, #tpu.memory_space<hbm>>
      %dma_wait3A_213 = tpu.memref_slice %arg15[%mul3A_198] : memref<10240xf32, #tpu.memory_space<vmem_shared>> -> memref<640xf32, #tpu.memory_space<vmem_shared>>
      tpu.wait_dma2 semaphore(%arg17 : memref<!tpu.dma_semaphore, #tpu.memory_space<semaphore_mem>>) src(%dma_wait3A_213 : memref<640xf32, #tpu.memory_space<vmem_shared>>) dst(%dma_wait3A_212 : memref<640xf32, #tpu.memory_space<hbm>>)
      %dma_wait3A_214 = tpu.memref_slice %arg8[%mul3A_198] : memref<10240xf32, #tpu.memory_space<hbm>> -> memref<640xf32, #tpu.memory_space<hbm>>
      %dma_wait3A_215 = tpu.memref_slice %arg16[%mul3A_198] : memref<10240xf32, #tpu.memory_space<vmem_shared>> -> memref<640xf32, #tpu.memory_space<vmem_shared>>
      tpu.wait_dma2 semaphore(%arg17 : memref<!tpu.dma_semaphore, #tpu.memory_space<semaphore_mem>>) src(%dma_wait3A_215 : memref<640xf32, #tpu.memory_space<vmem_shared>>) dst(%dma_wait3A_214 : memref<640xf32, #tpu.memory_space<hbm>>)
    } else {
    }
    return
  }
}

module attributes {stable_mosaic.version = 14 : i64} {
  func.func @_final_body(%arg0: memref<80x128xf32, #tpu.memory_space<vmem>>, %arg1: memref<80x128xf32, #tpu.memory_space<vmem>>, %arg2: memref<80x128xf32, #tpu.memory_space<vmem>>, %arg3: memref<80x128xf32, #tpu.memory_space<vmem>>, %arg4: memref<80x128xf32, #tpu.memory_space<vmem>>, %arg5: memref<80x128xf32, #tpu.memory_space<vmem>>) attributes {dimension_semantics = [], scalar_prefetch = 0 : i64, scratch_operands = 0 : i64, tpu.core_type = #tpu.core_type<tc>} {
    %get3A = arith.constant 0 : index
    %get3A_0 = arith.constant 0 : index
    %get3A_1 = vector.load %arg1[%get3A, %get3A_0] : memref<80x128xf32, #tpu.memory_space<vmem>>, vector<80x128xf32>
    %get3A_2 = arith.constant 0 : index
    %get3A_3 = arith.constant 0 : index
    %get3A_4 = vector.load %arg2[%get3A_2, %get3A_3] : memref<80x128xf32, #tpu.memory_space<vmem>>, vector<80x128xf32>
    %add3A = arith.addf %get3A_1, %get3A_4 : vector<80x128xf32>
    %get3A_5 = arith.constant 0 : index
    %get3A_6 = arith.constant 0 : index
    %get3A_7 = vector.load %arg3[%get3A_5, %get3A_6] : memref<80x128xf32, #tpu.memory_space<vmem>>, vector<80x128xf32>
    %get3A_8 = arith.constant 0 : index
    %get3A_9 = arith.constant 0 : index
    %get3A_10 = vector.load %arg4[%get3A_8, %get3A_9] : memref<80x128xf32, #tpu.memory_space<vmem>>, vector<80x128xf32>
    %add3A_11 = arith.addf %get3A_7, %get3A_10 : vector<80x128xf32>
    %max3A = arith.constant 1.000000e+00 : f32
    %max3A_12 = vector.broadcast %max3A : f32 to vector<80x128xf32>
    %max3A_13 = arith.maximumf %add3A_11, %max3A_12 : vector<80x128xf32>
    %get3A_14 = arith.constant 0 : index
    %get3A_15 = arith.constant 0 : index
    %get3A_16 = vector.load %arg0[%get3A_14, %get3A_15] : memref<80x128xf32, #tpu.memory_space<vmem>>, vector<80x128xf32>
    %div3A = arith.divf %add3A, %max3A_13 : vector<80x128xf32>
    %sub3A = arith.subf %get3A_16, %div3A : vector<80x128xf32>
    %abs3A = math.absf %sub3A : vector<80x128xf32>
    %swap3A = arith.constant 0 : index
    %swap3A_17 = arith.constant 0 : index
    %swap3A_18 = vector.load %arg5[%swap3A, %swap3A_17] : memref<80x128xf32, #tpu.memory_space<vmem>>, vector<80x128xf32>
    tpu.vector_store %arg5[%swap3A, %swap3A_17], %abs3A {strides = array<i32>} : memref<80x128xf32, #tpu.memory_space<vmem>>, vector<80x128xf32>,
    return
  }
}

module attributes {stable_mosaic.version = 14 : i64} {
  func.func @_rowsum_body(%arg0: i32, %arg1: memref<2048x128xf32, #tpu.memory_space<vmem>>, %arg2: memref<16x128xf32, #tpu.memory_space<vmem>>) attributes {dimension_semantics = [#tpu.dimension_semantics<arbitrary>], iteration_bounds = array<i64: 5>, scalar_prefetch = 0 : i64, scratch_operands = 0 : i64, tpu.core_type = #tpu.core_type<tc>, window_params = [{transform_indices = @transform_0, window_bounds = array<i64: 2048, 128>}, {transform_indices = @transform_1, window_bounds = array<i64: 16, 128>}]} {
    %get3A = arith.constant 0 : index
    %get3A_0 = arith.constant 0 : index
    %get3A_1 = vector.load %arg1[%get3A, %get3A_0] : memref<2048x128xf32, #tpu.memory_space<vmem>>, vector<2048x128xf32>
    %reduce_sum3A = arith.constant dense<0.000000e+00> : vector<2048xf32>
    %reduce_sum3A_2 = vector.multi_reduction <add>, %get3A_1, %reduce_sum3A [1] : vector<2048x128xf32> to vector<2048xf32>
    %reshape3A = vector.shape_cast %reduce_sum3A_2 : vector<2048xf32> to vector<16x128xf32>
    %swap3A = arith.constant 0 : index
    %swap3A_3 = arith.constant 0 : index
    %swap3A_4 = vector.load %arg2[%swap3A, %swap3A_3] : memref<16x128xf32, #tpu.memory_space<vmem>>, vector<16x128xf32>
    tpu.vector_store %arg2[%swap3A, %swap3A_3], %reshape3A {strides = array<i32>} : memref<16x128xf32, #tpu.memory_space<vmem>>, vector<16x128xf32>,
    return
  }
  func.func @transform_0(%arg0: i32) -> (i32, i32) {
    %c0_i32 = arith.constant 0 : i32
    %c0_i32_0 = arith.constant 0 : i32
    return %arg0, %c0_i32 : i32, i32
  }
  func.func @transform_1(%arg0: i32) -> (i32, i32) {
    %c0_i32 = arith.constant 0 : i32
    %c0_i32_0 = arith.constant 0 : i32
    return %arg0, %c0_i32 : i32, i32
  }
}

</mosaic_0001>

<sc_bundles>
// kernel: kernel.5.cloned.1.call-start
scs
__scs_entry_jumppad:
0x0: {  	(pc) =	sbr.rel $0x88, $3  }
0x1: {  	(tag) =	ssettag $0x0;
	lr =	simm.s32 $0x1  }
0x2: {  	[smem:$0x3F9E] =	sst lr;
	_ =	strace $0xD0000000  }
0x3: {  	_ = 	snop  }
0x4: {  	_ = 	snop  }
0x5: {  	_ = 	snop  }
0x6: {  	_ = 	snop  }
0x7: {  	_ = 	snop  }
__scs_overlays_trampoline_lowered:
0x8: {  	[smem:$0x3FAD] =	sst s0  }
0x9: {  	[smem:$0x3FAE] =	sst s1  }
0xa: {  	[smem:$0x3FAF] =	sst s2  }
0xb: {  	[smem:$0x3FB0] =	sst s3  }
0xc: {  	[smem:$0x3FB1] =	sst s4  }
0xd: {  	[smem:$0x3FB2] =	sst s5  }
0xe: {  	[smem:$0x3FB3] =	sst s6  }
0xf: {  	[smem:$0x3FB4] =	sst s7  }
0x10: {  	[smem:$0x3FB5] =	sst s8  }
0x11: {  	[smem:$0x3FB6] =	sst s9;
	s0 =	simm.s32 @!p0 $0x0  }
0x12: {  	s1 =	sld [smem:$0x3F9C];
	s0 =	simm.s32 @p0 $0x1  }
0x13: {  	[smem:$0x3FB7] =	sst s0;
	s0 =	simm.s32 @!p1 $0x0  }
0x14: {  	s2 =	sld [smem:$0x3F9B];
	s0 =	simm.s32 @p1 $0x1  }
0x15: {  	[smem:$0x3FB8] =	sst s0;
	s0 =	simm.s32 @!p2 $0x0  }
0x16: {  	s3 =	sld [smem:$0x3FDB];
	s0 =	simm.s32 @p2 $0x1  }
0x17: {  	s4 =	simm.s32 $0x1BF5;
	[smem:$0x3FBA] =	sst s0  }
0x18: {  	s0 =	sld [smem:$0x3F9D];
	_ =	swait.ge [sflag:s4], $0x0  }
0x19: {  	s7 =	sld [smem:$0x3F9E]  }
0x1a: {  	s8 =	sadd.s32 $0xFFFFE003, lr  }
0x1b: {  	s9 =	sadd.s32 $0xFFFFFEF7, lr;
	s5 =	simm.s32 $0xFFFFFFFF;
	p2 =	slt.u32 s8, $0xFFFFF086  }
0x1c: {  	p1 =	slt.u32 s9, $0xF7A;
	s5 =	simm.s32 @!p2 $0x0  }
0x1d: {  	s5 =	simm.s32 @p1 $0x1;
	p0 =	seq.s32 s7, s2  }
0x1e: {  	s7 =	smul.u32 @!p0 $0xF7A, s2;
	p2 =	seq.s32 @!p0 s5, $0x0  }
0x1f: {  	s9 =	smul.u32 $0xF7A, s1;
	s8 =	simm.s32 @!p0 $0x1BF5;
	p2 =	por !p2, p0  }
0x20: {  	[sflag:s8] =	ssyncset.s32 @!p0 $0xFFFFF086;
	s6 =	sadd.s32 @!p0 s3, s7;
	s7 =	simm.s32 @!p0 $0x108  }
0x21: {  	s3 =	sadd.s32 s3, s9;
	s6 =	sadd.s32 @!p0 $0x88, s6;
	s7 =	simm.s32 @p2 $0x1082  }
0x22: {  	[simem:s7], [sflag:s8] =	dma.local @!p0 [hbm:s6], $0xF7A  }
0x23: {  	s9 =	sor.u32 $0xD0000000, s2;
	s6 =	simm.s32 $0x108;
	_ =	swait.ge @!p0 [sflag:s8], $0x0  }
0x24: {  	s3 =	sadd.s32 $0x88, s3;
	s6 =	simm.s32 @!p1 $0x1082;
	[sflag:s4] =	ssyncset.s32 $0xFFFFF086  }
0x25: {  	[simem:s6], [sflag:s4] =	dma.local [hbm:s3], $0xF7A  }
0x26: {  	[smem:$0x3F9E] =	sst s1;
	(tag) =	ssettag s2;
	_ =	strace s9  }
0x27: {  	s1 =	sld [smem:$0x3FAE]  }
0x28: {  	s2 =	sld [smem:$0x3FAF]  }
0x29: {  	s4 =	sld [smem:$0x3FB1]  }
0x2a: {  	p0 =	seq.s32 s5, $0x0;
	s5 =	sld [smem:$0x3FB2]  }
0x2b: {  	s6 =	sld [smem:$0x3FB3]  }
0x2c: {  	s7 =	sld [smem:$0x3FB4]  }
0x2d: {  	s3 =	simm.s32 $0x108;
	s8 =	sld [smem:$0x3FB5]  }
0x2e: {  	s3 =	simm.s32 @!p0 $0x1082;
	s9 =	sld [smem:$0x3FB6]  }
0x2f: {  	lr =	sadd.s32 s0, s3;
	s0 =	sld [smem:$0x3FAD]  }
0x30: {  	s3 =	sld [smem:$0x3FB0]  }
0x31: {  	[smem:$0x3FB9] =	sst s10  }
0x32: {  	s10 =	sld [smem:$0x3FB7];
	_ =	sdelay $0x3  }
0x33: {  	p0 =	seq.s32 s10, $0x1;
	s10 =	sld [smem:$0x3FB9];
	_ =	sdelay $0x3  }
0x34: {  	[smem:$0x3FB9] =	sst s10  }
0x35: {  	s10 =	sld [smem:$0x3FB8];
	_ =	sdelay $0x3  }
0x36: {  	p1 =	seq.s32 s10, $0x1;
	s10 =	sld [smem:$0x3FB9];
	_ =	sdelay $0x3  }
0x37: {  	[smem:$0x3FB9] =	sst s10  }
0x38: {  	s10 =	sld [smem:$0x3FBA]  }
0x39: {  	_ = 	snop;
	(pc) =	sbr.ind lr, $3  }
0x3a: {  	_ = 	snop  }
0x3b: {  	_ = 	snop  }
0x3c: {  	p2 =	seq.s32 s10, $0x1;
	s10 =	sld [smem:$0x3FB9]  }
0x3d: {  	_ =	shalt  }
0x3e: {  	_ =	shalt  }
0x3f: {  	_ =	shalt  }
0x40: {  	_ =	shalt  }
0x41: {  	_ =	shalt  }
0x42: {  	_ =	shalt  }
0x43: {  	_ =	shalt  }
0x44: {  	_ =	shalt  }
0x45: {  	_ =	shalt  }
0x46: {  	_ =	shalt  }
0x47: {  	_ =	shalt  }
0x48: {  	_ =	shalt  }
0x49: {  	_ =	shalt  }
0x4a: {  	_ =	shalt  }
0x4b: {  	_ =	shalt  }
0x4c: {  	_ =	shalt  }
0x4d: {  	_ =	shalt  }
0x4e: {  	_ =	shalt  }
0x4f: {  	_ =	shalt  }
0x50: {  	_ =	shalt  }
0x51: {  	_ =	shalt  }
0x52: {  	_ =	shalt  }
0x53: {  	_ =	shalt  }
0x54: {  	_ =	shalt  }
0x55: {  	_ =	shalt  }
0x56: {  	_ =	shalt  }
0x57: {  	_ =	shalt  }
0x58: {  	_ =	shalt  }
0x59: {  	_ =	shalt  }
0x5a: {  	_ =	shalt  }
0x5b: {  	_ =	shalt  }
0x5c: {  	_ =	shalt  }
0x5d: {  	_ =	shalt  }
0x5e: {  	_ =	shalt  }
0x5f: {  	_ =	shalt  }
0x60: {  	_ =	shalt  }
0x61: {  	_ =	shalt  }
0x62: {  	_ =	shalt  }
0x63: {  	_ =	shalt  }
0x64: {  	_ =	shalt  }
0x65: {  	_ =	shalt  }
0x66: {  	_ =	shalt  }
0x67: {  	_ =	shalt  }
0x68: {  	_ =	shalt  }
0x69: {  	_ =	shalt  }
0x6a: {  	_ =	shalt  }
0x6b: {  	_ =	shalt  }
0x6c: {  	_ =	shalt  }
0x6d: {  	_ =	shalt  }
0x6e: {  	_ =	shalt  }
0x6f: {  	_ =	shalt  }
0x70: {  	_ =	shalt  }
0x71: {  	_ =	shalt  }
0x72: {  	_ =	shalt  }
0x73: {  	_ =	shalt  }
0x74: {  	_ =	shalt  }
0x75: {  	_ =	shalt  }
0x76: {  	_ =	shalt  }
0x77: {  	_ =	shalt  }
0x78: {  	_ =	shalt  }
0x79: {  	_ =	shalt  }
0x7a: {  	_ =	shalt  }
0x7b: {  	_ =	shalt  }
0x7c: {  	_ =	shalt  }
0x7d: {  	_ =	shalt  }
0x7e: {  	_ =	shalt  }
0x7f: {  	_ =	shalt  }
0x80: {  	_ =	shalt  }
0x81: {  	_ =	shalt  }
0x82: {  	_ =	shalt  }
0x83: {  	_ =	shalt  }
0x84: {  	_ =	shalt  }
0x85: {  	_ =	shalt  }
0x86: {  	_ =	shalt  }
0x87: {  	_ =	shalt  }
.Lfunc_end0:
.L_simem_size_0:
called_computation_lowered:
.L_overlay_start_0:
0x88: {  	s2 =	sld [smem:$0x3FD9]  }
0x89: {  	s3 =	sld [smem:$0x3FFE];
	_ =	sdelay $0x1  }
0x8a: {  	s1 =	srdreg.scid  }
0x8b: {  	s0 =	sand.u32 $0x1, s1  }
0x8c: {  	s17 =	sshll.u32 s0, $0xA;
	s2 =	sadd.s32 s3, s2  }
0x8d: {  	s2 =	sadd.s32 s2, s17  }
0x8e: {  	[smem:$0x3FC5] =	sst s2  }
0x8f: {  	_ = 	snop  }
0x90: {  	s2 =	sld [smem:$0x3FC8]  }
0x91: {  	s18 =	sld [smem:$0x3FC7]  }
0x92: {  	s4 =	sld [smem:$0x3FD0];
	(tm) =	ssettm $0x1  }
0x93: {  	s5 =	sld [smem:$0x3FFB];
	_ =	sdelay $0x3  }
0x94: {  	_ =	strace s5  }
0x95: {  	s5 =	sld [smem:$0x3FFC];
	_ =	sdelay $0x3  }
0x96: {  	_ =	strace s5  }
0x97: {  	s5 =	sld [smem:$0x3FFD];
	_ =	sdelay $0x3  }
0x98: {  	_ =	strace s5  }
0x99: {  	_ =	strace $0x8FFFFFFF  }
0x9a: {  	s19 =	sld [smem:$0x3FDB];
	_ =	sdelay $0x1  }
0x9b: {  	s6 =	simm.s32 $_scs_section_size  }
0x9c: {  	s7 =	simm.s32 $_size__tile_overlayer_lowered;
	s8 =	simm.s32 $_tile_overlayer_lowered  }
0x9d: {  	s22 =	simm.s32 $0x1BFF;
	s21 =	sshll.u32 s8, $0x1;
	s5 =	sadd.s32 s6, s19  }
0x9e: {  	s9 =	simm.s32 $0x0;
	s20 =	sshll.u32 s7, $0x1;
	s7 =	sadd.s32 s21, s5  }
0x9f: {  	[timem:s9], [sflag:s22] =	dma.local [hbm:s7], s20  }
0xa0: {  	_ =	swait.ge [sflag:s22], s20  }
0xa1: {  	s6 =	ssub.s32 $0x0, s20;
	[sflag:s22] =	ssyncset.done $0x0  }
0xa2: {  	[sflag:s22] =	ssyncadd.s32 s6;
	_ =	sdelay $0x1  }
0xa3: {  	s23 =	simm.s32 $0x1B8B  }
0xa4: {  	_ =	swait.ge [sflag:s23], $0x1  }
0xa5: {  	[sflag:s23] =	ssyncset.done $0x0  }
0xa6: {  	s25 =	simm.s32 $0x1B8E;
	s24 =	sld [smem:$0x3FFE];
	[sflag:s23] =	ssyncadd.s32 $0xFFFFFFFF  }
0xa7: {  	s26 =	simm.s32 $execute0_lowered;
	[smem:$0x3FD2] =	sst s25  }
0xa8: {  	s7 =	sshll.u32 s26, $0x1;
	_ =	strace $0x80000046;
	[dreg:$0x1] =	wrdreg $0xFFFFFFFF  }
0xa9: {  	s28 =	simm.s32 $_size_execute0_lowered;
	s5 =	sadd.s32 s5, s7;
	[dreg:$0x0] =	wrdreg $0x0  }
0xaa: {  	s7 =	sshll.u32 s28, $0x1;
	[dreg:$0x2] =	wrdreg s5  }
0xab: {  	[dreg:$0x3] =	wrdreg s7  }
0xac: {  	[dreg:$0x4] =	wrdreg $0xC0  }
0xad: {  	_ =	task [dreg:s9], $0x5FFFF  }
0xae: {  	[dreg:$0x1] =	wrdreg $0xFFFFFFFF  }
0xaf: {  	[dreg:$0x0] =	wrdreg $0x60  }
0xb0: {  	[dreg:$0x2] =	wrdreg s4  }
0xb1: {  	[dreg:$0x3] =	wrdreg s2  }
0xb2: {  	[dreg:$0x4] =	wrdreg s18  }
0xb3: {  	[dreg:$0x5] =	wrdreg s24  }
0xb4: {  	[dreg:$0x6] =	wrdreg $0xC9000  }
0xb5: {  	[dreg:$0x7] =	wrdreg $0xCB800  }
0xb6: {  	[dreg:$0x8] =	wrdreg $0x9  }
0xb7: {  	_ =	task.clear_ibuf [dreg:s9], $0x9FFFF;
	_ =	strace $0x90000046  }
0xb8: {  	s29 =	simm.s32 $0x9;
	_ =	strace $0x80000048  }
0xb9: {  	_ =	swait.ge [sflag:s29], $0x1  }
0xba: {  	[sflag:s29] =	ssyncadd.s32 $0xFFFFFFFF  }
0xbb: {  	_ =	strace $0x90000048  }
0xbc: {  	_ =	sfence  }
0xbd: {  	s30 =	sld [smem:$0x0];
	_ =	sdelay $0x2  }
0xbe: {  	s31 =	sshll.u32 s1, $0xD;
	s1 =	sshrl.u32 s1, $0x2  }
0xbf: {  	s3 =	sand.u32 $0x4000, s31;
	s1 =	sadd.s32 s1, s30  }
0xc0: {  	s0 =	sor.u32 s3, s0;
	s1 =	sshll.u32 s1, $0x11  }
0xc1: {  	s0 =	sor.u32 s1, s0  }
0xc2: {  	s0 =	sadd.s32 $0x8F2B, s0  }
0xc3: {  	[sflag:s0] =	ssyncadd.remote.s32 $0x1  }
0xc4: {  	_ =	sfence.sel $0xFFFF  }
0xc5: {  	[dreg:$0x0] =	wrdreg $0xFFFFFFFF;
	(pc) =	sbr.abs _section_cstart, $3  }
0xc6: {  	[dreg:$0x1] =	wrdreg $0xFFFFFFFF  }
0xc7: {  	_ =	task.clear_ibuf [dreg:s9], $0x2FFFF;
	_ =	strace $0x9FFFFFFF  }
0xc8: {  	(tm) =	ssettm $0x7FFFFFFF  }
0xc9: {  	_ =	shalt  }
tec
execute0_lowered:
.L_overlay_start_1:
0x0: {  	(tag) =	ssettag $0x1  }
0x1: {  	s0 =	rddreg [dreg:$0x1]  }
0x2: {  	s1 =	rddreg [dreg:$0x2]  }
0x3: {  	s2 =	rddreg [dreg:$0x3]  }
0x4: {  	s3 =	rddreg [dreg:$0x4]  }
0x5: {  	s4 =	rddreg [dreg:$0x5]  }
0x6: {  	s6 =	srdreg.scid;
	s22 =	stileid.u32;
	s5 =	simm.s32 $0x0  }
0x7: {  	s30 =	simm.s32 $0x3;
	s31 =	simm.s32 $0x1;
	s28 =	simm.s32 $0x0  }
0x8: {  	s6 =	sand.u32 $0x1, s6;
	s7 =	sshll.u32 s22, $0x1;
	[smem:$0x7FF] =	sst s5  }
0x9: {  	s16 =	sadd.s32 $0x1600, s2;
	s17 =	sadd.s32 $0x1C00, s2;
	s19 =	smul.u32 $0x280, s22  }
0xa: {  	s18 =	sadd.s32 $0x2200, s2;
	s2 =	sadd.s32 $0x2800, s2;
	s23 =	smul.u32 $0x13800, s22  }
0xb: {  	s26 =	smul.u32 $0x9C, s22;
	s7 =	sor.u32 s6, s7;
	_ =	strace $0x80000047  }
0xc: {  	s9 =	ssub.s32 $0x2, s6;
	p0 =	seq.s32 s6, $0x1;
	s24 =	smul.u32 $0x9C00, s6  }
0xd: {  	s8 =	smul.u32 $0x4E, s7;
	s7 =	smin.u32 s7, $0x4;
	s10 =	sshrl.u32 s9, $0x1  }
0xe: {  	s16 =	smov.u32 @p0 s17;
	s25 =	sshrl.u32 s19, $0x3;
	s17 =	smul.u32 $0x4E, s6  }
0xf: {  	s18 =	smov.u32 @p0 s2;
	s6 =	smul.u32 $0x13800, s6;
	p0 =	sgt.u32 s22, $0x1  }
0x10: {  	s21 =	ssub.s32 s9, s10;
	s9 =	sadd.s32 s19, s4;
	s16 =	sadd.s32 s16, s25  }
0x11: {  	s29 =	sadd.s32 s18, s25;
	s18 =	sadd.s32 s26, s7;
	[dreg:$0x9] =	wrdreg s16  }
0x12: {  	s8 =	sadd.s32 s7, s8;
	[dreg:$0xa] =	wrdreg s29;
	s26 =	smax.u32 s21, $0x1  }
0x13: {  	s11 =	smin.u32 s8, $0x975;
	[dreg:$0xc] =	wrdreg s26;
	s26 =	simm.s32 $0x2  }
0x14: {  	s12 =	sshll.u32 s11, $0x5;
	s13 =	ssub.s32 s8, s11;
	s14 =	sshll.u32 s11, $0x4  }
0x15: {  	s8 =	sadd.s32 s19, s3;
	s19 =	smul.u32 $0x27000, s22;
	s0 =	sadd.s32 s0, s12  }
0x16: {  	s15 =	sadd.s32 $0x4E, s13;
	[dreg:$0x7] =	wrdreg s0;
	s0 =	sadd.s32 s1, s14  }
0x17: {  	s20 =	sshll.u32 s15, $0xA;
	s10 =	sshll.u32 s15, $0x7;
	s1 =	sadd.s32 s17, s18  }
0x18: {  	s2 =	sadd.s32 s6, s19;
	[dreg:$0x8] =	wrdreg s0;
	s11 =	sshra.s32 s20, $0x2  }
0x19: {  	s12 =	sor.u32 $0x10, s10;
	s13 =	sor.u32 $0x20, s10;
	s14 =	sor.u32 $0x30, s10  }
0x1a: {  	s20 =	sshll.u32 s7, $0x9;
	s16 =	smin.u32 s1, $0x975;
	s7 =	sshll.u32 s7, $0xA  }
0x1b: {  	s0 =	sadd.s32 s24, s23;
	s2 =	sadd.s32 s7, s2;
	s24 =	sshll.u32 s16, $0xA  }
0x1c: {  	s15 =	sor.u32 $0x40, s10;
	s18 =	sor.u32 $0x50, s10;
	s2 =	ssub.s32 s2, s24  }
0x1d: {  	s19 =	sor.u32 $0x60, s10;
	s0 =	sadd.s32 s20, s0;
	s2 =	sshra.s32 s2, $0x2  }
0x1e: {  	s23 =	sshll.u32 s16, $0x9;
	s1 =	ssub.s32 s1, s16;
	s24 =	sadd.s32 $0x2800, s2  }
0x1f: {  	s25 =	sadd.s32 $0x9E80, s10;
	s0 =	ssub.s32 s0, s23;
	s1 =	sshll.u32 s1, $0x9;
	v3 =	vmov s24  }
0x20: {  	s20 =	sor.u32 $0x70, s10;
	s0 =	sshra.s32 s0, $0x2;
	s29 =	sshra.s32 s1, $0x2  }
0x21: {  	v1 =	vimm.f32 $1.000000000e+00;
	[dreg:$0xb] =	wrdreg s25;
	s23 =	sadd.s32 $0x9E80, s0;
	s0 =	sadd.s32 $0x7700, s29  }
0x22: {  	v2 =	vimm.f32 $0.0e+00;
	s25 =	sadd.s32 $0x2880, s11;
	s1 =	simm.s32 $0xC600;
	v0 =	vmov s0;
	s0 =	simm.s32 $0x80;
	v4 =	vmov s23  }
.LBB2_1:
0x23: {  	s2 =	rddreg [dreg:$0x0]  }
0x24: {  	[tilespmem:s5], [sflag:$0x1] =	stream.linear.gather [hbm4b:s2+s5], $0x2800, $0x38;
	[tilespmem:$0xCE00] =	vst v63  }
0x25: {  	s17 =	rddreg [dreg:$0x7];
	s6 =	simm.s32 $0x2800  }
0x26: {  	[tilespmem:s6], [sflag:$0x1] =	stream.linear.gather [hbm4b:s17+s5], $0x4F00, $0x38;
	[tilespmem:$0xCE00] =	vst v63  }
0x27: {  	s21 =	rddreg [dreg:$0x8];
	s22 =	simm.s32 $0x7700  }
0x28: {  	[tilespmem:s22], [sflag:$0x1] =	stream.linear.gather [hbm4b:s21+s5], $0x2780, $0x38;
	[tilespmem:$0xCE00] =	vst v63  }
0x29: {  	[tilespmem:$0xC600] =	vst v1  }
0x2a: {  	[tilespmem:$0xC610] =	vst v1  }
0x2b: {  	[tilespmem:$0xC620] =	vst v1  }
0x2c: {  	[tilespmem:$0xC630] =	vst v1  }
0x2d: {  	[tilespmem:$0xC640] =	vst v1  }
0x2e: {  	[tilespmem:$0xC650] =	vst v1  }
0x2f: {  	[tilespmem:$0xC660] =	vst v1  }
0x30: {  	[tilespmem:$0xC670] =	vst v1  }
0x31: {  	[tilespmem:$0xC680] =	vst v2  }
0x32: {  	[tilespmem:$0xC690] =	vst v2  }
0x33: {  	[tilespmem:$0xC6A0] =	vst v2  }
0x34: {  	[tilespmem:$0xC6B0] =	vst v2  }
0x35: {  	[tilespmem:$0xC6C0] =	vst v2  }
0x36: {  	[tilespmem:$0xC6D0] =	vst v2  }
0x37: {  	[tilespmem:$0xC6E0] =	vst v2  }
0x38: {  	[tilespmem:$0xC6F0] =	vst v2  }
0x39: {  	[tilespmem:$0xC700] =	vst v2  }
0x3a: {  	[tilespmem:$0xC710] =	vst v2  }
0x3b: {  	[tilespmem:$0xC720] =	vst v2  }
0x3c: {  	[tilespmem:$0xC730] =	vst v2  }
0x3d: {  	[tilespmem:$0xC740] =	vst v2  }
0x3e: {  	[tilespmem:$0xC750] =	vst v2  }
0x3f: {  	[tilespmem:$0xC760] =	vst v2  }
0x40: {  	[tilespmem:$0xC770] =	vst v2  }
0x41: {  	[tilespmem:$0xC780] =	vst v2  }
0x42: {  	[tilespmem:$0xC790] =	vst v2  }
0x43: {  	[tilespmem:$0xC7A0] =	vst v2  }
0x44: {  	[tilespmem:$0xC7B0] =	vst v2  }
0x45: {  	[tilespmem:$0xC7C0] =	vst v2  }
0x46: {  	[tilespmem:$0xC7D0] =	vst v2  }
0x47: {  	[tilespmem:$0xC7E0] =	vst v2  }
0x48: {  	[tilespmem:$0xC7F0] =	vst v2  }
0x49: {  	[tilespmem:$0xC800] =	vst v2  }
0x4a: {  	[tilespmem:$0xC810] =	vst v2  }
0x4b: {  	[tilespmem:$0xC820] =	vst v2  }
0x4c: {  	[tilespmem:$0xC830] =	vst v2  }
0x4d: {  	[tilespmem:$0xC840] =	vst v2  }
0x4e: {  	[tilespmem:$0xC850] =	vst v2  }
0x4f: {  	[tilespmem:$0xC860] =	vst v2  }
0x50: {  	[tilespmem:$0xC870] =	vst v2  }
0x51: {  	[tilespmem:$0xC880] =	vst v2  }
0x52: {  	[tilespmem:$0xC890] =	vst v2  }
0x53: {  	[tilespmem:$0xC8A0] =	vst v2  }
0x54: {  	[tilespmem:$0xC8B0] =	vst v2  }
0x55: {  	[tilespmem:$0xC8C0] =	vst v2  }
0x56: {  	[tilespmem:$0xC8D0] =	vst v2  }
0x57: {  	[tilespmem:$0xC8E0] =	vst v2  }
0x58: {  	s29 =	simm.s32 $0xC680;
	[tilespmem:$0xC8F0] =	vst v2  }
0x59: {  	[spmem:s8] =	stream.linear.scatter [tilespmem:s29], [sflag:$0x3], $0x280, $0x38;
	[tilespmem:$0xCE00] =	vst v63  }
0x5a: {  	_ =	swait.ge [sflag:s30], $0x280  }
0x5b: {  	[sflag:s30] =	ssyncset.done $0x0  }
0x5c: {  	[sflag:s30] =	ssyncadd.s32 $0xFFFFFD80  }
0x5d: {  	[spmem:s9] =	stream.linear.scatter [tilespmem:s29], [sflag:$0x3], $0x280, $0x38;
	[tilespmem:$0xCE00] =	vst v63  }
0x5e: {  	_ =	swait.ge [sflag:s30], $0x280  }
0x5f: {  	[sflag:s30] =	ssyncset.done $0x0  }
0x60: {  	[sflag:s30] =	ssyncadd.s32 $0xFFFFFD80  }
0x61: {  	_ =	swait.ge [sflag:s31], $0x2800  }
0x62: {  	[sflag:s31] =	ssyncset.done $0x0  }
0x63: {  	[sflag:s31] =	ssyncadd.s32 $0xFFFFD800  }
0x64: {  	_ =	swait.ge [sflag:s31], $0x4F00  }
0x65: {  	[sflag:s31] =	ssyncset.done $0x0  }
0x66: {  	[sflag:s31] =	ssyncadd.s32 $0xFFFFB100  }
0x67: {  	_ =	swait.ge [sflag:s31], $0x2780  }
0x68: {  	[sflag:s31] =	ssyncset.done $0x0  }
0x69: {  	[sflag:s31] =	ssyncadd.s32 $0xFFFFD880  }
0x6a: {  	s2 =	simm.s32 $0x0;
	s6 =	simm.s32 $0x0;
	[bflag:$0x0] =	sbarrier.arrive $0xFFFF  }
.LBB2_2:
0x6b: {  	s16 =	sshra.s32 s6, $0x2  }
0x6c: {  	v5 =	vld.idx.msk [tilespmem:v3+s16+$0x0 ss:$0x1], $0xffff  }
0x6d: {  	v6 =	vld.idx.msk [tilespmem:v3+s16+$0x10 ss:$0x1], $0xffff  }
0x6e: {  	v7 =	vld.idx.msk [tilespmem:v3+s16+$0x20 ss:$0x1], $0xffff  }
0x6f: {  	v8 =	vld.idx.msk [tilespmem:v3+s16+$0x30 ss:$0x1], $0xffff  }
0x70: {  	v9 =	vld.idx.msk [tilespmem:v3+s16+$0x40 ss:$0x1], $0xffff  }
0x71: {  	v10 =	vld.idx.msk [tilespmem:v3+s16+$0x50 ss:$0x1], $0xffff  }
0x72: {  	v11 =	vld.idx.msk [tilespmem:v3+s16+$0x60 ss:$0x1], $0xffff  }
0x73: {  	s7 =	sshra.s32 s2, $0x2;
	v12 =	vld.idx.msk [tilespmem:v3+s16+$0x70 ss:$0x1], $0xffff  }
0x74: {  	v13 =	vld.idx.msk [tilespmem:v0+s7+$0x0 ss:$0x1], $0xffff  }
0x75: {  	v14 =	vld.idx.msk [tilespmem:v0+s7+$0x10 ss:$0x1], $0xffff  }
0x76: {  	v15 =	vld.idx.msk [tilespmem:v0+s7+$0x20 ss:$0x1], $0xffff  }
0x77: {  	v16 =	vld.idx.msk [tilespmem:v0+s7+$0x30 ss:$0x1], $0xffff  }
0x78: {  	v17 =	vld.idx.msk [tilespmem:v0+s7+$0x40 ss:$0x1], $0xffff  }
0x79: {  	v18 =	vld.idx.msk [tilespmem:v0+s7+$0x50 ss:$0x1], $0xffff  }
0x7a: {  	v19 =	vld.idx.msk [tilespmem:v0+s7+$0x60 ss:$0x1], $0xffff  }
0x7b: {  	v41 =	vld.idx.msk [tilespmem:v0+s7+$0x70 ss:$0x1], $0xffff  }
0x7c: {  	v5 =	vld.idx.msk [tilespmem:v5+s5+$0x0], $0xffff  }
0x7d: {  	v6 =	vld.idx.msk [tilespmem:v6+s5+$0x0], $0xffff  }
0x7e: {  	v7 =	vld.idx.msk [tilespmem:v7+s5+$0x0], $0xffff  }
0x7f: {  	v8 =	vld.idx.msk [tilespmem:v8+s5+$0x0], $0xffff  }
0x80: {  	v9 =	vld.idx.msk [tilespmem:v9+s5+$0x0], $0xffff  }
0x81: {  	v10 =	vld.idx.msk [tilespmem:v10+s5+$0x0], $0xffff;
	v5 =	vmul.f32 v13, v5  }
0x82: {  	v11 =	vld.idx.msk [tilespmem:v11+s5+$0x0], $0xffff;
	v6 =	vmul.f32 v14, v6  }
0x83: {  	v12 =	vld.idx.msk [tilespmem:v12+s5+$0x0], $0xffff;
	[tilespmem:v4+s7+$0x0 ss:$0x1] =	vst.idx.msk $0xffff, v5;
	v5 =	vmul.f32 v15, v7  }
0x84: {  	[tilespmem:v4+s7+$0x10 ss:$0x1] =	vst.idx.msk $0xffff, v6;
	v6 =	vmul.f32 v16, v8  }
0x85: {  	[tilespmem:v4+s7+$0x20 ss:$0x1] =	vst.idx.msk $0xffff, v5;
	v5 =	vmul.f32 v17, v9  }
0x86: {  	[tilespmem:v4+s7+$0x30 ss:$0x1] =	vst.idx.msk $0xffff, v6;
	v6 =	vmul.f32 v18, v10  }
0x87: {  	[tilespmem:v4+s7+$0x40 ss:$0x1] =	vst.idx.msk $0xffff, v5;
	v5 =	vmul.f32 v19, v11  }
0x88: {  	[tilespmem:v4+s7+$0x50 ss:$0x1] =	vst.idx.msk $0xffff, v6;
	v6 =	vmul.f32 v41, v12  }
0x89: {  	s17 =	sadd.s32 s16, s24;
	[tilespmem:v4+s7+$0x60 ss:$0x1] =	vst.idx.msk $0xffff, v5  }
0x8a: {  	s21 =	sadd.s32 s7, s23;
	s22 =	sadd.s32 $0x80, s17;
	[tilespmem:v4+s7+$0x70 ss:$0x1] =	vst.idx.msk $0xffff, v6  }
0x8b: {  	[spmem:s3] =	stream.indirect.scatter.add.f32 [tilespmem:s21], [sflag:$0x2], $0x1, s22, s0, $0xb8;
	[tilespmem:$0xCE00] =	vst v63  }
0x8c: {  	_ = 	snop  }
0x8d: {  	[spmem:s4] =	stream.indirect.scatter.add.f32 [tilespmem:s1], [sflag:$0x2], $0x1, s22, s0, $0xb8;
	[tilespmem:$0xCE00] =	vst v63  }
0x8e: {  	v5 =	vld.idx.msk [tilespmem:v3+s16+$0x100 ss:$0x1], $0xffff  }
0x8f: {  	v6 =	vld.idx.msk [tilespmem:v3+s16+$0x110 ss:$0x1], $0xffff  }
0x90: {  	v7 =	vld.idx.msk [tilespmem:v3+s16+$0x120 ss:$0x1], $0xffff  }
0x91: {  	v42 =	vld.idx.msk [tilespmem:v3+s16+$0x130 ss:$0x1], $0xffff  }
0x92: {  	v43 =	vld.idx.msk [tilespmem:v3+s16+$0x140 ss:$0x1], $0xffff  }
0x93: {  	v44 =	vld.idx.msk [tilespmem:v3+s16+$0x150 ss:$0x1], $0xffff  }
0x94: {  	v45 =	vld.idx.msk [tilespmem:v3+s16+$0x160 ss:$0x1], $0xffff  }
0x95: {  	v46 =	vld.idx.msk [tilespmem:v3+s16+$0x170 ss:$0x1], $0xffff  }
0x96: {  	v47 =	vld.idx.msk [tilespmem:v0+s7+$0x80 ss:$0x1], $0xffff  }
0x97: {  	v48 =	vld.idx.msk [tilespmem:v0+s7+$0x90 ss:$0x1], $0xffff  }
0x98: {  	v49 =	vld.idx.msk [tilespmem:v0+s7+$0xA0 ss:$0x1], $0xffff  }
0x99: {  	v50 =	vld.idx.msk [tilespmem:v0+s7+$0xB0 ss:$0x1], $0xffff  }
0x9a: {  	v51 =	vld.idx.msk [tilespmem:v0+s7+$0xC0 ss:$0x1], $0xffff  }
0x9b: {  	v52 =	vld.idx.msk [tilespmem:v0+s7+$0xD0 ss:$0x1], $0xffff  }
0x9c: {  	v53 =	vld.idx.msk [tilespmem:v0+s7+$0xE0 ss:$0x1], $0xffff  }
0x9d: {  	v54 =	vld.idx.msk [tilespmem:v0+s7+$0xF0 ss:$0x1], $0xffff  }
0x9e: {  	v5 =	vld.idx.msk [tilespmem:v5+s5+$0x0], $0xffff  }
0x9f: {  	v6 =	vld.idx.msk [tilespmem:v6+s5+$0x0], $0xffff  }
0xa0: {  	v7 =	vld.idx.msk [tilespmem:v7+s5+$0x0], $0xffff  }
0xa1: {  	v8 =	vld.idx.msk [tilespmem:v42+s5+$0x0], $0xffff  }
0xa2: {  	v9 =	vld.idx.msk [tilespmem:v43+s5+$0x0], $0xffff  }
0xa3: {  	v10 =	vld.idx.msk [tilespmem:v44+s5+$0x0], $0xffff;
	v5 =	vmul.f32 v47, v5  }
0xa4: {  	v11 =	vld.idx.msk [tilespmem:v45+s5+$0x0], $0xffff;
	v6 =	vmul.f32 v48, v6  }
0xa5: {  	v12 =	vld.idx.msk [tilespmem:v46+s5+$0x0], $0xffff;
	[tilespmem:v4+s7+$0x80 ss:$0x1] =	vst.idx.msk $0xffff, v5;
	v5 =	vmul.f32 v49, v7  }
0xa6: {  	[tilespmem:v4+s7+$0x90 ss:$0x1] =	vst.idx.msk $0xffff, v6;
	v6 =	vmul.f32 v50, v8  }
0xa7: {  	[tilespmem:v4+s7+$0xA0 ss:$0x1] =	vst.idx.msk $0xffff, v5;
	v5 =	vmul.f32 v51, v9  }
0xa8: {  	[tilespmem:v4+s7+$0xB0 ss:$0x1] =	vst.idx.msk $0xffff, v6;
	v6 =	vmul.f32 v52, v10  }
0xa9: {  	[tilespmem:v4+s7+$0xC0 ss:$0x1] =	vst.idx.msk $0xffff, v5;
	v5 =	vmul.f32 v53, v11  }
0xaa: {  	[tilespmem:v4+s7+$0xD0 ss:$0x1] =	vst.idx.msk $0xffff, v6;
	v6 =	vmul.f32 v54, v12  }
0xab: {  	[tilespmem:v4+s7+$0xE0 ss:$0x1] =	vst.idx.msk $0xffff, v5  }
0xac: {  	s29 =	sadd.s32 $0x180, s17;
	s22 =	sadd.s32 $0x80, s21;
	[tilespmem:v4+s7+$0xF0 ss:$0x1] =	vst.idx.msk $0xffff, v6  }
0xad: {  	[spmem:s3] =	stream.indirect.scatter.add.f32 [tilespmem:s22], [sflag:$0x2], $0x1, s29, s0, $0xb8;
	[tilespmem:$0xCE00] =	vst v63  }
0xae: {  	_ = 	snop  }
0xaf: {  	[spmem:s4] =	stream.indirect.scatter.add.f32 [tilespmem:s1], [sflag:$0x2], $0x1, s29, s0, $0xb8;
	[tilespmem:$0xCE00] =	vst v63  }
0xb0: {  	v5 =	vld.idx.msk [tilespmem:v3+s16+$0x200 ss:$0x1], $0xffff  }
0xb1: {  	v6 =	vld.idx.msk [tilespmem:v3+s16+$0x210 ss:$0x1], $0xffff  }
0xb2: {  	v7 =	vld.idx.msk [tilespmem:v3+s16+$0x220 ss:$0x1], $0xffff  }
0xb3: {  	v55 =	vld.idx.msk [tilespmem:v3+s16+$0x230 ss:$0x1], $0xffff  }
0xb4: {  	v56 =	vld.idx.msk [tilespmem:v3+s16+$0x240 ss:$0x1], $0xffff  }
0xb5: {  	v57 =	vld.idx.msk [tilespmem:v3+s16+$0x250 ss:$0x1], $0xffff  }
0xb6: {  	v58 =	vld.idx.msk [tilespmem:v3+s16+$0x260 ss:$0x1], $0xffff  }
0xb7: {  	v59 =	vld.idx.msk [tilespmem:v3+s16+$0x270 ss:$0x1], $0xffff  }
0xb8: {  	v60 =	vld.idx.msk [tilespmem:v0+s7+$0x100 ss:$0x1], $0xffff  }
0xb9: {  	v61 =	vld.idx.msk [tilespmem:v0+s7+$0x110 ss:$0x1], $0xffff  }
0xba: {  	v62 =	vld.idx.msk [tilespmem:v0+s7+$0x120 ss:$0x1], $0xffff  }
0xbb: {  	v63 =	vld.idx.msk [tilespmem:v0+s7+$0x130 ss:$0x1], $0xffff  }
0xbc: {  	v21 =	vld.idx.msk [tilespmem:v0+s7+$0x140 ss:$0x1], $0xffff  }
0xbd: {  	v22 =	vld.idx.msk [tilespmem:v0+s7+$0x150 ss:$0x1], $0xffff  }
0xbe: {  	v23 =	vld.idx.msk [tilespmem:v0+s7+$0x160 ss:$0x1], $0xffff  }
0xbf: {  	v24 =	vld.idx.msk [tilespmem:v0+s7+$0x170 ss:$0x1], $0xffff  }
0xc0: {  	v5 =	vld.idx.msk [tilespmem:v5+s5+$0x0], $0xffff  }
0xc1: {  	v6 =	vld.idx.msk [tilespmem:v6+s5+$0x0], $0xffff  }
0xc2: {  	v7 =	vld.idx.msk [tilespmem:v7+s5+$0x0], $0xffff  }
0xc3: {  	v8 =	vld.idx.msk [tilespmem:v55+s5+$0x0], $0xffff  }
0xc4: {  	v9 =	vld.idx.msk [tilespmem:v56+s5+$0x0], $0xffff  }
0xc5: {  	v10 =	vld.idx.msk [tilespmem:v57+s5+$0x0], $0xffff;
	v5 =	vmul.f32 v60, v5  }
0xc6: {  	v11 =	vld.idx.msk [tilespmem:v58+s5+$0x0], $0xffff;
	v6 =	vmul.f32 v61, v6  }
0xc7: {  	v12 =	vld.idx.msk [tilespmem:v59+s5+$0x0], $0xffff;
	[tilespmem:v4+s7+$0x100 ss:$0x1] =	vst.idx.msk $0xffff, v5;
	v5 =	vmul.f32 v62, v7  }
0xc8: {  	[tilespmem:v4+s7+$0x110 ss:$0x1] =	vst.idx.msk $0xffff, v6;
	v6 =	vmul.f32 v63, v8  }
0xc9: {  	[tilespmem:v4+s7+$0x120 ss:$0x1] =	vst.idx.msk $0xffff, v5;
	v5 =	vmul.f32 v21, v9  }
0xca: {  	[tilespmem:v4+s7+$0x130 ss:$0x1] =	vst.idx.msk $0xffff, v6;
	v6 =	vmul.f32 v22, v10  }
0xcb: {  	[tilespmem:v4+s7+$0x140 ss:$0x1] =	vst.idx.msk $0xffff, v5;
	v5 =	vmul.f32 v23, v11  }
0xcc: {  	[tilespmem:v4+s7+$0x150 ss:$0x1] =	vst.idx.msk $0xffff, v6;
	v6 =	vmul.f32 v24, v12  }
0xcd: {  	[tilespmem:v4+s7+$0x160 ss:$0x1] =	vst.idx.msk $0xffff, v5  }
0xce: {  	s22 =	sadd.s32 $0x100, s21;
	s29 =	sadd.s32 $0x280, s17;
	[tilespmem:v4+s7+$0x170 ss:$0x1] =	vst.idx.msk $0xffff, v6  }
0xcf: {  	[spmem:s3] =	stream.indirect.scatter.add.f32 [tilespmem:s22], [sflag:$0x2], $0x1, s29, s0, $0xb8;
	[tilespmem:$0xCE00] =	vst v63  }
0xd0: {  	_ = 	snop  }
0xd1: {  	[spmem:s4] =	stream.indirect.scatter.add.f32 [tilespmem:s1], [sflag:$0x2], $0x1, s29, s0, $0xb8;
	[tilespmem:$0xCE00] =	vst v63  }
0xd2: {  	v5 =	vld.idx.msk [tilespmem:v3+s16+$0x300 ss:$0x1], $0xffff  }
0xd3: {  	v6 =	vld.idx.msk [tilespmem:v3+s16+$0x310 ss:$0x1], $0xffff  }
0xd4: {  	v7 =	vld.idx.msk [tilespmem:v3+s16+$0x320 ss:$0x1], $0xffff  }
0xd5: {  	v25 =	vld.idx.msk [tilespmem:v3+s16+$0x330 ss:$0x1], $0xffff  }
0xd6: {  	v26 =	vld.idx.msk [tilespmem:v3+s16+$0x340 ss:$0x1], $0xffff  }
0xd7: {  	v27 =	vld.idx.msk [tilespmem:v3+s16+$0x350 ss:$0x1], $0xffff  }
0xd8: {  	v28 =	vld.idx.msk [tilespmem:v3+s16+$0x360 ss:$0x1], $0xffff  }
0xd9: {  	v29 =	vld.idx.msk [tilespmem:v3+s16+$0x370 ss:$0x1], $0xffff  }
0xda: {  	v30 =	vld.idx.msk [tilespmem:v0+s7+$0x180 ss:$0x1], $0xffff  }
0xdb: {  	v31 =	vld.idx.msk [tilespmem:v0+s7+$0x190 ss:$0x1], $0xffff  }
0xdc: {  	v32 =	vld.idx.msk [tilespmem:v0+s7+$0x1A0 ss:$0x1], $0xffff  }
0xdd: {  	v33 =	vld.idx.msk [tilespmem:v0+s7+$0x1B0 ss:$0x1], $0xffff  }
0xde: {  	v34 =	vld.idx.msk [tilespmem:v0+s7+$0x1C0 ss:$0x1], $0xffff  }
0xdf: {  	v35 =	vld.idx.msk [tilespmem:v0+s7+$0x1D0 ss:$0x1], $0xffff  }
0xe0: {  	v36 =	vld.idx.msk [tilespmem:v0+s7+$0x1E0 ss:$0x1], $0xffff  }
0xe1: {  	v37 =	vld.idx.msk [tilespmem:v0+s7+$0x1F0 ss:$0x1], $0xffff  }
0xe2: {  	v5 =	vld.idx.msk [tilespmem:v5+s5+$0x0], $0xffff  }
0xe3: {  	v6 =	vld.idx.msk [tilespmem:v6+s5+$0x0], $0xffff  }
0xe4: {  	v7 =	vld.idx.msk [tilespmem:v7+s5+$0x0], $0xffff  }
0xe5: {  	v8 =	vld.idx.msk [tilespmem:v25+s5+$0x0], $0xffff  }
0xe6: {  	v9 =	vld.idx.msk [tilespmem:v26+s5+$0x0], $0xffff  }
0xe7: {  	v10 =	vld.idx.msk [tilespmem:v27+s5+$0x0], $0xffff;
	v5 =	vmul.f32 v30, v5  }
0xe8: {  	v11 =	vld.idx.msk [tilespmem:v28+s5+$0x0], $0xffff;
	v6 =	vmul.f32 v31, v6  }
0xe9: {  	v12 =	vld.idx.msk [tilespmem:v29+s5+$0x0], $0xffff;
	[tilespmem:v4+s7+$0x180 ss:$0x1] =	vst.idx.msk $0xffff, v5;
	v5 =	vmul.f32 v32, v7  }
0xea: {  	[tilespmem:v4+s7+$0x190 ss:$0x1] =	vst.idx.msk $0xffff, v6;
	v6 =	vmul.f32 v33, v8  }
0xeb: {  	[tilespmem:v4+s7+$0x1A0 ss:$0x1] =	vst.idx.msk $0xffff, v5;
	v5 =	vmul.f32 v34, v9  }
0xec: {  	[tilespmem:v4+s7+$0x1B0 ss:$0x1] =	vst.idx.msk $0xffff, v6;
	v6 =	vmul.f32 v35, v10  }
0xed: {  	[tilespmem:v4+s7+$0x1C0 ss:$0x1] =	vst.idx.msk $0xffff, v5;
	v5 =	vmul.f32 v36, v11  }
0xee: {  	[tilespmem:v4+s7+$0x1D0 ss:$0x1] =	vst.idx.msk $0xffff, v6;
	v6 =	vmul.f32 v37, v12  }
0xef: {  	[tilespmem:v4+s7+$0x1E0 ss:$0x1] =	vst.idx.msk $0xffff, v5  }
0xf0: {  	s22 =	sadd.s32 $0x180, s21;
	s29 =	sadd.s32 $0x380, s17;
	[tilespmem:v4+s7+$0x1F0 ss:$0x1] =	vst.idx.msk $0xffff, v6  }
0xf1: {  	[spmem:s3] =	stream.indirect.scatter.add.f32 [tilespmem:s22], [sflag:$0x2], $0x1, s29, s0, $0xb8;
	[tilespmem:$0xCE00] =	vst v63  }
0xf2: {  	_ = 	snop  }
0xf3: {  	[spmem:s4] =	stream.indirect.scatter.add.f32 [tilespmem:s1], [sflag:$0x2], $0x1, s29, s0, $0xb8;
	[tilespmem:$0xCE00] =	vst v63  }
0xf4: {  	v5 =	vld.idx.msk [tilespmem:v3+s16+$0x400 ss:$0x1], $0xffff  }
0xf5: {  	v6 =	vld.idx.msk [tilespmem:v3+s16+$0x410 ss:$0x1], $0xffff  }
0xf6: {  	v7 =	vld.idx.msk [tilespmem:v3+s16+$0x420 ss:$0x1], $0xffff  }
0xf7: {  	v38 =	vld.idx.msk [tilespmem:v3+s16+$0x430 ss:$0x1], $0xffff  }
0xf8: {  	v39 =	vld.idx.msk [tilespmem:v3+s16+$0x440 ss:$0x1], $0xffff  }
0xf9: {  	v40 =	vld.idx.msk [tilespmem:v3+s16+$0x450 ss:$0x1], $0xffff  }
0xfa: {  	v41 =	vld.idx.msk [tilespmem:v3+s16+$0x460 ss:$0x1], $0xffff  }
0xfb: {  	v42 =	vld.idx.msk [tilespmem:v3+s16+$0x470 ss:$0x1], $0xffff  }
0xfc: {  	v43 =	vld.idx.msk [tilespmem:v0+s7+$0x200 ss:$0x1], $0xffff  }
0xfd: {  	v44 =	vld.idx.msk [tilespmem:v0+s7+$0x210 ss:$0x1], $0xffff  }
0xfe: {  	v45 =	vld.idx.msk [tilespmem:v0+s7+$0x220 ss:$0x1], $0xffff  }
0xff: {  	v46 =	vld.idx.msk [tilespmem:v0+s7+$0x230 ss:$0x1], $0xffff  }
0x100: {  	v47 =	vld.idx.msk [tilespmem:v0+s7+$0x240 ss:$0x1], $0xffff  }
0x101: {  	v48 =	vld.idx.msk [tilespmem:v0+s7+$0x250 ss:$0x1], $0xffff  }
0x102: {  	v49 =	vld.idx.msk [tilespmem:v0+s7+$0x260 ss:$0x1], $0xffff  }
0x103: {  	v50 =	vld.idx.msk [tilespmem:v0+s7+$0x270 ss:$0x1], $0xffff  }
0x104: {  	v5 =	vld.idx.msk [tilespmem:v5+s5+$0x0], $0xffff  }
0x105: {  	v6 =	vld.idx.msk [tilespmem:v6+s5+$0x0], $0xffff  }
0x106: {  	v7 =	vld.idx.msk [tilespmem:v7+s5+$0x0], $0xffff  }
0x107: {  	v8 =	vld.idx.msk [tilespmem:v38+s5+$0x0], $0xffff  }
0x108: {  	v9 =	vld.idx.msk [tilespmem:v39+s5+$0x0], $0xffff  }
0x109: {  	v10 =	vld.idx.msk [tilespmem:v40+s5+$0x0], $0xffff;
	v5 =	vmul.f32 v43, v5  }
0x10a: {  	v11 =	vld.idx.msk [tilespmem:v41+s5+$0x0], $0xffff;
	v6 =	vmul.f32 v44, v6  }
0x10b: {  	v12 =	vld.idx.msk [tilespmem:v42+s5+$0x0], $0xffff;
	[tilespmem:v4+s7+$0x200 ss:$0x1] =	vst.idx.msk $0xffff, v5;
	v5 =	vmul.f32 v45, v7  }
0x10c: {  	[tilespmem:v4+s7+$0x210 ss:$0x1] =	vst.idx.msk $0xffff, v6;
	v6 =	vmul.f32 v46, v8  }
0x10d: {  	[tilespmem:v4+s7+$0x220 ss:$0x1] =	vst.idx.msk $0xffff, v5;
	v5 =	vmul.f32 v47, v9  }
0x10e: {  	[tilespmem:v4+s7+$0x230 ss:$0x1] =	vst.idx.msk $0xffff, v6;
	v6 =	vmul.f32 v48, v10  }
0x10f: {  	[tilespmem:v4+s7+$0x240 ss:$0x1] =	vst.idx.msk $0xffff, v5;
	v5 =	vmul.f32 v49, v11  }
0x110: {  	[tilespmem:v4+s7+$0x250 ss:$0x1] =	vst.idx.msk $0xffff, v6;
	v6 =	vmul.f32 v50, v12  }
0x111: {  	[tilespmem:v4+s7+$0x260 ss:$0x1] =	vst.idx.msk $0xffff, v5  }
0x112: {  	s22 =	sadd.s32 $0x200, s21;
	s29 =	sadd.s32 $0x480, s17;
	[tilespmem:v4+s7+$0x270 ss:$0x1] =	vst.idx.msk $0xffff, v6  }
0x113: {  	[spmem:s3] =	stream.indirect.scatter.add.f32 [tilespmem:s22], [sflag:$0x2], $0x1, s29, s0, $0xb8;
	[tilespmem:$0xCE00] =	vst v63  }
0x114: {  	_ = 	snop  }
0x115: {  	[spmem:s4] =	stream.indirect.scatter.add.f32 [tilespmem:s1], [sflag:$0x2], $0x1, s29, s0, $0xb8;
	[tilespmem:$0xCE00] =	vst v63  }
0x116: {  	v5 =	vld.idx.msk [tilespmem:v3+s16+$0x500 ss:$0x1], $0xffff  }
0x117: {  	v6 =	vld.idx.msk [tilespmem:v3+s16+$0x510 ss:$0x1], $0xffff  }
0x118: {  	v7 =	vld.idx.msk [tilespmem:v3+s16+$0x520 ss:$0x1], $0xffff  }
0x119: {  	v51 =	vld.idx.msk [tilespmem:v3+s16+$0x530 ss:$0x1], $0xffff  }
0x11a: {  	v52 =	vld.idx.msk [tilespmem:v3+s16+$0x540 ss:$0x1], $0xffff  }
0x11b: {  	v53 =	vld.idx.msk [tilespmem:v3+s16+$0x550 ss:$0x1], $0xffff  }
0x11c: {  	v54 =	vld.idx.msk [tilespmem:v3+s16+$0x560 ss:$0x1], $0xffff  }
0x11d: {  	v55 =	vld.idx.msk [tilespmem:v3+s16+$0x570 ss:$0x1], $0xffff  }
0x11e: {  	v56 =	vld.idx.msk [tilespmem:v0+s7+$0x280 ss:$0x1], $0xffff  }
0x11f: {  	v57 =	vld.idx.msk [tilespmem:v0+s7+$0x290 ss:$0x1], $0xffff  }
0x120: {  	v58 =	vld.idx.msk [tilespmem:v0+s7+$0x2A0 ss:$0x1], $0xffff  }
0x121: {  	v59 =	vld.idx.msk [tilespmem:v0+s7+$0x2B0 ss:$0x1], $0xffff  }
0x122: {  	v60 =	vld.idx.msk [tilespmem:v0+s7+$0x2C0 ss:$0x1], $0xffff  }
0x123: {  	v61 =	vld.idx.msk [tilespmem:v0+s7+$0x2D0 ss:$0x1], $0xffff  }
0x124: {  	v62 =	vld.idx.msk [tilespmem:v0+s7+$0x2E0 ss:$0x1], $0xffff  }
0x125: {  	v63 =	vld.idx.msk [tilespmem:v0+s7+$0x2F0 ss:$0x1], $0xffff  }
0x126: {  	v5 =	vld.idx.msk [tilespmem:v5+s5+$0x0], $0xffff  }
0x127: {  	v6 =	vld.idx.msk [tilespmem:v6+s5+$0x0], $0xffff  }
0x128: {  	v7 =	vld.idx.msk [tilespmem:v7+s5+$0x0], $0xffff  }
0x129: {  	v8 =	vld.idx.msk [tilespmem:v51+s5+$0x0], $0xffff  }
0x12a: {  	v9 =	vld.idx.msk [tilespmem:v52+s5+$0x0], $0xffff  }
0x12b: {  	v10 =	vld.idx.msk [tilespmem:v53+s5+$0x0], $0xffff;
	v5 =	vmul.f32 v56, v5  }
0x12c: {  	v11 =	vld.idx.msk [tilespmem:v54+s5+$0x0], $0xffff;
	v6 =	vmul.f32 v57, v6  }
0x12d: {  	v12 =	vld.idx.msk [tilespmem:v55+s5+$0x0], $0xffff;
	[tilespmem:v4+s7+$0x280 ss:$0x1] =	vst.idx.msk $0xffff, v5;
	v5 =	vmul.f32 v58, v7  }
0x12e: {  	[tilespmem:v4+s7+$0x290 ss:$0x1] =	vst.idx.msk $0xffff, v6;
	v6 =	vmul.f32 v59, v8  }
0x12f: {  	[tilespmem:v4+s7+$0x2A0 ss:$0x1] =	vst.idx.msk $0xffff, v5;
	v5 =	vmul.f32 v60, v9  }
0x130: {  	[tilespmem:v4+s7+$0x2B0 ss:$0x1] =	vst.idx.msk $0xffff, v6;
	v6 =	vmul.f32 v61, v10  }
0x131: {  	[tilespmem:v4+s7+$0x2C0 ss:$0x1] =	vst.idx.msk $0xffff, v5;
	v5 =	vmul.f32 v62, v11  }
0x132: {  	[tilespmem:v4+s7+$0x2D0 ss:$0x1] =	vst.idx.msk $0xffff, v6;
	v6 =	vmul.f32 v63, v12  }
0x133: {  	[tilespmem:v4+s7+$0x2E0 ss:$0x1] =	vst.idx.msk $0xffff, v5  }
0x134: {  	p1 =	seq.s32 s6, $0x0;
	s22 =	sadd.s32 $0x280, s21;
	s29 =	sadd.s32 $0x580, s17;
	[tilespmem:v4+s7+$0x2F0 ss:$0x1] =	vst.idx.msk $0xffff, v6  }
0x135: {  	[spmem:s3] =	stream.indirect.scatter.add.f32 [tilespmem:s22], [sflag:$0x2], $0x1, s29, s0, $0xb8;
	[tilespmem:$0xCE00] =	vst v63  }
0x136: {  	s7 =	simm.s32 @!p1 $0x2  }
0x137: {  	[spmem:s4] =	stream.indirect.scatter.add.f32 [tilespmem:s1], [sflag:$0x2], $0x1, s29, s0, $0xb8;
	[tilespmem:$0xCE00] =	vst v63  }
0x138: {  	_ =	swait.ge @!p1 [sflag:s7], $0x80  }
0x139: {  	[sflag:s7] =	ssyncset.done @!p1 $0x0  }
0x13a: {  	[sflag:s7] =	ssyncadd.s32 @!p1 $0xFFFFFF80  }
0x13b: {  	_ =	swait.ge @!p1 [sflag:s7], $0x80  }
0x13c: {  	[sflag:s7] =	ssyncset.done @!p1 $0x0  }
0x13d: {  	[sflag:s7] =	ssyncadd.s32 @!p1 $0xFFFFFF80  }
0x13e: {  	_ =	swait.ge @!p1 [sflag:s7], $0x80  }
0x13f: {  	[sflag:s7] =	ssyncset.done @!p1 $0x0  }
0x140: {  	[sflag:s7] =	ssyncadd.s32 @!p1 $0xFFFFFF80  }
0x141: {  	_ =	swait.ge @!p1 [sflag:s7], $0x80  }
0x142: {  	[sflag:s7] =	ssyncset.done @!p1 $0x0  }
0x143: {  	[sflag:s7] =	ssyncadd.s32 @!p1 $0xFFFFFF80  }
0x144: {  	_ =	swait.ge @!p1 [sflag:s7], $0x80  }
0x145: {  	[sflag:s7] =	ssyncset.done @!p1 $0x0  }
0x146: {  	[sflag:s7] =	ssyncadd.s32 @!p1 $0xFFFFFF80  }
0x147: {  	_ =	swait.ge @!p1 [sflag:s7], $0x80  }
0x148: {  	[sflag:s7] =	ssyncset.done @!p1 $0x0  }
0x149: {  	[sflag:s7] =	ssyncadd.s32 @!p1 $0xFFFFFF80  }
0x14a: {  	_ =	swait.ge @!p1 [sflag:s7], $0x80  }
0x14b: {  	[sflag:s7] =	ssyncset.done @!p1 $0x0  }
0x14c: {  	[sflag:s7] =	ssyncadd.s32 @!p1 $0xFFFFFF80  }
0x14d: {  	_ =	swait.ge @!p1 [sflag:s7], $0x80  }
0x14e: {  	[sflag:s7] =	ssyncset.done @!p1 $0x0  }
0x14f: {  	[sflag:s7] =	ssyncadd.s32 @!p1 $0xFFFFFF80  }
0x150: {  	_ =	swait.ge @!p1 [sflag:s7], $0x80  }
0x151: {  	[sflag:s7] =	ssyncset.done @!p1 $0x0  }
0x152: {  	[sflag:s7] =	ssyncadd.s32 @!p1 $0xFFFFFF80  }
0x153: {  	_ =	swait.ge @!p1 [sflag:s7], $0x80  }
0x154: {  	[sflag:s7] =	ssyncset.done @!p1 $0x0  }
0x155: {  	s6 =	sadd.s32 $0x1800, s6;
	[sflag:s7] =	ssyncadd.s32 @!p1 $0xFFFFFF80  }
0x156: {  	p2 =	sne.s32 s6, $0x13800;
	_ =	swait.ge @!p1 [sflag:s7], $0x80  }
.Ltmp0:
0x157: {  	[sflag:s7] =	ssyncset.done @!p1 $0x0;
	(pc) =	sbr.rel @p2 .LBB2_2-.Ltmp0, $4  }
0x158: {  	[sflag:s7] =	ssyncadd.s32 @!p1 $0xFFFFFF80  }
0x159: {  	_ =	swait.ge @!p1 [sflag:s7], $0x80  }
0x15a: {  	[sflag:s7] =	ssyncset.done @!p1 $0x0  }
0x15b: {  	s2 =	sadd.s32 $0xC00, s2;
	[sflag:s7] =	ssyncadd.s32 @!p1 $0xFFFFFF80  }
0x15c: {  	_ =	swait.ge [sflag:s26], $0x80  }
0x15d: {  	[sflag:s26] =	ssyncset.done $0x0  }
0x15e: {  	[sflag:s26] =	ssyncadd.s32 $0xFFFFFF80  }
0x15f: {  	_ =	swait.ge [sflag:s26], $0x80  }
0x160: {  	[sflag:s26] =	ssyncset.done $0x0  }
0x161: {  	[sflag:s26] =	ssyncadd.s32 $0xFFFFFF80  }
0x162: {  	_ =	swait.ge [sflag:s26], $0x80  }
0x163: {  	[sflag:s26] =	ssyncset.done $0x0  }
0x164: {  	[sflag:s26] =	ssyncadd.s32 $0xFFFFFF80  }
0x165: {  	_ =	swait.ge [sflag:s26], $0x80  }
0x166: {  	[sflag:s26] =	ssyncset.done $0x0  }
0x167: {  	[sflag:s26] =	ssyncadd.s32 $0xFFFFFF80  }
0x168: {  	_ =	swait.ge [sflag:s26], $0x80  }
0x169: {  	[sflag:s26] =	ssyncset.done $0x0  }
0x16a: {  	[sflag:s26] =	ssyncadd.s32 $0xFFFFFF80  }
0x16b: {  	_ =	swait.ge [sflag:s26], $0x80  }
0x16c: {  	[sflag:s26] =	ssyncset.done $0x0  }
0x16d: {  	[sflag:s26] =	ssyncadd.s32 $0xFFFFFF80  }
0x16e: {  	_ =	swait.ge [sflag:s26], $0x80  }
0x16f: {  	[sflag:s26] =	ssyncset.done $0x0  }
0x170: {  	[sflag:s26] =	ssyncadd.s32 $0xFFFFFF80  }
0x171: {  	_ =	swait.ge [sflag:s26], $0x80  }
0x172: {  	[sflag:s26] =	ssyncset.done $0x0  }
0x173: {  	[sflag:s26] =	ssyncadd.s32 $0xFFFFFF80  }
0x174: {  	_ =	swait.ge [sflag:s26], $0x80  }
0x175: {  	[sflag:s26] =	ssyncset.done $0x0  }
0x176: {  	[sflag:s26] =	ssyncadd.s32 $0xFFFFFF80  }
0x177: {  	_ =	swait.ge [sflag:s26], $0x80  }
0x178: {  	[sflag:s26] =	ssyncset.done $0x0  }
0x179: {  	[sflag:s26] =	ssyncadd.s32 $0xFFFFFF80  }
0x17a: {  	_ =	swait.ge [sflag:s26], $0x80  }
0x17b: {  	[sflag:s26] =	ssyncset.done $0x0  }
0x17c: {  	[sflag:s26] =	ssyncadd.s32 $0xFFFFFF80  }
0x17d: {  	_ =	swait.ge [sflag:s26], $0x80  }
0x17e: {  	[sflag:s26] =	ssyncset.done $0x0  }
0x17f: {  	[sflag:s26] =	ssyncadd.s32 $0xFFFFFF80  }
0x180: {  	v5 =	vld @!p0 [tilespmem:s11+$0x2800]  }
0x181: {  	v6 =	vld @!p0 [tilespmem:s11+$0x2810]  }
0x182: {  	v7 =	vld @!p0 [tilespmem:s11+$0x2820]  }
0x183: {  	v8 =	vld @!p0 [tilespmem:s11+$0x2830]  }
0x184: {  	v9 =	vld @!p0 [tilespmem:s11+$0x2840]  }
0x185: {  	v10 =	vld @!p0 [tilespmem:s11+$0x2850]  }
0x186: {  	v11 =	vld @!p0 [tilespmem:s11+$0x2860]  }
0x187: {  	v12 =	vld @!p0 [tilespmem:s11+$0x2870]  }
0x188: {  	v13 =	vld @!p0 [tilespmem:s10+$0x7700]  }
0x189: {  	v14 =	vld @!p0 [tilespmem:s12+$0x7700]  }
0x18a: {  	v15 =	vld @!p0 [tilespmem:s13+$0x7700]  }
0x18b: {  	v16 =	vld @!p0 [tilespmem:s14+$0x7700]  }
0x18c: {  	v17 =	vld @!p0 [tilespmem:s15+$0x7700]  }
0x18d: {  	v18 =	vld @!p0 [tilespmem:s18+$0x7700]  }
0x18e: {  	s2 =	simm.s32 @!p0 $0x0;
	v19 =	vld @!p0 [tilespmem:s19+$0x7700]  }
0x18f: {  	v5 =	vld.idx.msk @!p0 [tilespmem:v5+s2+$0x0], $0xffff  }
0x190: {  	v6 =	vld.idx.msk @!p0 [tilespmem:v6+s2+$0x0], $0xffff  }
0x191: {  	v7 =	vld.idx.msk @!p0 [tilespmem:v7+s2+$0x0], $0xffff  }
0x192: {  	v8 =	vld.idx.msk @!p0 [tilespmem:v8+s2+$0x0], $0xffff  }
0x193: {  	v9 =	vld.idx.msk @!p0 [tilespmem:v9+s2+$0x0], $0xffff  }
0x194: {  	v10 =	vld.idx.msk @!p0 [tilespmem:v10+s2+$0x0], $0xffff  }
0x195: {  	v11 =	vld.idx.msk @!p0 [tilespmem:v11+s2+$0x0], $0xffff;
	v5 =	vmul.f32 @!p0 v13, v5  }
0x196: {  	v12 =	vld.idx.msk @!p0 [tilespmem:v12+s2+$0x0], $0xffff;
	v6 =	vmul.f32 @!p0 v14, v6  }
0x197: {  	v13 =	vld @!p0 [tilespmem:s20+$0x7700];
	[tilespmem:s10+$0x9E80] =	vst @!p0 v5;
	v5 =	vmul.f32 @!p0 v15, v7  }
0x198: {  	[tilespmem:s12+$0x9E80] =	vst @!p0 v6;
	v6 =	vmul.f32 @!p0 v16, v8  }
0x199: {  	[tilespmem:s13+$0x9E80] =	vst @!p0 v5;
	v5 =	vmul.f32 @!p0 v17, v9  }
0x19a: {  	[tilespmem:s14+$0x9E80] =	vst @!p0 v6;
	v6 =	vmul.f32 @!p0 v18, v10  }
0x19b: {  	[tilespmem:s15+$0x9E80] =	vst @!p0 v5;
	v5 =	vmul.f32 @!p0 v19, v11  }
0x19c: {  	[tilespmem:s18+$0x9E80] =	vst @!p0 v6;
	v6 =	vmul.f32 @!p0 v13, v12  }
0x19d: {  	[tilespmem:s19+$0x9E80] =	vst @!p0 v5  }
0x19e: {  	s6 =	rddreg [dreg:$0xb];
	s2 =	simm.s32 @!p0 $0x80;
	[tilespmem:s20+$0x9E80] =	vst @!p0 v6  }
0x19f: {  	[spmem:s3] =	stream.indirect.scatter.add.f32 @!p0 [tilespmem:s6], [sflag:$0x2], $0x1, s25, s2, $0xb8;
	[tilespmem:$0xCE00] =	vst v63  }
0x1a0: {  	s6 =	simm.s32 @!p0 $0xC600  }
0x1a1: {  	[spmem:s4] =	stream.indirect.scatter.add.f32 @!p0 [tilespmem:s6], [sflag:$0x2], $0x1, s25, s2, $0xb8;
	[tilespmem:$0xCE00] =	vst v63  }
0x1a2: {  	s2 =	simm.s32 @!p0 $0x2  }
0x1a3: {  	_ =	swait.ge @!p0 [sflag:s2], $0x80  }
0x1a4: {  	[sflag:s2] =	ssyncset.done @!p0 $0x0  }
0x1a5: {  	[sflag:s2] =	ssyncadd.s32 @!p0 $0xFFFFFF80  }
0x1a6: {  	_ =	swait.ge @!p0 [sflag:s2], $0x80  }
0x1a7: {  	[sflag:s2] =	ssyncset.done @!p0 $0x0  }
0x1a8: {  	s17 =	stileid.u32;
	[sflag:s2] =	ssyncadd.s32 @!p0 $0xFFFFFF80  }
0x1a9: {  	s2 =	sshll.u32 s17, $0x6;
	[bflag:$0x0] =	sbarrier.arrive $0xFFFF  }
0x1aa: {  	s21 =	sshrl.u32 s8, $0x3;
	s2 =	sor.u32 $0x1C01, s2;
	s7 =	rddreg [dreg:$0x9]  }
0x1ab: {  	[hbm:s7], [sflag:s2] =	dma.local [spmem:s21], $0x50  }
0x1ac: {  	s22 =	sshrl.u32 s9, $0x3;
	s7 =	rddreg [dreg:$0xa]  }
0x1ad: {  	[hbm:s7], [sflag:s2] =	dma.local [spmem:s22], $0x50  }
0x1ae: {  	_ =	swait.ge [sflag:s31], $0x50  }
0x1af: {  	[sflag:s31] =	ssyncset.done $0x0  }
0x1b0: {  	[sflag:s31] =	ssyncadd.s32 $0xFFFFFFB0  }
0x1b1: {  	_ =	swait.ge [sflag:s31], $0x50  }
0x1b2: {  	s28 =	sadd.s32 $0x1, s28;
	s29 =	rddreg [dreg:$0xc]  }
0x1b3: {  	p1 =	sne.s32 s28, s29  }
.Ltmp1:
0x1b4: {  	_ = 	snop;
	(pc) =	sbr.rel @p1 .LBB2_1-.Ltmp1, $3  }
0x1b5: {  	_ =	sdelay $0x1  }
0x1b6: {  	[sflag:s31] =	ssyncset.done $0x0  }
0x1b7: {  	[sflag:s31] =	ssyncadd.s32 $0xFFFFFFB0  }
0x1b8: {  	_ =	sfence.sel $0x180000  }
0x1b9: {  	[bflag:$0x0] =	sbarrier.arrive $0xFFFF  }
0x1ba: {  	_ =	strace $0x90000047  }
0x1bb: {  	s0 =	stileid.u32;
	[bflag:$0x2] =	sbarrier.arrive $0xFFFF  }
0x1bc: {  	p0 =	sne.s32 s0, $0x0;
	s0 =	rddreg [dreg:$0x6]  }
0x1bd: {  	s0 =	sadd.s32 @!p0 $0x100000, s0  }
0x1be: {  	[sflag:s0] =	ssyncadd.tile.s32 @!p0 $0x1;
	_ =	shalt  }
.Lfunc_end2:
_tile_overlayer_lowered:
.L_overlay_start_2:
0x1bf: {  	(tag) =	ssettag $0x2  }
0x1c0: {  	s0 =	rddreg [dreg:$0x0];
	s2 =	stileid.u32  }
0x1c1: {  	s1 =	rddreg [dreg:$0x1];
	p0 =	sne.s32 s2, $0x0  }
0x1c2: {  	s3 =	rddreg [dreg:$0x2];
	[bflag:$0x3] =	sbarrier.arrive $0xFFFF;
	s2 =	simm.s32 @!p0 $0x1C03  }
0x1c3: {  	[timem:s3], [sflag:s2] =	dma.local @!p0 [hbm:s0], s1  }
0x1c4: {  	s0 =	simm.s32 @!p0 $0x3  }
0x1c5: {  	_ =	swait.ge @!p0 [sflag:s0], s1  }
0x1c6: {  	s1 =	ssub.s32 @!p0 $0x0, s1;
	[sflag:s0] =	ssyncset.done @!p0 $0x0  }
0x1c7: {  	[sflag:s0] =	ssyncadd.s32 @!p0 s1  }
0x1c8: {  	[bflag:$0x3] =	sbarrier.arrive $0xFFFF  }
0x1c9: {  	_ =	shalt  }

</sc_bundles>
